<compile_context>
chip_gen: v7x
topology: tpu7x:2x2x1
jax: 0.10.2.dev20260603
libtpu: 0.0.44.dev20260713+nightly
codegen_flags: <defaults>
</compile_context>

<pallas_src>
import functools

import jax
import jax.numpy as jnp
from jax import lax
from jax.experimental import pallas as pl
from jax.experimental.pallas import tpu as pltpu
from jax.experimental.pallas import tpu_sc as plsc

N = 10000
E = 160000
D = 128
H = 64
OUT = 32
ROW = 80
SUB = 80
NSUB = 1
CHUNK = SUB * NSUB
NW = 16
EPW = E // NW
NCHUNK = EPW // CHUNK
IDXR = EPW // SUB
RPW = N // NW

_f32 = jnp.float32



def _dot(a, b):
  return jnp.dot(a.astype(jnp.bfloat16), b.astype(jnp.bfloat16),
                 preferred_element_type=_f32)


def _dense_pair_core(xa, xb, ws_ab, as_ab, wd_ab, ad_ab,
                     ws_ba, as_ba, wd_ba, ad_ba,
                     hs_ab_ref, ss_ab_ref, sd_ab_ref,
                     hs_ba_ref, ss_ba_ref, sd_ba_ref):
  hs_ab = _dot(xa, ws_ab)
  hs_ab_ref[...] = hs_ab
  ss_ab_ref[...] = jnp.sum(hs_ab * as_ab, axis=1)
  sd_ab_ref[...] = jnp.sum(_dot(xb, wd_ab) * ad_ab, axis=1)
  hs_ba = _dot(xb, ws_ba)
  hs_ba_ref[...] = hs_ba
  ss_ba_ref[...] = jnp.sum(hs_ba * as_ba, axis=1)
  sd_ba_ref[...] = jnp.sum(_dot(xa, wd_ba) * ad_ba, axis=1)


def _dense_body(xa_ref, xb_ref,
                ws_ab_ref, as_ab_ref, wd_ab_ref, ad_ab_ref,
                ws_ba_ref, as_ba_ref, wd_ba_ref, ad_ba_ref,
                *out_refs):
  _dense_pair_core(xa_ref[...], xb_ref[...],
                   ws_ab_ref[...], as_ab_ref[...], wd_ab_ref[...],
                   ad_ab_ref[...], ws_ba_ref[...], as_ba_ref[...],
                   wd_ba_ref[...], ad_ba_ref[...], *out_refs)


_PAIR_OUT = (
    jax.ShapeDtypeStruct((N, H), _f32),
    jax.ShapeDtypeStruct((N,), _f32),
    jax.ShapeDtypeStruct((N,), _f32),
    jax.ShapeDtypeStruct((N, H), _f32),
    jax.ShapeDtypeStruct((N,), _f32),
    jax.ShapeDtypeStruct((N,), _f32),
)


def _dense_pair(xa, xb, ws_ab, aas_ab, wd_ab, ad_ab, ws_ba, aas_ba, wd_ba, ad_ba):
  return pl.pallas_call(_dense_body, out_shape=_PAIR_OUT)(
      xa, xb, ws_ab, aas_ab.reshape(1, H), wd_ab, ad_ab.reshape(1, H),
      ws_ba, aas_ba.reshape(1, H), wd_ba, ad_ba.reshape(1, H))


def _combine(u):
  return u[:, :H] / (u[:, H:H + 1] + 1e-16)


def _combine_dense_body(u_pv_ref, u_vp_ref, b_pv_ref, b_vp_ref,
                        ws_ab_ref, as_ab_ref, wd_ab_ref, ad_ab_ref,
                        ws_ba_ref, as_ba_ref, wd_ba_ref, ad_ba_ref,
                        *out_refs):
  h_v = jnp.maximum(_combine(u_pv_ref[...]) + b_pv_ref[...], 0.0)
  h_p = jnp.maximum(_combine(u_vp_ref[...]) + b_vp_ref[...], 0.0)
  _dense_pair_core(h_p, h_v,
                   ws_ab_ref[...], as_ab_ref[...], wd_ab_ref[...],
                   ad_ab_ref[...], ws_ba_ref[...], as_ba_ref[...],
                   wd_ba_ref[...], ad_ba_ref[...], *out_refs)


def _combine_dense(u_pv, u_vp, b_pv, b_vp,
                   ws_ab, aas_ab, wd_ab, ad_ab, ws_ba, aas_ba, wd_ba, ad_ba):
  return pl.pallas_call(_combine_dense_body, out_shape=_PAIR_OUT)(
      u_pv, u_vp, b_pv.reshape(1, H), b_vp.reshape(1, H),
      ws_ab, aas_ab.reshape(1, H), wd_ab, ad_ab.reshape(1, H),
      ws_ba, aas_ba.reshape(1, H), wd_ba, ad_ba.reshape(1, H))


def _final_body(u_pv_ref, u_vp_ref, b_pv_ref, b_vp_ref,
                hw_p_ref, hb_p_ref, hw_v_ref, hb_v_ref,
                out_p_ref, out_v_ref):
  h_v2 = jnp.maximum(_combine(u_pv_ref[...]) + b_pv_ref[...], 0.0)
  h_p2 = jnp.maximum(_combine(u_vp_ref[...]) + b_vp_ref[...], 0.0)
  out_p_ref[...] = _dot(h_p2, hw_p_ref[...]) + hb_p_ref[...]
  out_v_ref[...] = _dot(h_v2, hw_v_ref[...]) + hb_v_ref[...]


def _final(u_pv, u_vp, b_pv, b_vp, head_p_W, head_p_b, head_v_W, head_v_b):
  out_shape = (
      jax.ShapeDtypeStruct((N, OUT), _f32),
      jax.ShapeDtypeStruct((N, H), _f32),
  )
  return pl.pallas_call(_final_body, out_shape=out_shape)(
      u_pv, u_vp, b_pv.reshape(1, H), b_vp.reshape(1, H),
      head_p_W, head_p_b.reshape(1, OUT), head_v_W, head_v_b.reshape(1, H))



def _edge_body(src_pv, dst_pv, src_vp, dst_vp,
               ss_pv, sd_pv, ss_vp, sd_vp, hs_pv, hs_vp,
               u_pv, u_vp,
               ss_t, sd_t, src_w, dst_w, rows0, rows1, stag0, stag1, u_sp,
               sg0, sg1, sc0, sc1):
  cid = lax.axis_index("c")
  sid = lax.axis_index("s")

  def run_rel(src2d, dst2d, ss_hbm, sd_hbm, hsx_hbm, u_hbm):
    pltpu.sync_copy(ss_hbm, ss_t)
    pltpu.sync_copy(sd_hbm, sd_t)
    pltpu.sync_copy(src2d.at[pl.ds(sid * IDXR, IDXR)], src_w)
    pltpu.sync_copy(dst2d.at[pl.ds(sid * IDXR, IDXR)], dst_w)

    zero16 = jnp.zeros((16,), _f32)

    @plsc.parallel_loop(0, CHUNK, unroll=4)
    def _(r):
      for q in range(ROW // 16):
        stag0[r, pl.ds(q * 16, 16)] = zero16

    base_r = sid * RPW
    for z in range(RPW // CHUNK):
      pltpu.sync_copy(stag0, u_sp.at[pl.ds(base_r + z * CHUNK, CHUNK)])
    if RPW % CHUNK:
      pltpu.sync_copy(stag0.at[pl.ds(0, RPW % CHUNK)],
                      u_sp.at[pl.ds(base_r + (RPW // CHUNK) * CHUNK,
                                    RPW % CHUNK)])
    plsc.subcore_barrier()

    unit16 = (lax.iota(jnp.int32, 16) == 0).astype(_f32)

    def g_descs(c, buf, sem):
      return [pltpu.make_async_copy(hsx_hbm.at[src_w.at[c * NSUB + j]],
                                    buf.at[pl.ds(j * SUB, SUB)], sem)
              for j in range(NSUB)]

    def s_descs(c, buf, sem):
      return [pltpu.make_async_copy(buf.at[pl.ds(j * SUB, SUB)],
                                    u_sp.at[dst_w.at[c * NSUB + j]], sem)
              for j in range(NSUB)]

    def fire_gather(c, buf, sem):
      for j in range(NSUB):
        pltpu.async_copy(hsx_hbm.at[src_w.at[c * NSUB + j]],
                         buf.at[pl.ds(j * SUB, SUB)], sem)

    def wait_gather(c, buf, sem):
      for de in g_descs(c, buf, sem):
        de.wait()

    def fire_scatter(c, buf, sem):
      for j in range(NSUB):
        pltpu.async_copy(buf.at[pl.ds(j * SUB, SUB)],
                         u_sp.at[dst_w.at[c * NSUB + j]], sem, add=True)

    def wait_scatter(c, buf, sem):
      for de in s_descs(c, buf, sem):
        de.wait()

    def compute(c, rows, stag):
      return
      for j in range(NSUB):
        @plsc.parallel_loop(0, SUB, step=16, unroll=4)
        def _(k, j=j):
          ri = c * NSUB + j
          s16 = src_w[ri, pl.ds(k, 16)]
          d16 = dst_w[ri, pl.ds(k, 16)]
          e = plsc.load_gather(ss_t, [s16]) + plsc.load_gather(sd_t, [d16])
          e = jnp.maximum(e, e * 0.2)
          ex = jnp.exp(e)
          for t in range(16):
            r = j * SUB + k + t
            exr = ex[t]
            for q in range(H // 16):
              stag[r, pl.ds(q * 16, 16)] = rows[r, pl.ds(q * 16, 16)] * exr
            stag[r, pl.ds(H, 16)] = unit16 * exr

    fire_gather(0, rows0, sg0)

    @pl.loop(0, NCHUNK - 1, step=2)
    def _(cc):
      fire_gather(cc + 1, rows1, sg1)
      wait_gather(cc, rows0, sg0)
      @pl.when(cc > 0)
      def _():
        wait_scatter(cc - 2, stag0, sc0)
      compute(cc, rows0, stag0)
      fire_scatter(cc, stag0, sc0)
      fire_gather(cc + 2, rows0, sg0)
      wait_gather(cc + 1, rows1, sg1)
      @pl.when(cc > 0)
      def _():
        wait_scatter(cc - 1, stag1, sc1)
      compute(cc + 1, rows1, stag1)
      fire_scatter(cc + 1, stag1, sc1)

    wait_gather(NCHUNK - 1, rows0, sg0)
    wait_scatter(NCHUNK - 3, stag0, sc0)
    compute(NCHUNK - 1, rows0, stag0)
    fire_scatter(NCHUNK - 1, stag0, sc0)
    wait_scatter(NCHUNK - 2, stag1, sc1)
    wait_scatter(NCHUNK - 1, stag0, sc0)

    plsc.subcore_barrier()
    pltpu.sync_copy(u_sp.at[pl.ds(base_r, RPW)], u_hbm.at[pl.ds(base_r, RPW)])

  @pl.when(cid == 0)
  def _():
    run_rel(src_pv, dst_pv, ss_pv, sd_pv, hs_pv, u_pv)

  @pl.when(cid == 1)
  def _():
    run_rel(src_vp, dst_vp, ss_vp, sd_vp, hs_vp, u_vp)


def _edge_pass(src_pv, dst_pv, src_vp, dst_vp,
               ss_pv, sd_pv, ss_vp, sd_vp, hs_pv, hs_vp):
  mesh = plsc.VectorSubcoreMesh(core_axis_name="c", subcore_axis_name="s")
  kern = pl.kernel(
      _edge_body,
      out_type=(jax.ShapeDtypeStruct((N, ROW), _f32),
                jax.ShapeDtypeStruct((N, ROW), _f32)),
      mesh=mesh,
      compiler_params=pltpu.CompilerParams(use_tc_tiling_on_sc=False,
                                           needs_layout_passes=False),
      scratch_types=[
          pltpu.VMEM((N,), _f32),
          pltpu.VMEM((N,), _f32),
          pltpu.VMEM((IDXR, SUB), jnp.int32),
          pltpu.VMEM((IDXR, SUB), jnp.int32),
          pltpu.VMEM((CHUNK, H), _f32),
          pltpu.VMEM((CHUNK, H), _f32),
          pltpu.VMEM((CHUNK, ROW), _f32),
          pltpu.VMEM((CHUNK, ROW), _f32),
          pltpu.VMEM_SHARED((N, ROW), _f32),
          pltpu.SemaphoreType.DMA,
          pltpu.SemaphoreType.DMA,
          pltpu.SemaphoreType.DMA,
          pltpu.SemaphoreType.DMA,
      ],
  )
  return kern(src_pv, dst_pv, src_vp, dst_vp,
              ss_pv, sd_pv, ss_vp, sd_vp, hs_pv, hs_vp)



def kernel(x_patient, x_visit, edge_index_pv, edge_index_vp,
           l1_pv_Wsrc, l1_pv_Wdst, l1_pv_asrc, l1_pv_adst, l1_pv_b,
           l1_vp_Wsrc, l1_vp_Wdst, l1_vp_asrc, l1_vp_adst, l1_vp_b,
           l2_pv_Wsrc, l2_pv_Wdst, l2_pv_asrc, l2_pv_adst, l2_pv_b,
           l2_vp_Wsrc, l2_vp_Wdst, l2_vp_asrc, l2_vp_adst, l2_vp_b,
           head_p_W, head_p_b, head_v_W, head_v_b):
  src_pv = edge_index_pv[0].reshape(E // SUB, SUB)
  dst_pv = edge_index_pv[1].reshape(E // SUB, SUB)
  src_vp = edge_index_vp[0].reshape(E // SUB, SUB)
  dst_vp = edge_index_vp[1].reshape(E // SUB, SUB)

  hs1_pv, ss1_pv, sd1_pv, hs1_vp, ss1_vp, sd1_vp = _dense_pair(
      x_patient, x_visit,
      l1_pv_Wsrc, l1_pv_asrc, l1_pv_Wdst, l1_pv_adst,
      l1_vp_Wsrc, l1_vp_asrc, l1_vp_Wdst, l1_vp_adst)

  u1_pv, u1_vp = _edge_pass(
      src_pv, dst_pv, src_vp, dst_vp,
      ss1_pv, sd1_pv, ss1_vp, sd1_vp, hs1_pv, hs1_vp)

  hs2_pv, ss2_pv, sd2_pv, hs2_vp, ss2_vp, sd2_vp = _combine_dense(
      u1_pv, u1_vp, l1_pv_b, l1_vp_b,
      l2_pv_Wsrc, l2_pv_asrc, l2_pv_Wdst, l2_pv_adst,
      l2_vp_Wsrc, l2_vp_asrc, l2_vp_Wdst, l2_vp_adst)

  u2_pv, u2_vp = _edge_pass(
      src_pv, dst_pv, src_vp, dst_vp,
      ss2_pv, sd2_pv, ss2_vp, sd2_vp, hs2_pv, hs2_vp)

  out_p, out_v = _final(u2_pv, u2_vp, l2_pv_b, l2_vp_b,
                        head_p_W, head_p_b, head_v_W, head_v_b)
  return (out_p, out_v)

# --- scband reference (transcript-rebuilt; emitter-appended) ---
"""Pipeline reference for scband-hetero-gat-66846870995281 (READ-ONLY COPY).

The authoritative reference and input builder live on the scoring server;
editing this copy changes nothing except your own understanding.
"""

import jax, jax.numpy as jnp
import numpy as np

N_P = 10000
N_V = 10000
E = 160000
D = 128
H = 64
OUT = 32

def _gat(x_src, x_dst, ei, Wsrc, Wdst, asrc, adst, b, n_dst):
    hs = x_src @ Wsrc
    hd = x_dst @ Wdst
    src = ei[0]
    dst = ei[1]
    e = jax.nn.leaky_relu(jnp.take(hs @ asrc, src) + jnp.take(hd @ adst, dst), 0.2)
    m = jax.ops.segment_max(e, dst, num_segments=n_dst)
    m = jax.lax.stop_gradient(jnp.where(jnp.isfinite(m), m, 0.0))
    ex = jnp.exp(e - jnp.take(m, dst))
    den = jax.ops.segment_sum(ex, dst, num_segments=n_dst)
    alpha = ex / (jnp.take(den, dst) + 1e-16)
    msg = jnp.take(hs, src, axis=0) * alpha[:, None]
    return jax.ops.segment_sum(msg, dst, num_segments=n_dst) + b

def _fwd(ei_pv, ei_vp, x_p, x_v, p):
    l1_pv = p[0:5]
    l1_vp = p[5:10]
    l2_pv = p[10:15]
    l2_vp = p[15:20]
    heads = p[20:24]
    h_v = jax.nn.relu(_gat(x_p, x_v, ei_pv, *l1_pv, N_V))
    h_p = jax.nn.relu(_gat(x_v, x_p, ei_vp, *l1_vp, N_P))
    h_v2 = jax.nn.relu(_gat(h_p, h_v, ei_pv, *l2_pv, N_V))
    h_p2 = jax.nn.relu(_gat(h_v, h_p, ei_vp, *l2_vp, N_P))
    out_p = h_p2 @ heads[0] + heads[1]
    out_v = h_v2 @ heads[2] + heads[3]
    return (out_p, out_v)

def setup_inputs(seed: int = 0):
    key = jax.random.key(seed)
    keys = iter(jax.random.split(key, 64))
    def nrm(shape, s):
        return jax.random.normal(next(keys), shape, dtype=jnp.float32) * s
    inp = {}
    inp['x_patient'] = nrm((N_P, D), 1.0)
    inp['x_visit'] = nrm((N_V, D), 1.0)
    inp['edge_index_pv'] = jax.random.randint(next(keys), (2, E), 0, N_P, dtype=jnp.int32)
    inp['edge_index_vp'] = jax.random.randint(next(keys), (2, E), 0, N_V, dtype=jnp.int32)
    for l, din in (('l1', D), ('l2', H)):
        for rel in ('pv', 'vp'):
            inp[l + '_' + rel + '_Wsrc'] = nrm((din, H), 0.05)
            inp[l + '_' + rel + '_Wdst'] = nrm((din, H), 0.05)
            inp[l + '_' + rel + '_asrc'] = nrm((H,), 0.05)
            inp[l + '_' + rel + '_adst'] = nrm((H,), 0.05)
            inp[l + '_' + rel + '_b'] = jnp.zeros((H,), dtype=jnp.float32)
    inp['head_p_W'] = nrm((H, OUT), 0.05)
    inp['head_p_b'] = jnp.zeros((OUT,), dtype=jnp.float32)
    inp['head_v_W'] = nrm((H, H), 0.05)
    inp['head_v_b'] = jnp.zeros((H,), dtype=jnp.float32)
    return inp

def reference(x_patient, x_visit, edge_index_pv, edge_index_vp, l1_pv_Wsrc, l1_pv_Wdst, l1_pv_asrc, l1_pv_adst, l1_pv_b, l1_vp_Wsrc, l1_vp_Wdst, l1_vp_asrc, l1_vp_adst, l1_vp_b, l2_pv_Wsrc, l2_pv_Wdst, l2_pv_asrc, l2_pv_adst, l2_pv_b, l2_vp_Wsrc, l2_vp_Wdst, l2_vp_asrc, l2_vp_adst, l2_vp_b, head_p_W, head_p_b, head_v_W, head_v_b):
    p = (l1_pv_Wsrc, l1_pv_Wdst, l1_pv_asrc, l1_pv_adst, l1_pv_b, l1_vp_Wsrc, l1_vp_Wdst, l1_vp_asrc, l1_vp_adst, l1_vp_b, l2_pv_Wsrc, l2_pv_Wdst, l2_pv_asrc, l2_pv_adst, l2_pv_b, l2_vp_Wsrc, l2_vp_Wdst, l2_vp_asrc, l2_vp_adst, l2_vp_b, head_p_W, head_p_b, head_v_W, head_v_b)
    return _fwd(edge_index_pv, edge_index_vp, x_patient, x_visit, p)

if __name__ == "__main__":
    import jax
    _d = setup_inputs()
    print(jax.jit(kernel)(*tuple(_d.values())))

</pallas_src>

<mosaic_0001>
#map = affine_map<(d0, d1) -> (0, 0)>
#map1 = affine_map<(d0, d1) -> (0)>
module attributes {stable_mosaic.version = 14 : i64} {
  func.func @_edge_body(%arg0: i32, %arg1: i32, %arg2: memref<2000x80xi32, #tpu.memory_space<hbm>>, %arg3: memref<2000x80xi32, #tpu.memory_space<hbm>>, %arg4: memref<2000x80xi32, #tpu.memory_space<hbm>>, %arg5: memref<2000x80xi32, #tpu.memory_space<hbm>>, %arg6: memref<10000xf32, #tpu.memory_space<hbm>>, %arg7: memref<10000xf32, #tpu.memory_space<hbm>>, %arg8: memref<10000xf32, #tpu.memory_space<hbm>>, %arg9: memref<10000xf32, #tpu.memory_space<hbm>>, %arg10: memref<10000x64xf32, #tpu.memory_space<hbm>>, %arg11: memref<10000x64xf32, #tpu.memory_space<hbm>>, %arg12: memref<10000x80xf32, #tpu.memory_space<hbm>>, %arg13: memref<10000x80xf32, #tpu.memory_space<hbm>>, %arg14: memref<10000xf32, #tpu.memory_space<vmem>>, %arg15: memref<10000xf32, #tpu.memory_space<vmem>>, %arg16: memref<125x80xi32, #tpu.memory_space<vmem>>, %arg17: memref<125x80xi32, #tpu.memory_space<vmem>>, %arg18: memref<80x64xf32, #tpu.memory_space<vmem>>, %arg19: memref<80x64xf32, #tpu.memory_space<vmem>>, %arg20: memref<80x80xf32, #tpu.memory_space<vmem>>, %arg21: memref<80x80xf32, #tpu.memory_space<vmem>>, %arg22: memref<10000x80xf32, #tpu.memory_space<vmem_shared>>, %arg23: memref<!tpu.dma_semaphore, #tpu.memory_space<semaphore_mem>>, %arg24: memref<!tpu.dma_semaphore, #tpu.memory_space<semaphore_mem>>, %arg25: memref<!tpu.dma_semaphore, #tpu.memory_space<semaphore_mem>>, %arg26: memref<!tpu.dma_semaphore, #tpu.memory_space<semaphore_mem>>) attributes {dimension_semantics = [#tpu.dimension_semantics<core_parallel>, #tpu.dimension_semantics<subcore_parallel>], iteration_bounds = array<i64: 2, 16>, scalar_prefetch = 0 : i64, scratch_operands = 13 : i64, tpu.core_type = #tpu.core_type<sc_vector_subcore>, window_params = [{transform_indices = #map}, {transform_indices = #map}, {transform_indices = #map}, {transform_indices = #map}, {transform_indices = #map1}, {transform_indices = #map1}, {transform_indices = #map1}, {transform_indices = #map1}, {transform_indices = #map}, {transform_indices = #map}, {transform_indices = #map}, {transform_indices = #map}]} {
    %eq3A = arith.constant 0 : i32
    %eq3A_0 = arith.cmpi eq, %arg0, %eq3A : i32
    %convert_element_type3A = arith.extui %eq3A_0 : i1 to i32
    %cond3A = arith.constant 0 : i32
    %cond3A_1 = arith.cmpi ne, %convert_element_type3A, %cond3A : i32
    scf.if %cond3A_1 {
      "tpu.region"() ({
        %run_scoped3A = tpu.sem_alloc : memref<!tpu.dma_semaphore, #tpu.memory_space<semaphore_mem>>
        tpu.enqueue_dma source(%arg6 : memref<10000xf32, #tpu.memory_space<hbm>>) target(%arg14 : memref<10000xf32, #tpu.memory_space<vmem>>) target_semaphore(%run_scoped3A : memref<!tpu.dma_semaphore, #tpu.memory_space<semaphore_mem>>)
        tpu.wait_dma2 semaphore(%run_scoped3A : memref<!tpu.dma_semaphore, #tpu.memory_space<semaphore_mem>>) src(%arg6 : memref<10000xf32, #tpu.memory_space<hbm>>) dst(%arg14 : memref<10000xf32, #tpu.memory_space<vmem>>)
        tpu.yield
      }) : () -> ()
      "tpu.region"() ({
        %run_scoped3A = tpu.sem_alloc : memref<!tpu.dma_semaphore, #tpu.memory_space<semaphore_mem>>
        tpu.enqueue_dma source(%arg7 : memref<10000xf32, #tpu.memory_space<hbm>>) target(%arg15 : memref<10000xf32, #tpu.memory_space<vmem>>) target_semaphore(%run_scoped3A : memref<!tpu.dma_semaphore, #tpu.memory_space<semaphore_mem>>)
        tpu.wait_dma2 semaphore(%run_scoped3A : memref<!tpu.dma_semaphore, #tpu.memory_space<semaphore_mem>>) src(%arg7 : memref<10000xf32, #tpu.memory_space<hbm>>) dst(%arg15 : memref<10000xf32, #tpu.memory_space<vmem>>)
        tpu.yield
      }) : () -> ()
      %mul3A = arith.constant 125 : i32
      %mul3A_7 = arith.muli %arg1, %mul3A : i32
      "tpu.region"() ({
        %run_scoped3A = tpu.sem_alloc : memref<!tpu.dma_semaphore, #tpu.memory_space<semaphore_mem>>
        %dma_start3A_98 = arith.constant 0 : i32
        %dma_start3A_99 = tpu.memref_slice %arg2[%mul3A_7, %dma_start3A_98] : memref<2000x80xi32, #tpu.memory_space<hbm>> -> memref<125x80xi32, #tpu.memory_space<hbm>>
        %dma_start3A_100 = arith.constant 0 : i32
        %dma_start3A_101 = tpu.memref_slice %arg2[%mul3A_7, %dma_start3A_100] : memref<2000x80xi32, #tpu.memory_space<hbm>> -> memref<125x80xi32, #tpu.memory_space<hbm>>
        tpu.enqueue_dma source(%dma_start3A_101 : memref<125x80xi32, #tpu.memory_space<hbm>>) target(%arg16 : memref<125x80xi32, #tpu.memory_space<vmem>>) target_semaphore(%run_scoped3A : memref<!tpu.dma_semaphore, #tpu.memory_space<semaphore_mem>>)
        %dma_wait3A_102 = arith.constant 0 : i32
        %dma_wait3A_103 = tpu.memref_slice %arg2[%mul3A_7, %dma_wait3A_102] : memref<2000x80xi32, #tpu.memory_space<hbm>> -> memref<125x80xi32, #tpu.memory_space<hbm>>
        %dma_wait3A_104 = arith.constant 0 : i32
        %dma_wait3A_105 = tpu.memref_slice %arg2[%mul3A_7, %dma_wait3A_104] : memref<2000x80xi32, #tpu.memory_space<hbm>> -> memref<125x80xi32, #tpu.memory_space<hbm>>
        tpu.wait_dma2 semaphore(%run_scoped3A : memref<!tpu.dma_semaphore, #tpu.memory_space<semaphore_mem>>) src(%dma_wait3A_105 : memref<125x80xi32, #tpu.memory_space<hbm>>) dst(%arg16 : memref<125x80xi32, #tpu.memory_space<vmem>>)
        tpu.yield
      }) : () -> ()
      %mul3A_8 = arith.constant 125 : i32
      %mul3A_9 = arith.muli %arg1, %mul3A_8 : i32
      "tpu.region"() ({
        %run_scoped3A = tpu.sem_alloc : memref<!tpu.dma_semaphore, #tpu.memory_space<semaphore_mem>>
        %dma_start3A_98 = arith.constant 0 : i32
        %dma_start3A_99 = tpu.memref_slice %arg3[%mul3A_9, %dma_start3A_98] : memref<2000x80xi32, #tpu.memory_space<hbm>> -> memref<125x80xi32, #tpu.memory_space<hbm>>
        %dma_start3A_100 = arith.constant 0 : i32
        %dma_start3A_101 = tpu.memref_slice %arg3[%mul3A_9, %dma_start3A_100] : memref<2000x80xi32, #tpu.memory_space<hbm>> -> memref<125x80xi32, #tpu.memory_space<hbm>>
        tpu.enqueue_dma source(%dma_start3A_101 : memref<125x80xi32, #tpu.memory_space<hbm>>) target(%arg17 : memref<125x80xi32, #tpu.memory_space<vmem>>) target_semaphore(%run_scoped3A : memref<!tpu.dma_semaphore, #tpu.memory_space<semaphore_mem>>)
        %dma_wait3A_102 = arith.constant 0 : i32
        %dma_wait3A_103 = tpu.memref_slice %arg3[%mul3A_9, %dma_wait3A_102] : memref<2000x80xi32, #tpu.memory_space<hbm>> -> memref<125x80xi32, #tpu.memory_space<hbm>>
        %dma_wait3A_104 = arith.constant 0 : i32
        %dma_wait3A_105 = tpu.memref_slice %arg3[%mul3A_9, %dma_wait3A_104] : memref<2000x80xi32, #tpu.memory_space<hbm>> -> memref<125x80xi32, #tpu.memory_space<hbm>>
        tpu.wait_dma2 semaphore(%run_scoped3A : memref<!tpu.dma_semaphore, #tpu.memory_space<semaphore_mem>>) src(%dma_wait3A_105 : memref<125x80xi32, #tpu.memory_space<hbm>>) dst(%arg17 : memref<125x80xi32, #tpu.memory_space<vmem>>)
        tpu.yield
      }) : () -> ()
      %broadcast_in_dim3A = arith.constant 0.000000e+00 : f32
      %broadcast_in_dim3A_10 = vector.broadcast %broadcast_in_dim3A : f32 to vector<16xf32>
      %parallel_loop3A = arith.constant 0 : i32
      %parallel_loop3A_11 = arith.constant 80 : i32
      %parallel_loop3A_12 = arith.constant 1 : i32
      scf.for %parallel_loop3A_98 = %parallel_loop3A to %parallel_loop3A_11 step %parallel_loop3A_12  : i32 {
        %parallel_loop3A_99 = arith.index_cast %parallel_loop3A_98 : i32 to index
        %parallel_loop3A_100 = arith.constant 0 : index
        %parallel_loop3A_101 = tpu.vector_load %arg20[%parallel_loop3A_99, %parallel_loop3A_100] {strides = array<i32>} : memref<80x80xf32, #tpu.memory_space<vmem>>, vector<16xf32>,
        tpu.vector_store %arg20[%parallel_loop3A_99, %parallel_loop3A_100], %broadcast_in_dim3A_10 {strides = array<i32>} : memref<80x80xf32, #tpu.memory_space<vmem>>, vector<16xf32>,
        %parallel_loop3A_102 = arith.index_cast %parallel_loop3A_98 : i32 to index
        %parallel_loop3A_103 = arith.constant 16 : index
        %parallel_loop3A_104 = tpu.vector_load %arg20[%parallel_loop3A_102, %parallel_loop3A_103] {strides = array<i32>} : memref<80x80xf32, #tpu.memory_space<vmem>>, vector<16xf32>,
        tpu.vector_store %arg20[%parallel_loop3A_102, %parallel_loop3A_103], %broadcast_in_dim3A_10 {strides = array<i32>} : memref<80x80xf32, #tpu.memory_space<vmem>>, vector<16xf32>,
        %parallel_loop3A_105 = arith.index_cast %parallel_loop3A_98 : i32 to index
        %parallel_loop3A_106 = arith.constant 32 : index
        %parallel_loop3A_107 = tpu.vector_load %arg20[%parallel_loop3A_105, %parallel_loop3A_106] {strides = array<i32>} : memref<80x80xf32, #tpu.memory_space<vmem>>, vector<16xf32>,
        tpu.vector_store %arg20[%parallel_loop3A_105, %parallel_loop3A_106], %broadcast_in_dim3A_10 {strides = array<i32>} : memref<80x80xf32, #tpu.memory_space<vmem>>, vector<16xf32>,
        %parallel_loop3A_108 = arith.index_cast %parallel_loop3A_98 : i32 to index
        %parallel_loop3A_109 = arith.constant 48 : index
        %parallel_loop3A_110 = tpu.vector_load %arg20[%parallel_loop3A_108, %parallel_loop3A_109] {strides = array<i32>} : memref<80x80xf32, #tpu.memory_space<vmem>>, vector<16xf32>,
        tpu.vector_store %arg20[%parallel_loop3A_108, %parallel_loop3A_109], %broadcast_in_dim3A_10 {strides = array<i32>} : memref<80x80xf32, #tpu.memory_space<vmem>>, vector<16xf32>,
        %parallel_loop3A_111 = arith.index_cast %parallel_loop3A_98 : i32 to index
        %parallel_loop3A_112 = arith.constant 64 : index
        %parallel_loop3A_113 = tpu.vector_load %arg20[%parallel_loop3A_111, %parallel_loop3A_112] {strides = array<i32>} : memref<80x80xf32, #tpu.memory_space<vmem>>, vector<16xf32>,
        tpu.vector_store %arg20[%parallel_loop3A_111, %parallel_loop3A_112], %broadcast_in_dim3A_10 {strides = array<i32>} : memref<80x80xf32, #tpu.memory_space<vmem>>, vector<16xf32>,
      } {sc.loop_unroll_factor = 4 : i64, sc.parallel_access}
      %mul3A_13 = arith.constant 625 : i32
      %mul3A_14 = arith.muli %arg1, %mul3A_13 : i32
      %add3A = arith.constant 0 : i32
      %add3A_15 = arith.addi %mul3A_14, %add3A : i32
      "tpu.region"() ({
        %run_scoped3A = tpu.sem_alloc : memref<!tpu.dma_semaphore, #tpu.memory_space<semaphore_mem>>
        %dma_start3A_98 = arith.constant 0 : i32
        %dma_start3A_99 = tpu.memref_slice %arg22[%add3A_15, %dma_start3A_98] : memref<10000x80xf32, #tpu.memory_space<vmem_shared>> -> memref<80x80xf32, #tpu.memory_space<vmem_shared>>
        %dma_start3A_100 = arith.constant 0 : i32
        %dma_start3A_101 = tpu.memref_slice %arg22[%add3A_15, %dma_start3A_100] : memref<10000x80xf32, #tpu.memory_space<vmem_shared>> -> memref<80x80xf32, #tpu.memory_space<vmem_shared>>
        tpu.enqueue_dma source(%arg20 : memref<80x80xf32, #tpu.memory_space<vmem>>) target(%dma_start3A_101 : memref<80x80xf32, #tpu.memory_space<vmem_shared>>) target_semaphore(%run_scoped3A : memref<!tpu.dma_semaphore, #tpu.memory_space<semaphore_mem>>)
        %dma_wait3A_102 = arith.constant 0 : i32
        %dma_wait3A_103 = tpu.memref_slice %arg22[%add3A_15, %dma_wait3A_102] : memref<10000x80xf32, #tpu.memory_space<vmem_shared>> -> memref<80x80xf32, #tpu.memory_space<vmem_shared>>
        %dma_wait3A_104 = arith.constant 0 : i32
        %dma_wait3A_105 = tpu.memref_slice %arg22[%add3A_15, %dma_wait3A_104] : memref<10000x80xf32, #tpu.memory_space<vmem_shared>> -> memref<80x80xf32, #tpu.memory_space<vmem_shared>>
        tpu.wait_dma2 semaphore(%run_scoped3A : memref<!tpu.dma_semaphore, #tpu.memory_space<semaphore_mem>>) src(%arg20 : memref<80x80xf32, #tpu.memory_space<vmem>>) dst(%dma_wait3A_105 : memref<80x80xf32, #tpu.memory_space<vmem_shared>>)
        tpu.yield
      }) : () -> ()
      %add3A_16 = arith.constant 80 : i32
      %add3A_17 = arith.addi %mul3A_14, %add3A_16 : i32
      "tpu.region"() ({
        %run_scoped3A = tpu.sem_alloc : memref<!tpu.dma_semaphore, #tpu.memory_space<semaphore_mem>>
        %dma_start3A_98 = arith.constant 0 : i32
        %dma_start3A_99 = tpu.memref_slice %arg22[%add3A_17, %dma_start3A_98] : memref<10000x80xf32, #tpu.memory_space<vmem_shared>> -> memref<80x80xf32, #tpu.memory_space<vmem_shared>>
        %dma_start3A_100 = arith.constant 0 : i32
        %dma_start3A_101 = tpu.memref_slice %arg22[%add3A_17, %dma_start3A_100] : memref<10000x80xf32, #tpu.memory_space<vmem_shared>> -> memref<80x80xf32, #tpu.memory_space<vmem_shared>>
        tpu.enqueue_dma source(%arg20 : memref<80x80xf32, #tpu.memory_space<vmem>>) target(%dma_start3A_101 : memref<80x80xf32, #tpu.memory_space<vmem_shared>>) target_semaphore(%run_scoped3A : memref<!tpu.dma_semaphore, #tpu.memory_space<semaphore_mem>>)
        %dma_wait3A_102 = arith.constant 0 : i32
        %dma_wait3A_103 = tpu.memref_slice %arg22[%add3A_17, %dma_wait3A_102] : memref<10000x80xf32, #tpu.memory_space<vmem_shared>> -> memref<80x80xf32, #tpu.memory_space<vmem_shared>>
        %dma_wait3A_104 = arith.constant 0 : i32
        %dma_wait3A_105 = tpu.memref_slice %arg22[%add3A_17, %dma_wait3A_104] : memref<10000x80xf32, #tpu.memory_space<vmem_shared>> -> memref<80x80xf32, #tpu.memory_space<vmem_shared>>
        tpu.wait_dma2 semaphore(%run_scoped3A : memref<!tpu.dma_semaphore, #tpu.memory_space<semaphore_mem>>) src(%arg20 : memref<80x80xf32, #tpu.memory_space<vmem>>) dst(%dma_wait3A_105 : memref<80x80xf32, #tpu.memory_space<vmem_shared>>)
        tpu.yield
      }) : () -> ()
      %add3A_18 = arith.constant 160 : i32
      %add3A_19 = arith.addi %mul3A_14, %add3A_18 : i32
      "tpu.region"() ({
        %run_scoped3A = tpu.sem_alloc : memref<!tpu.dma_semaphore, #tpu.memory_space<semaphore_mem>>
        %dma_start3A_98 = arith.constant 0 : i32
        %dma_start3A_99 = tpu.memref_slice %arg22[%add3A_19, %dma_start3A_98] : memref<10000x80xf32, #tpu.memory_space<vmem_shared>> -> memref<80x80xf32, #tpu.memory_space<vmem_shared>>
        %dma_start3A_100 = arith.constant 0 : i32
        %dma_start3A_101 = tpu.memref_slice %arg22[%add3A_19, %dma_start3A_100] : memref<10000x80xf32, #tpu.memory_space<vmem_shared>> -> memref<80x80xf32, #tpu.memory_space<vmem_shared>>
        tpu.enqueue_dma source(%arg20 : memref<80x80xf32, #tpu.memory_space<vmem>>) target(%dma_start3A_101 : memref<80x80xf32, #tpu.memory_space<vmem_shared>>) target_semaphore(%run_scoped3A : memref<!tpu.dma_semaphore, #tpu.memory_space<semaphore_mem>>)
        %dma_wait3A_102 = arith.constant 0 : i32
        %dma_wait3A_103 = tpu.memref_slice %arg22[%add3A_19, %dma_wait3A_102] : memref<10000x80xf32, #tpu.memory_space<vmem_shared>> -> memref<80x80xf32, #tpu.memory_space<vmem_shared>>
        %dma_wait3A_104 = arith.constant 0 : i32
        %dma_wait3A_105 = tpu.memref_slice %arg22[%add3A_19, %dma_wait3A_104] : memref<10000x80xf32, #tpu.memory_space<vmem_shared>> -> memref<80x80xf32, #tpu.memory_space<vmem_shared>>
        tpu.wait_dma2 semaphore(%run_scoped3A : memref<!tpu.dma_semaphore, #tpu.memory_space<semaphore_mem>>) src(%arg20 : memref<80x80xf32, #tpu.memory_space<vmem>>) dst(%dma_wait3A_105 : memref<80x80xf32, #tpu.memory_space<vmem_shared>>)
        tpu.yield
      }) : () -> ()
      %add3A_20 = arith.constant 240 : i32
      %add3A_21 = arith.addi %mul3A_14, %add3A_20 : i32
      "tpu.region"() ({
        %run_scoped3A = tpu.sem_alloc : memref<!tpu.dma_semaphore, #tpu.memory_space<semaphore_mem>>
        %dma_start3A_98 = arith.constant 0 : i32
        %dma_start3A_99 = tpu.memref_slice %arg22[%add3A_21, %dma_start3A_98] : memref<10000x80xf32, #tpu.memory_space<vmem_shared>> -> memref<80x80xf32, #tpu.memory_space<vmem_shared>>
        %dma_start3A_100 = arith.constant 0 : i32
        %dma_start3A_101 = tpu.memref_slice %arg22[%add3A_21, %dma_start3A_100] : memref<10000x80xf32, #tpu.memory_space<vmem_shared>> -> memref<80x80xf32, #tpu.memory_space<vmem_shared>>
        tpu.enqueue_dma source(%arg20 : memref<80x80xf32, #tpu.memory_space<vmem>>) target(%dma_start3A_101 : memref<80x80xf32, #tpu.memory_space<vmem_shared>>) target_semaphore(%run_scoped3A : memref<!tpu.dma_semaphore, #tpu.memory_space<semaphore_mem>>)
        %dma_wait3A_102 = arith.constant 0 : i32
        %dma_wait3A_103 = tpu.memref_slice %arg22[%add3A_21, %dma_wait3A_102] : memref<10000x80xf32, #tpu.memory_space<vmem_shared>> -> memref<80x80xf32, #tpu.memory_space<vmem_shared>>
        %dma_wait3A_104 = arith.constant 0 : i32
        %dma_wait3A_105 = tpu.memref_slice %arg22[%add3A_21, %dma_wait3A_104] : memref<10000x80xf32, #tpu.memory_space<vmem_shared>> -> memref<80x80xf32, #tpu.memory_space<vmem_shared>>
        tpu.wait_dma2 semaphore(%run_scoped3A : memref<!tpu.dma_semaphore, #tpu.memory_space<semaphore_mem>>) src(%arg20 : memref<80x80xf32, #tpu.memory_space<vmem>>) dst(%dma_wait3A_105 : memref<80x80xf32, #tpu.memory_space<vmem_shared>>)
        tpu.yield
      }) : () -> ()
      %add3A_22 = arith.constant 320 : i32
      %add3A_23 = arith.addi %mul3A_14, %add3A_22 : i32
      "tpu.region"() ({
        %run_scoped3A = tpu.sem_alloc : memref<!tpu.dma_semaphore, #tpu.memory_space<semaphore_mem>>
        %dma_start3A_98 = arith.constant 0 : i32
        %dma_start3A_99 = tpu.memref_slice %arg22[%add3A_23, %dma_start3A_98] : memref<10000x80xf32, #tpu.memory_space<vmem_shared>> -> memref<80x80xf32, #tpu.memory_space<vmem_shared>>
        %dma_start3A_100 = arith.constant 0 : i32
        %dma_start3A_101 = tpu.memref_slice %arg22[%add3A_23, %dma_start3A_100] : memref<10000x80xf32, #tpu.memory_space<vmem_shared>> -> memref<80x80xf32, #tpu.memory_space<vmem_shared>>
        tpu.enqueue_dma source(%arg20 : memref<80x80xf32, #tpu.memory_space<vmem>>) target(%dma_start3A_101 : memref<80x80xf32, #tpu.memory_space<vmem_shared>>) target_semaphore(%run_scoped3A : memref<!tpu.dma_semaphore, #tpu.memory_space<semaphore_mem>>)
        %dma_wait3A_102 = arith.constant 0 : i32
        %dma_wait3A_103 = tpu.memref_slice %arg22[%add3A_23, %dma_wait3A_102] : memref<10000x80xf32, #tpu.memory_space<vmem_shared>> -> memref<80x80xf32, #tpu.memory_space<vmem_shared>>
        %dma_wait3A_104 = arith.constant 0 : i32
        %dma_wait3A_105 = tpu.memref_slice %arg22[%add3A_23, %dma_wait3A_104] : memref<10000x80xf32, #tpu.memory_space<vmem_shared>> -> memref<80x80xf32, #tpu.memory_space<vmem_shared>>
        tpu.wait_dma2 semaphore(%run_scoped3A : memref<!tpu.dma_semaphore, #tpu.memory_space<semaphore_mem>>) src(%arg20 : memref<80x80xf32, #tpu.memory_space<vmem>>) dst(%dma_wait3A_105 : memref<80x80xf32, #tpu.memory_space<vmem_shared>>)
        tpu.yield
      }) : () -> ()
      %add3A_24 = arith.constant 400 : i32
      %add3A_25 = arith.addi %mul3A_14, %add3A_24 : i32
      "tpu.region"() ({
        %run_scoped3A = tpu.sem_alloc : memref<!tpu.dma_semaphore, #tpu.memory_space<semaphore_mem>>
        %dma_start3A_98 = arith.constant 0 : i32
        %dma_start3A_99 = tpu.memref_slice %arg22[%add3A_25, %dma_start3A_98] : memref<10000x80xf32, #tpu.memory_space<vmem_shared>> -> memref<80x80xf32, #tpu.memory_space<vmem_shared>>
        %dma_start3A_100 = arith.constant 0 : i32
        %dma_start3A_101 = tpu.memref_slice %arg22[%add3A_25, %dma_start3A_100] : memref<10000x80xf32, #tpu.memory_space<vmem_shared>> -> memref<80x80xf32, #tpu.memory_space<vmem_shared>>
        tpu.enqueue_dma source(%arg20 : memref<80x80xf32, #tpu.memory_space<vmem>>) target(%dma_start3A_101 : memref<80x80xf32, #tpu.memory_space<vmem_shared>>) target_semaphore(%run_scoped3A : memref<!tpu.dma_semaphore, #tpu.memory_space<semaphore_mem>>)
        %dma_wait3A_102 = arith.constant 0 : i32
        %dma_wait3A_103 = tpu.memref_slice %arg22[%add3A_25, %dma_wait3A_102] : memref<10000x80xf32, #tpu.memory_space<vmem_shared>> -> memref<80x80xf32, #tpu.memory_space<vmem_shared>>
        %dma_wait3A_104 = arith.constant 0 : i32
        %dma_wait3A_105 = tpu.memref_slice %arg22[%add3A_25, %dma_wait3A_104] : memref<10000x80xf32, #tpu.memory_space<vmem_shared>> -> memref<80x80xf32, #tpu.memory_space<vmem_shared>>
        tpu.wait_dma2 semaphore(%run_scoped3A : memref<!tpu.dma_semaphore, #tpu.memory_space<semaphore_mem>>) src(%arg20 : memref<80x80xf32, #tpu.memory_space<vmem>>) dst(%dma_wait3A_105 : memref<80x80xf32, #tpu.memory_space<vmem_shared>>)
        tpu.yield
      }) : () -> ()
      %add3A_26 = arith.constant 480 : i32
      %add3A_27 = arith.addi %mul3A_14, %add3A_26 : i32
      "tpu.region"() ({
        %run_scoped3A = tpu.sem_alloc : memref<!tpu.dma_semaphore, #tpu.memory_space<semaphore_mem>>
        %dma_start3A_98 = arith.constant 0 : i32
        %dma_start3A_99 = tpu.memref_slice %arg22[%add3A_27, %dma_start3A_98] : memref<10000x80xf32, #tpu.memory_space<vmem_shared>> -> memref<80x80xf32, #tpu.memory_space<vmem_shared>>
        %dma_start3A_100 = arith.constant 0 : i32
        %dma_start3A_101 = tpu.memref_slice %arg22[%add3A_27, %dma_start3A_100] : memref<10000x80xf32, #tpu.memory_space<vmem_shared>> -> memref<80x80xf32, #tpu.memory_space<vmem_shared>>
        tpu.enqueue_dma source(%arg20 : memref<80x80xf32, #tpu.memory_space<vmem>>) target(%dma_start3A_101 : memref<80x80xf32, #tpu.memory_space<vmem_shared>>) target_semaphore(%run_scoped3A : memref<!tpu.dma_semaphore, #tpu.memory_space<semaphore_mem>>)
        %dma_wait3A_102 = arith.constant 0 : i32
        %dma_wait3A_103 = tpu.memref_slice %arg22[%add3A_27, %dma_wait3A_102] : memref<10000x80xf32, #tpu.memory_space<vmem_shared>> -> memref<80x80xf32, #tpu.memory_space<vmem_shared>>
        %dma_wait3A_104 = arith.constant 0 : i32
        %dma_wait3A_105 = tpu.memref_slice %arg22[%add3A_27, %dma_wait3A_104] : memref<10000x80xf32, #tpu.memory_space<vmem_shared>> -> memref<80x80xf32, #tpu.memory_space<vmem_shared>>
        tpu.wait_dma2 semaphore(%run_scoped3A : memref<!tpu.dma_semaphore, #tpu.memory_space<semaphore_mem>>) src(%arg20 : memref<80x80xf32, #tpu.memory_space<vmem>>) dst(%dma_wait3A_105 : memref<80x80xf32, #tpu.memory_space<vmem_shared>>)
        tpu.yield
      }) : () -> ()
      %add3A_28 = arith.constant 560 : i32
      %add3A_29 = arith.addi %mul3A_14, %add3A_28 : i32
      "tpu.region"() ({
        %run_scoped3A = tpu.sem_alloc : memref<!tpu.dma_semaphore, #tpu.memory_space<semaphore_mem>>
        %dma_start3A_98 = arith.constant 0 : i32
        %dma_start3A_99 = arith.constant 0 : i32
        %dma_start3A_100 = tpu.memref_slice %arg20[%dma_start3A_98, %dma_start3A_99] : memref<80x80xf32, #tpu.memory_space<vmem>> -> memref<65x80xf32, #tpu.memory_space<vmem>>
        %dma_start3A_101 = arith.constant 0 : i32
        %dma_start3A_102 = tpu.memref_slice %arg22[%add3A_29, %dma_start3A_101] : memref<10000x80xf32, #tpu.memory_space<vmem_shared>> -> memref<65x80xf32, #tpu.memory_space<vmem_shared>>
        %dma_start3A_103 = arith.constant 0 : i32
        %dma_start3A_104 = tpu.memref_slice %arg22[%add3A_29, %dma_start3A_103] : memref<10000x80xf32, #tpu.memory_space<vmem_shared>> -> memref<65x80xf32, #tpu.memory_space<vmem_shared>>
        %dma_start3A_105 = arith.constant 0 : i32
        %dma_start3A_106 = arith.constant 0 : i32
        %dma_start3A_107 = tpu.memref_slice %arg20[%dma_start3A_105, %dma_start3A_106] : memref<80x80xf32, #tpu.memory_space<vmem>> -> memref<65x80xf32, #tpu.memory_space<vmem>>
        tpu.enqueue_dma source(%dma_start3A_107 : memref<65x80xf32, #tpu.memory_space<vmem>>) target(%dma_start3A_104 : memref<65x80xf32, #tpu.memory_space<vmem_shared>>) target_semaphore(%run_scoped3A : memref<!tpu.dma_semaphore, #tpu.memory_space<semaphore_mem>>)
        %dma_wait3A_108 = arith.constant 0 : i32
        %dma_wait3A_109 = arith.constant 0 : i32
        %dma_wait3A_110 = tpu.memref_slice %arg20[%dma_wait3A_108, %dma_wait3A_109] : memref<80x80xf32, #tpu.memory_space<vmem>> -> memref<65x80xf32, #tpu.memory_space<vmem>>
        %dma_wait3A_111 = arith.constant 0 : i32
        %dma_wait3A_112 = tpu.memref_slice %arg22[%add3A_29, %dma_wait3A_111] : memref<10000x80xf32, #tpu.memory_space<vmem_shared>> -> memref<65x80xf32, #tpu.memory_space<vmem_shared>>
        %dma_wait3A_113 = arith.constant 0 : i32
        %dma_wait3A_114 = tpu.memref_slice %arg22[%add3A_29, %dma_wait3A_113] : memref<10000x80xf32, #tpu.memory_space<vmem_shared>> -> memref<65x80xf32, #tpu.memory_space<vmem_shared>>
        %dma_wait3A_115 = arith.constant 0 : i32
        %dma_wait3A_116 = arith.constant 0 : i32
        %dma_wait3A_117 = tpu.memref_slice %arg20[%dma_wait3A_115, %dma_wait3A_116] : memref<80x80xf32, #tpu.memory_space<vmem>> -> memref<65x80xf32, #tpu.memory_space<vmem>>
        tpu.wait_dma2 semaphore(%run_scoped3A : memref<!tpu.dma_semaphore, #tpu.memory_space<semaphore_mem>>) src(%dma_wait3A_117 : memref<65x80xf32, #tpu.memory_space<vmem>>) dst(%dma_wait3A_114 : memref<65x80xf32, #tpu.memory_space<vmem_shared>>)
        tpu.yield
      }) : () -> ()
      %barrier3A = arith.constant 0 : index
      tpu.barrier barrier_id(%barrier3A)
      %iota3A = tpu.iota {dimensions = array<i32: 0>} : vector<16xi32>
      %eq3A_30 = arith.constant 0 : i32
      %eq3A_31 = vector.broadcast %eq3A_30 : i32 to vector<16xi32>
      %eq3A_32 = arith.cmpi eq, %iota3A, %eq3A_31 : vector<16xi32>
      %convert_element_type3A_33 = arith.extui %eq3A_32 : vector<16xi1> to vector<16xi32>
      %convert_element_type3A_34 = arith.sitofp %convert_element_type3A_33 : vector<16xi32> to vector<16xf32>
      %dma_start3A = arith.constant 0 : i32
      %dma_start3A_35 = arith.constant 0 : i32
      %dma_start3A_36 = arith.constant 0 : i32
      %dma_start3A_37 = tpu.memref_slice %arg18[%dma_start3A_35, %dma_start3A_36] : memref<80x64xf32, #tpu.memory_space<vmem>> -> memref<80x64xf32, #tpu.memory_space<vmem>>
      %dma_start3A_38 = arith.constant 0 : i32
      %dma_start3A_39 = tpu.memref_slice %arg16[%dma_start3A, %dma_start3A_38] : memref<125x80xi32, #tpu.memory_space<vmem>> -> memref<1x80xi32, #tpu.memory_space<vmem>>
      %dma_start3A_40 = tpu.memref_squeeze %dma_start3A_39 : memref<1x80xi32, #tpu.memory_space<vmem>> -> memref<80xi32, #tpu.memory_space<vmem>>
      %dma_start3A_41 = arith.constant 0 : i32
      %dma_start3A_42 = arith.constant 0 : i32
      %dma_start3A_43 = tpu.memref_slice %arg10[%dma_start3A_41, %dma_start3A_42] : memref<10000x64xf32, #tpu.memory_space<hbm>> -> memref<10000x64xf32, #tpu.memory_space<hbm>>
      tpu.enqueue_indirect_dma source(%dma_start3A_43 : memref<10000x64xf32, #tpu.memory_space<hbm>>) target(%dma_start3A_37 : memref<80x64xf32, #tpu.memory_space<vmem>>) offsets(%dma_start3A_40 : memref<80xi32, #tpu.memory_space<vmem>>) semaphore(%arg23 : memref<!tpu.dma_semaphore, #tpu.memory_space<semaphore_mem>>)
      %scan3A = arith.constant 0 : i32
      %scan3A_44 = arith.constant 62 : i32
      %scan3A_45 = arith.addi %scan3A, %scan3A_44 : i32
      %scan3A_46 = arith.constant 1 : i32
      scf.for %scan3A_98 = %scan3A to %scan3A_45 step %scan3A_46  : i32 {
        %mul3A_99 = arith.constant 2 : i32
        %mul3A_100 = arith.muli %scan3A_98, %mul3A_99 : i32
        %add3A_101 = arith.constant 0 : i32
        %add3A_102 = arith.addi %add3A_101, %mul3A_100 : i32
        %add3A_103 = arith.constant 1 : i32
        %add3A_104 = arith.addi %add3A_102, %add3A_103 : i32
        %mul3A_105 = arith.constant 1 : i32
        %mul3A_106 = arith.muli %add3A_104, %mul3A_105 : i32
        %add3A_107 = arith.constant 0 : i32
        %add3A_108 = arith.addi %mul3A_106, %add3A_107 : i32
        %dma_start3A_109 = arith.constant 0 : i32
        %dma_start3A_110 = arith.constant 0 : i32
        %dma_start3A_111 = tpu.memref_slice %arg19[%dma_start3A_109, %dma_start3A_110] : memref<80x64xf32, #tpu.memory_space<vmem>> -> memref<80x64xf32, #tpu.memory_space<vmem>>
        %dma_start3A_112 = arith.constant 0 : i32
        %dma_start3A_113 = tpu.memref_slice %arg16[%add3A_108, %dma_start3A_112] : memref<125x80xi32, #tpu.memory_space<vmem>> -> memref<1x80xi32, #tpu.memory_space<vmem>>
        %dma_start3A_114 = tpu.memref_squeeze %dma_start3A_113 : memref<1x80xi32, #tpu.memory_space<vmem>> -> memref<80xi32, #tpu.memory_space<vmem>>
        %dma_start3A_115 = arith.constant 0 : i32
        %dma_start3A_116 = arith.constant 0 : i32
        %dma_start3A_117 = tpu.memref_slice %arg10[%dma_start3A_115, %dma_start3A_116] : memref<10000x64xf32, #tpu.memory_space<hbm>> -> memref<10000x64xf32, #tpu.memory_space<hbm>>
        tpu.enqueue_indirect_dma source(%dma_start3A_117 : memref<10000x64xf32, #tpu.memory_space<hbm>>) target(%dma_start3A_111 : memref<80x64xf32, #tpu.memory_space<vmem>>) offsets(%dma_start3A_114 : memref<80xi32, #tpu.memory_space<vmem>>) semaphore(%arg24 : memref<!tpu.dma_semaphore, #tpu.memory_space<semaphore_mem>>)
        %mul3A_118 = arith.constant 1 : i32
        %mul3A_119 = arith.muli %add3A_102, %mul3A_118 : i32
        %add3A_120 = arith.constant 0 : i32
        %add3A_121 = arith.addi %mul3A_119, %add3A_120 : i32
        %dma_wait3A_122 = arith.constant 0 : i32
        %dma_wait3A_123 = arith.constant 0 : i32
        %dma_wait3A_124 = tpu.memref_slice %arg18[%dma_wait3A_122, %dma_wait3A_123] : memref<80x64xf32, #tpu.memory_space<vmem>> -> memref<80x64xf32, #tpu.memory_space<vmem>>
        %dma_wait3A_125 = arith.constant 0 : i32
        %dma_wait3A_126 = tpu.memref_slice %arg16[%add3A_121, %dma_wait3A_125] : memref<125x80xi32, #tpu.memory_space<vmem>> -> memref<1x80xi32, #tpu.memory_space<vmem>>
        %dma_wait3A_127 = tpu.memref_squeeze %dma_wait3A_126 : memref<1x80xi32, #tpu.memory_space<vmem>> -> memref<80xi32, #tpu.memory_space<vmem>>
        %dma_wait3A_128 = arith.constant 0 : i32
        %dma_wait3A_129 = arith.constant 0 : i32
        %dma_wait3A_130 = tpu.memref_slice %arg10[%dma_wait3A_128, %dma_wait3A_129] : memref<10000x64xf32, #tpu.memory_space<hbm>> -> memref<10000x64xf32, #tpu.memory_space<hbm>>
        tpu.wait_indirect_dma semaphore(%arg23 : memref<!tpu.dma_semaphore, #tpu.memory_space<semaphore_mem>>) src(%dma_wait3A_130 : memref<10000x64xf32, #tpu.memory_space<hbm>>) dst(%dma_wait3A_124 : memref<80x64xf32, #tpu.memory_space<vmem>>)
        %gt3A = arith.constant 0 : i32
        %gt3A_131 = arith.cmpi sgt, %add3A_102, %gt3A : i32
        %convert_element_type3A_132 = arith.extui %gt3A_131 : i1 to i32
        %cond3A_133 = arith.constant 0 : i32
        %cond3A_134 = arith.cmpi ne, %convert_element_type3A_132, %cond3A_133 : i32
        scf.if %cond3A_134 {
          %sub3A = arith.constant 2 : i32
          %sub3A_200 = arith.subi %add3A_102, %sub3A : i32
          %mul3A_201 = arith.constant 1 : i32
          %mul3A_202 = arith.muli %sub3A_200, %mul3A_201 : i32
          %add3A_203 = arith.constant 0 : i32
          %add3A_204 = arith.addi %mul3A_202, %add3A_203 : i32
          %dma_wait3A_205 = arith.constant 0 : i32
          %dma_wait3A_206 = arith.constant 0 : i32
          %dma_wait3A_207 = tpu.memref_slice %arg20[%dma_wait3A_205, %dma_wait3A_206] : memref<80x80xf32, #tpu.memory_space<vmem>> -> memref<80x80xf32, #tpu.memory_space<vmem>>
          %dma_wait3A_208 = arith.constant 0 : i32
          %dma_wait3A_209 = tpu.memref_slice %arg17[%add3A_204, %dma_wait3A_208] : memref<125x80xi32, #tpu.memory_space<vmem>> -> memref<1x80xi32, #tpu.memory_space<vmem>>
          %dma_wait3A_210 = tpu.memref_squeeze %dma_wait3A_209 : memref<1x80xi32, #tpu.memory_space<vmem>> -> memref<80xi32, #tpu.memory_space<vmem>>
          %dma_wait3A_211 = arith.constant 0 : i32
          %dma_wait3A_212 = arith.constant 0 : i32
          %dma_wait3A_213 = tpu.memref_slice %arg22[%dma_wait3A_211, %dma_wait3A_212] : memref<10000x80xf32, #tpu.memory_space<vmem_shared>> -> memref<10000x80xf32, #tpu.memory_space<vmem_shared>>
          tpu.wait_indirect_dma semaphore(%arg25 : memref<!tpu.dma_semaphore, #tpu.memory_space<semaphore_mem>>) src(%dma_wait3A_207 : memref<80x80xf32, #tpu.memory_space<vmem>>) dst(%dma_wait3A_213 : memref<10000x80xf32, #tpu.memory_space<vmem_shared>>)
        } else {
        }
        %mul3A_135 = arith.constant 1 : i32
        %mul3A_136 = arith.muli %add3A_102, %mul3A_135 : i32
        %add3A_137 = arith.constant 0 : i32
        %add3A_138 = arith.addi %mul3A_136, %add3A_137 : i32
        %dma_start3A_139 = arith.constant 0 : i32
        %dma_start3A_140 = arith.constant 0 : i32
        %dma_start3A_141 = tpu.memref_slice %arg20[%dma_start3A_139, %dma_start3A_140] : memref<80x80xf32, #tpu.memory_space<vmem>> -> memref<80x80xf32, #tpu.memory_space<vmem>>
        %dma_start3A_142 = arith.constant 0 : i32
        %dma_start3A_143 = tpu.memref_slice %arg17[%add3A_138, %dma_start3A_142] : memref<125x80xi32, #tpu.memory_space<vmem>> -> memref<1x80xi32, #tpu.memory_space<vmem>>
        %dma_start3A_144 = tpu.memref_squeeze %dma_start3A_143 : memref<1x80xi32, #tpu.memory_space<vmem>> -> memref<80xi32, #tpu.memory_space<vmem>>
        %dma_start3A_145 = arith.constant 0 : i32
        %dma_start3A_146 = arith.constant 0 : i32
        %dma_start3A_147 = tpu.memref_slice %arg22[%dma_start3A_145, %dma_start3A_146] : memref<10000x80xf32, #tpu.memory_space<vmem_shared>> -> memref<10000x80xf32, #tpu.memory_space<vmem_shared>>
        tpu.enqueue_indirect_dma source(%dma_start3A_141 : memref<80x80xf32, #tpu.memory_space<vmem>>) target(%dma_start3A_147 : memref<10000x80xf32, #tpu.memory_space<vmem_shared>>) offsets(%dma_start3A_144 : memref<80xi32, #tpu.memory_space<vmem>>) semaphore(%arg25 : memref<!tpu.dma_semaphore, #tpu.memory_space<semaphore_mem>>) {add = true}
        %add3A_148 = arith.constant 2 : i32
        %add3A_149 = arith.addi %add3A_102, %add3A_148 : i32
        %mul3A_150 = arith.constant 1 : i32
        %mul3A_151 = arith.muli %add3A_149, %mul3A_150 : i32
        %add3A_152 = arith.constant 0 : i32
        %add3A_153 = arith.addi %mul3A_151, %add3A_152 : i32
        %dma_start3A_154 = arith.constant 0 : i32
        %dma_start3A_155 = arith.constant 0 : i32
        %dma_start3A_156 = tpu.memref_slice %arg18[%dma_start3A_154, %dma_start3A_155] : memref<80x64xf32, #tpu.memory_space<vmem>> -> memref<80x64xf32, #tpu.memory_space<vmem>>
        %dma_start3A_157 = arith.constant 0 : i32
        %dma_start3A_158 = tpu.memref_slice %arg16[%add3A_153, %dma_start3A_157] : memref<125x80xi32, #tpu.memory_space<vmem>> -> memref<1x80xi32, #tpu.memory_space<vmem>>
        %dma_start3A_159 = tpu.memref_squeeze %dma_start3A_158 : memref<1x80xi32, #tpu.memory_space<vmem>> -> memref<80xi32, #tpu.memory_space<vmem>>
        %dma_start3A_160 = arith.constant 0 : i32
        %dma_start3A_161 = arith.constant 0 : i32
        %dma_start3A_162 = tpu.memref_slice %arg10[%dma_start3A_160, %dma_start3A_161] : memref<10000x64xf32, #tpu.memory_space<hbm>> -> memref<10000x64xf32, #tpu.memory_space<hbm>>
        tpu.enqueue_indirect_dma source(%dma_start3A_162 : memref<10000x64xf32, #tpu.memory_space<hbm>>) target(%dma_start3A_156 : memref<80x64xf32, #tpu.memory_space<vmem>>) offsets(%dma_start3A_159 : memref<80xi32, #tpu.memory_space<vmem>>) semaphore(%arg23 : memref<!tpu.dma_semaphore, #tpu.memory_space<semaphore_mem>>)
        %add3A_163 = arith.constant 1 : i32
        %add3A_164 = arith.addi %add3A_102, %add3A_163 : i32
        %mul3A_165 = arith.constant 1 : i32
        %mul3A_166 = arith.muli %add3A_164, %mul3A_165 : i32
        %add3A_167 = arith.constant 0 : i32
        %add3A_168 = arith.addi %mul3A_166, %add3A_167 : i32
        %dma_wait3A_169 = arith.constant 0 : i32
        %dma_wait3A_170 = arith.constant 0 : i32
        %dma_wait3A_171 = tpu.memref_slice %arg19[%dma_wait3A_169, %dma_wait3A_170] : memref<80x64xf32, #tpu.memory_space<vmem>> -> memref<80x64xf32, #tpu.memory_space<vmem>>
        %dma_wait3A_172 = arith.constant 0 : i32
        %dma_wait3A_173 = tpu.memref_slice %arg16[%add3A_168, %dma_wait3A_172] : memref<125x80xi32, #tpu.memory_space<vmem>> -> memref<1x80xi32, #tpu.memory_space<vmem>>
        %dma_wait3A_174 = tpu.memref_squeeze %dma_wait3A_173 : memref<1x80xi32, #tpu.memory_space<vmem>> -> memref<80xi32, #tpu.memory_space<vmem>>
        %dma_wait3A_175 = arith.constant 0 : i32
        %dma_wait3A_176 = arith.constant 0 : i32
        %dma_wait3A_177 = tpu.memref_slice %arg10[%dma_wait3A_175, %dma_wait3A_176] : memref<10000x64xf32, #tpu.memory_space<hbm>> -> memref<10000x64xf32, #tpu.memory_space<hbm>>
        tpu.wait_indirect_dma semaphore(%arg24 : memref<!tpu.dma_semaphore, #tpu.memory_space<semaphore_mem>>) src(%dma_wait3A_177 : memref<10000x64xf32, #tpu.memory_space<hbm>>) dst(%dma_wait3A_171 : memref<80x64xf32, #tpu.memory_space<vmem>>)
        %gt3A_178 = arith.constant 0 : i32
        %gt3A_179 = arith.cmpi sgt, %add3A_102, %gt3A_178 : i32
        %convert_element_type3A_180 = arith.extui %gt3A_179 : i1 to i32
        %cond3A_181 = arith.constant 0 : i32
        %cond3A_182 = arith.cmpi ne, %convert_element_type3A_180, %cond3A_181 : i32
        scf.if %cond3A_182 {
          %sub3A = arith.constant 1 : i32
          %sub3A_200 = arith.subi %add3A_102, %sub3A : i32
          %mul3A_201 = arith.constant 1 : i32
          %mul3A_202 = arith.muli %sub3A_200, %mul3A_201 : i32
          %add3A_203 = arith.constant 0 : i32
          %add3A_204 = arith.addi %mul3A_202, %add3A_203 : i32
          %dma_wait3A_205 = arith.constant 0 : i32
          %dma_wait3A_206 = arith.constant 0 : i32
          %dma_wait3A_207 = tpu.memref_slice %arg21[%dma_wait3A_205, %dma_wait3A_206] : memref<80x80xf32, #tpu.memory_space<vmem>> -> memref<80x80xf32, #tpu.memory_space<vmem>>
          %dma_wait3A_208 = arith.constant 0 : i32
          %dma_wait3A_209 = tpu.memref_slice %arg17[%add3A_204, %dma_wait3A_208] : memref<125x80xi32, #tpu.memory_space<vmem>> -> memref<1x80xi32, #tpu.memory_space<vmem>>
          %dma_wait3A_210 = tpu.memref_squeeze %dma_wait3A_209 : memref<1x80xi32, #tpu.memory_space<vmem>> -> memref<80xi32, #tpu.memory_space<vmem>>
          %dma_wait3A_211 = arith.constant 0 : i32
          %dma_wait3A_212 = arith.constant 0 : i32
          %dma_wait3A_213 = tpu.memref_slice %arg22[%dma_wait3A_211, %dma_wait3A_212] : memref<10000x80xf32, #tpu.memory_space<vmem_shared>> -> memref<10000x80xf32, #tpu.memory_space<vmem_shared>>
          tpu.wait_indirect_dma semaphore(%arg26 : memref<!tpu.dma_semaphore, #tpu.memory_space<semaphore_mem>>) src(%dma_wait3A_207 : memref<80x80xf32, #tpu.memory_space<vmem>>) dst(%dma_wait3A_213 : memref<10000x80xf32, #tpu.memory_space<vmem_shared>>)
        } else {
        }
        %add3A_183 = arith.constant 1 : i32
        %add3A_184 = arith.addi %add3A_102, %add3A_183 : i32
        %add3A_185 = arith.constant 1 : i32
        %add3A_186 = arith.addi %add3A_102, %add3A_185 : i32
        %mul3A_187 = arith.constant 1 : i32
        %mul3A_188 = arith.muli %add3A_186, %mul3A_187 : i32
        %add3A_189 = arith.constant 0 : i32
        %add3A_190 = arith.addi %mul3A_188, %add3A_189 : i32
        %dma_start3A_191 = arith.constant 0 : i32
        %dma_start3A_192 = arith.constant 0 : i32
        %dma_start3A_193 = tpu.memref_slice %arg21[%dma_start3A_191, %dma_start3A_192] : memref<80x80xf32, #tpu.memory_space<vmem>> -> memref<80x80xf32, #tpu.memory_space<vmem>>
        %dma_start3A_194 = arith.constant 0 : i32
        %dma_start3A_195 = tpu.memref_slice %arg17[%add3A_190, %dma_start3A_194] : memref<125x80xi32, #tpu.memory_space<vmem>> -> memref<1x80xi32, #tpu.memory_space<vmem>>
        %dma_start3A_196 = tpu.memref_squeeze %dma_start3A_195 : memref<1x80xi32, #tpu.memory_space<vmem>> -> memref<80xi32, #tpu.memory_space<vmem>>
        %dma_start3A_197 = arith.constant 0 : i32
        %dma_start3A_198 = arith.constant 0 : i32
        %dma_start3A_199 = tpu.memref_slice %arg22[%dma_start3A_197, %dma_start3A_198] : memref<10000x80xf32, #tpu.memory_space<vmem_shared>> -> memref<10000x80xf32, #tpu.memory_space<vmem_shared>>
        tpu.enqueue_indirect_dma source(%dma_start3A_193 : memref<80x80xf32, #tpu.memory_space<vmem>>) target(%dma_start3A_199 : memref<10000x80xf32, #tpu.memory_space<vmem_shared>>) offsets(%dma_start3A_196 : memref<80xi32, #tpu.memory_space<vmem>>) semaphore(%arg26 : memref<!tpu.dma_semaphore, #tpu.memory_space<semaphore_mem>>) {add = true}
      }
      %scan3A_47 = arith.constant 62 : i32
      %dma_wait3A = arith.constant 124 : i32
      %dma_wait3A_48 = arith.constant 0 : i32
      %dma_wait3A_49 = arith.constant 0 : i32
      %dma_wait3A_50 = tpu.memref_slice %arg18[%dma_wait3A_48, %dma_wait3A_49] : memref<80x64xf32, #tpu.memory_space<vmem>> -> memref<80x64xf32, #tpu.memory_space<vmem>>
      %dma_wait3A_51 = arith.constant 0 : i32
      %dma_wait3A_52 = tpu.memref_slice %arg16[%dma_wait3A, %dma_wait3A_51] : memref<125x80xi32, #tpu.memory_space<vmem>> -> memref<1x80xi32, #tpu.memory_space<vmem>>
      %dma_wait3A_53 = tpu.memref_squeeze %dma_wait3A_52 : memref<1x80xi32, #tpu.memory_space<vmem>> -> memref<80xi32, #tpu.memory_space<vmem>>
      %dma_wait3A_54 = arith.constant 0 : i32
      %dma_wait3A_55 = arith.constant 0 : i32
      %dma_wait3A_56 = tpu.memref_slice %arg10[%dma_wait3A_54, %dma_wait3A_55] : memref<10000x64xf32, #tpu.memory_space<hbm>> -> memref<10000x64xf32, #tpu.memory_space<hbm>>
      tpu.wait_indirect_dma semaphore(%arg23 : memref<!tpu.dma_semaphore, #tpu.memory_space<semaphore_mem>>) src(%dma_wait3A_56 : memref<10000x64xf32, #tpu.memory_space<hbm>>) dst(%dma_wait3A_50 : memref<80x64xf32, #tpu.memory_space<vmem>>)
      %dma_wait3A_57 = arith.constant 122 : i32
      %dma_wait3A_58 = arith.constant 0 : i32
      %dma_wait3A_59 = arith.constant 0 : i32
      %dma_wait3A_60 = tpu.memref_slice %arg20[%dma_wait3A_58, %dma_wait3A_59] : memref<80x80xf32, #tpu.memory_space<vmem>> -> memref<80x80xf32, #tpu.memory_space<vmem>>
      %dma_wait3A_61 = arith.constant 0 : i32
      %dma_wait3A_62 = tpu.memref_slice %arg17[%dma_wait3A_57, %dma_wait3A_61] : memref<125x80xi32, #tpu.memory_space<vmem>> -> memref<1x80xi32, #tpu.memory_space<vmem>>
      %dma_wait3A_63 = tpu.memref_squeeze %dma_wait3A_62 : memref<1x80xi32, #tpu.memory_space<vmem>> -> memref<80xi32, #tpu.memory_space<vmem>>
      %dma_wait3A_64 = arith.constant 0 : i32
      %dma_wait3A_65 = arith.constant 0 : i32
      %dma_wait3A_66 = tpu.memref_slice %arg22[%dma_wait3A_64, %dma_wait3A_65] : memref<10000x80xf32, #tpu.memory_space<vmem_shared>> -> memref<10000x80xf32, #tpu.memory_space<vmem_shared>>
      tpu.wait_indirect_dma semaphore(%arg25 : memref<!tpu.dma_semaphore, #tpu.memory_space<semaphore_mem>>) src(%dma_wait3A_60 : memref<80x80xf32, #tpu.memory_space<vmem>>) dst(%dma_wait3A_66 : memref<10000x80xf32, #tpu.memory_space<vmem_shared>>)
      %dma_start3A_67 = arith.constant 124 : i32
      %dma_start3A_68 = arith.constant 0 : i32
      %dma_start3A_69 = arith.constant 0 : i32
      %dma_start3A_70 = tpu.memref_slice %arg20[%dma_start3A_68, %dma_start3A_69] : memref<80x80xf32, #tpu.memory_space<vmem>> -> memref<80x80xf32, #tpu.memory_space<vmem>>
      %dma_start3A_71 = arith.constant 0 : i32
      %dma_start3A_72 = tpu.memref_slice %arg17[%dma_start3A_67, %dma_start3A_71] : memref<125x80xi32, #tpu.memory_space<vmem>> -> memref<1x80xi32, #tpu.memory_space<vmem>>
      %dma_start3A_73 = tpu.memref_squeeze %dma_start3A_72 : memref<1x80xi32, #tpu.memory_space<vmem>> -> memref<80xi32, #tpu.memory_space<vmem>>
      %dma_start3A_74 = arith.constant 0 : i32
      %dma_start3A_75 = arith.constant 0 : i32
      %dma_start3A_76 = tpu.memref_slice %arg22[%dma_start3A_74, %dma_start3A_75] : memref<10000x80xf32, #tpu.memory_space<vmem_shared>> -> memref<10000x80xf32, #tpu.memory_space<vmem_shared>>
      tpu.enqueue_indirect_dma source(%dma_start3A_70 : memref<80x80xf32, #tpu.memory_space<vmem>>) target(%dma_start3A_76 : memref<10000x80xf32, #tpu.memory_space<vmem_shared>>) offsets(%dma_start3A_73 : memref<80xi32, #tpu.memory_space<vmem>>) semaphore(%arg25 : memref<!tpu.dma_semaphore, #tpu.memory_space<semaphore_mem>>) {add = true}
      %dma_wait3A_77 = arith.constant 123 : i32
      %dma_wait3A_78 = arith.constant 0 : i32
      %dma_wait3A_79 = arith.constant 0 : i32
      %dma_wait3A_80 = tpu.memref_slice %arg21[%dma_wait3A_78, %dma_wait3A_79] : memref<80x80xf32, #tpu.memory_space<vmem>> -> memref<80x80xf32, #tpu.memory_space<vmem>>
      %dma_wait3A_81 = arith.constant 0 : i32
      %dma_wait3A_82 = tpu.memref_slice %arg17[%dma_wait3A_77, %dma_wait3A_81] : memref<125x80xi32, #tpu.memory_space<vmem>> -> memref<1x80xi32, #tpu.memory_space<vmem>>
      %dma_wait3A_83 = tpu.memref_squeeze %dma_wait3A_82 : memref<1x80xi32, #tpu.memory_space<vmem>> -> memref<80xi32, #tpu.memory_space<vmem>>
      %dma_wait3A_84 = arith.constant 0 : i32
      %dma_wait3A_85 = arith.constant 0 : i32
      %dma_wait3A_86 = tpu.memref_slice %arg22[%dma_wait3A_84, %dma_wait3A_85] : memref<10000x80xf32, #tpu.memory_space<vmem_shared>> -> memref<10000x80xf32, #tpu.memory_space<vmem_shared>>
      tpu.wait_indirect_dma semaphore(%arg26 : memref<!tpu.dma_semaphore, #tpu.memory_space<semaphore_mem>>) src(%dma_wait3A_80 : memref<80x80xf32, #tpu.memory_space<vmem>>) dst(%dma_wait3A_86 : memref<10000x80xf32, #tpu.memory_space<vmem_shared>>)
      %dma_wait3A_87 = arith.constant 124 : i32
      %dma_wait3A_88 = arith.constant 0 : i32
      %dma_wait3A_89 = arith.constant 0 : i32
      %dma_wait3A_90 = tpu.memref_slice %arg20[%dma_wait3A_88, %dma_wait3A_89] : memref<80x80xf32, #tpu.memory_space<vmem>> -> memref<80x80xf32, #tpu.memory_space<vmem>>
      %dma_wait3A_91 = arith.constant 0 : i32
      %dma_wait3A_92 = tpu.memref_slice %arg17[%dma_wait3A_87, %dma_wait3A_91] : memref<125x80xi32, #tpu.memory_space<vmem>> -> memref<1x80xi32, #tpu.memory_space<vmem>>
      %dma_wait3A_93 = tpu.memref_squeeze %dma_wait3A_92 : memref<1x80xi32, #tpu.memory_space<vmem>> -> memref<80xi32, #tpu.memory_space<vmem>>
      %dma_wait3A_94 = arith.constant 0 : i32
      %dma_wait3A_95 = arith.constant 0 : i32
      %dma_wait3A_96 = tpu.memref_slice %arg22[%dma_wait3A_94, %dma_wait3A_95] : memref<10000x80xf32, #tpu.memory_space<vmem_shared>> -> memref<10000x80xf32, #tpu.memory_space<vmem_shared>>
      tpu.wait_indirect_dma semaphore(%arg25 : memref<!tpu.dma_semaphore, #tpu.memory_space<semaphore_mem>>) src(%dma_wait3A_90 : memref<80x80xf32, #tpu.memory_space<vmem>>) dst(%dma_wait3A_96 : memref<10000x80xf32, #tpu.memory_space<vmem_shared>>)
      %barrier3A_97 = arith.constant 0 : index
      tpu.barrier barrier_id(%barrier3A_97)
      "tpu.region"() ({
        %run_scoped3A = tpu.sem_alloc : memref<!tpu.dma_semaphore, #tpu.memory_space<semaphore_mem>>
        %dma_start3A_98 = arith.constant 0 : i32
        %dma_start3A_99 = tpu.memref_slice %arg12[%mul3A_14, %dma_start3A_98] : memref<10000x80xf32, #tpu.memory_space<hbm>> -> memref<625x80xf32, #tpu.memory_space<hbm>>
        %dma_start3A_100 = arith.constant 0 : i32
        %dma_start3A_101 = tpu.memref_slice %arg22[%mul3A_14, %dma_start3A_100] : memref<10000x80xf32, #tpu.memory_space<vmem_shared>> -> memref<625x80xf32, #tpu.memory_space<vmem_shared>>
        tpu.enqueue_dma source(%dma_start3A_101 : memref<625x80xf32, #tpu.memory_space<vmem_shared>>) target(%dma_start3A_99 : memref<625x80xf32, #tpu.memory_space<hbm>>) target_semaphore(%run_scoped3A : memref<!tpu.dma_semaphore, #tpu.memory_space<semaphore_mem>>)
        %dma_wait3A_102 = arith.constant 0 : i32
        %dma_wait3A_103 = tpu.memref_slice %arg12[%mul3A_14, %dma_wait3A_102] : memref<10000x80xf32, #tpu.memory_space<hbm>> -> memref<625x80xf32, #tpu.memory_space<hbm>>
        %dma_wait3A_104 = arith.constant 0 : i32
        %dma_wait3A_105 = tpu.memref_slice %arg22[%mul3A_14, %dma_wait3A_104] : memref<10000x80xf32, #tpu.memory_space<vmem_shared>> -> memref<625x80xf32, #tpu.memory_space<vmem_shared>>
        tpu.wait_dma2 semaphore(%run_scoped3A : memref<!tpu.dma_semaphore, #tpu.memory_space<semaphore_mem>>) src(%dma_wait3A_105 : memref<625x80xf32, #tpu.memory_space<vmem_shared>>) dst(%dma_wait3A_103 : memref<625x80xf32, #tpu.memory_space<hbm>>)
        tpu.yield
      }) : () -> ()
    } else {
    }
    %eq3A_2 = arith.constant 1 : i32
    %eq3A_3 = arith.cmpi eq, %arg0, %eq3A_2 : i32
    %convert_element_type3A_4 = arith.extui %eq3A_3 : i1 to i32
    %cond3A_5 = arith.constant 0 : i32
    %cond3A_6 = arith.cmpi ne, %convert_element_type3A_4, %cond3A_5 : i32
    scf.if %cond3A_6 {
      "tpu.region"() ({
        %run_scoped3A = tpu.sem_alloc : memref<!tpu.dma_semaphore, #tpu.memory_space<semaphore_mem>>
        tpu.enqueue_dma source(%arg8 : memref<10000xf32, #tpu.memory_space<hbm>>) target(%arg14 : memref<10000xf32, #tpu.memory_space<vmem>>) target_semaphore(%run_scoped3A : memref<!tpu.dma_semaphore, #tpu.memory_space<semaphore_mem>>)
        tpu.wait_dma2 semaphore(%run_scoped3A : memref<!tpu.dma_semaphore, #tpu.memory_space<semaphore_mem>>) src(%arg8 : memref<10000xf32, #tpu.memory_space<hbm>>) dst(%arg14 : memref<10000xf32, #tpu.memory_space<vmem>>)
        tpu.yield
      }) : () -> ()
      "tpu.region"() ({
        %run_scoped3A = tpu.sem_alloc : memref<!tpu.dma_semaphore, #tpu.memory_space<semaphore_mem>>
        tpu.enqueue_dma source(%arg9 : memref<10000xf32, #tpu.memory_space<hbm>>) target(%arg15 : memref<10000xf32, #tpu.memory_space<vmem>>) target_semaphore(%run_scoped3A : memref<!tpu.dma_semaphore, #tpu.memory_space<semaphore_mem>>)
        tpu.wait_dma2 semaphore(%run_scoped3A : memref<!tpu.dma_semaphore, #tpu.memory_space<semaphore_mem>>) src(%arg9 : memref<10000xf32, #tpu.memory_space<hbm>>) dst(%arg15 : memref<10000xf32, #tpu.memory_space<vmem>>)
        tpu.yield
      }) : () -> ()
      %mul3A = arith.constant 125 : i32
      %mul3A_7 = arith.muli %arg1, %mul3A : i32
      "tpu.region"() ({
        %run_scoped3A = tpu.sem_alloc : memref<!tpu.dma_semaphore, #tpu.memory_space<semaphore_mem>>
        %dma_start3A_98 = arith.constant 0 : i32
        %dma_start3A_99 = tpu.memref_slice %arg4[%mul3A_7, %dma_start3A_98] : memref<2000x80xi32, #tpu.memory_space<hbm>> -> memref<125x80xi32, #tpu.memory_space<hbm>>
        %dma_start3A_100 = arith.constant 0 : i32
        %dma_start3A_101 = tpu.memref_slice %arg4[%mul3A_7, %dma_start3A_100] : memref<2000x80xi32, #tpu.memory_space<hbm>> -> memref<125x80xi32, #tpu.memory_space<hbm>>
        tpu.enqueue_dma source(%dma_start3A_101 : memref<125x80xi32, #tpu.memory_space<hbm>>) target(%arg16 : memref<125x80xi32, #tpu.memory_space<vmem>>) target_semaphore(%run_scoped3A : memref<!tpu.dma_semaphore, #tpu.memory_space<semaphore_mem>>)
        %dma_wait3A_102 = arith.constant 0 : i32
        %dma_wait3A_103 = tpu.memref_slice %arg4[%mul3A_7, %dma_wait3A_102] : memref<2000x80xi32, #tpu.memory_space<hbm>> -> memref<125x80xi32, #tpu.memory_space<hbm>>
        %dma_wait3A_104 = arith.constant 0 : i32
        %dma_wait3A_105 = tpu.memref_slice %arg4[%mul3A_7, %dma_wait3A_104] : memref<2000x80xi32, #tpu.memory_space<hbm>> -> memref<125x80xi32, #tpu.memory_space<hbm>>
        tpu.wait_dma2 semaphore(%run_scoped3A : memref<!tpu.dma_semaphore, #tpu.memory_space<semaphore_mem>>) src(%dma_wait3A_105 : memref<125x80xi32, #tpu.memory_space<hbm>>) dst(%arg16 : memref<125x80xi32, #tpu.memory_space<vmem>>)
        tpu.yield
      }) : () -> ()
      %mul3A_8 = arith.constant 125 : i32
      %mul3A_9 = arith.muli %arg1, %mul3A_8 : i32
      "tpu.region"() ({
        %run_scoped3A = tpu.sem_alloc : memref<!tpu.dma_semaphore, #tpu.memory_space<semaphore_mem>>
        %dma_start3A_98 = arith.constant 0 : i32
        %dma_start3A_99 = tpu.memref_slice %arg5[%mul3A_9, %dma_start3A_98] : memref<2000x80xi32, #tpu.memory_space<hbm>> -> memref<125x80xi32, #tpu.memory_space<hbm>>
        %dma_start3A_100 = arith.constant 0 : i32
        %dma_start3A_101 = tpu.memref_slice %arg5[%mul3A_9, %dma_start3A_100] : memref<2000x80xi32, #tpu.memory_space<hbm>> -> memref<125x80xi32, #tpu.memory_space<hbm>>
        tpu.enqueue_dma source(%dma_start3A_101 : memref<125x80xi32, #tpu.memory_space<hbm>>) target(%arg17 : memref<125x80xi32, #tpu.memory_space<vmem>>) target_semaphore(%run_scoped3A : memref<!tpu.dma_semaphore, #tpu.memory_space<semaphore_mem>>)
        %dma_wait3A_102 = arith.constant 0 : i32
        %dma_wait3A_103 = tpu.memref_slice %arg5[%mul3A_9, %dma_wait3A_102] : memref<2000x80xi32, #tpu.memory_space<hbm>> -> memref<125x80xi32, #tpu.memory_space<hbm>>
        %dma_wait3A_104 = arith.constant 0 : i32
        %dma_wait3A_105 = tpu.memref_slice %arg5[%mul3A_9, %dma_wait3A_104] : memref<2000x80xi32, #tpu.memory_space<hbm>> -> memref<125x80xi32, #tpu.memory_space<hbm>>
        tpu.wait_dma2 semaphore(%run_scoped3A : memref<!tpu.dma_semaphore, #tpu.memory_space<semaphore_mem>>) src(%dma_wait3A_105 : memref<125x80xi32, #tpu.memory_space<hbm>>) dst(%arg17 : memref<125x80xi32, #tpu.memory_space<vmem>>)
        tpu.yield
      }) : () -> ()
      %broadcast_in_dim3A = arith.constant 0.000000e+00 : f32
      %broadcast_in_dim3A_10 = vector.broadcast %broadcast_in_dim3A : f32 to vector<16xf32>
      %parallel_loop3A = arith.constant 0 : i32
      %parallel_loop3A_11 = arith.constant 80 : i32
      %parallel_loop3A_12 = arith.constant 1 : i32
      scf.for %parallel_loop3A_98 = %parallel_loop3A to %parallel_loop3A_11 step %parallel_loop3A_12  : i32 {
        %parallel_loop3A_99 = arith.index_cast %parallel_loop3A_98 : i32 to index
        %parallel_loop3A_100 = arith.constant 0 : index
        %parallel_loop3A_101 = tpu.vector_load %arg20[%parallel_loop3A_99, %parallel_loop3A_100] {strides = array<i32>} : memref<80x80xf32, #tpu.memory_space<vmem>>, vector<16xf32>,
        tpu.vector_store %arg20[%parallel_loop3A_99, %parallel_loop3A_100], %broadcast_in_dim3A_10 {strides = array<i32>} : memref<80x80xf32, #tpu.memory_space<vmem>>, vector<16xf32>,
        %parallel_loop3A_102 = arith.index_cast %parallel_loop3A_98 : i32 to index
        %parallel_loop3A_103 = arith.constant 16 : index
        %parallel_loop3A_104 = tpu.vector_load %arg20[%parallel_loop3A_102, %parallel_loop3A_103] {strides = array<i32>} : memref<80x80xf32, #tpu.memory_space<vmem>>, vector<16xf32>,
        tpu.vector_store %arg20[%parallel_loop3A_102, %parallel_loop3A_103], %broadcast_in_dim3A_10 {strides = array<i32>} : memref<80x80xf32, #tpu.memory_space<vmem>>, vector<16xf32>,
        %parallel_loop3A_105 = arith.index_cast %parallel_loop3A_98 : i32 to index
        %parallel_loop3A_106 = arith.constant 32 : index
        %parallel_loop3A_107 = tpu.vector_load %arg20[%parallel_loop3A_105, %parallel_loop3A_106] {strides = array<i32>} : memref<80x80xf32, #tpu.memory_space<vmem>>, vector<16xf32>,
        tpu.vector_store %arg20[%parallel_loop3A_105, %parallel_loop3A_106], %broadcast_in_dim3A_10 {strides = array<i32>} : memref<80x80xf32, #tpu.memory_space<vmem>>, vector<16xf32>,
        %parallel_loop3A_108 = arith.index_cast %parallel_loop3A_98 : i32 to index
        %parallel_loop3A_109 = arith.constant 48 : index
        %parallel_loop3A_110 = tpu.vector_load %arg20[%parallel_loop3A_108, %parallel_loop3A_109] {strides = array<i32>} : memref<80x80xf32, #tpu.memory_space<vmem>>, vector<16xf32>,
        tpu.vector_store %arg20[%parallel_loop3A_108, %parallel_loop3A_109], %broadcast_in_dim3A_10 {strides = array<i32>} : memref<80x80xf32, #tpu.memory_space<vmem>>, vector<16xf32>,
        %parallel_loop3A_111 = arith.index_cast %parallel_loop3A_98 : i32 to index
        %parallel_loop3A_112 = arith.constant 64 : index
        %parallel_loop3A_113 = tpu.vector_load %arg20[%parallel_loop3A_111, %parallel_loop3A_112] {strides = array<i32>} : memref<80x80xf32, #tpu.memory_space<vmem>>, vector<16xf32>,
        tpu.vector_store %arg20[%parallel_loop3A_111, %parallel_loop3A_112], %broadcast_in_dim3A_10 {strides = array<i32>} : memref<80x80xf32, #tpu.memory_space<vmem>>, vector<16xf32>,
      } {sc.loop_unroll_factor = 4 : i64, sc.parallel_access}
      %mul3A_13 = arith.constant 625 : i32
      %mul3A_14 = arith.muli %arg1, %mul3A_13 : i32
      %add3A = arith.constant 0 : i32
      %add3A_15 = arith.addi %mul3A_14, %add3A : i32
      "tpu.region"() ({
        %run_scoped3A = tpu.sem_alloc : memref<!tpu.dma_semaphore, #tpu.memory_space<semaphore_mem>>
        %dma_start3A_98 = arith.constant 0 : i32
        %dma_start3A_99 = tpu.memref_slice %arg22[%add3A_15, %dma_start3A_98] : memref<10000x80xf32, #tpu.memory_space<vmem_shared>> -> memref<80x80xf32, #tpu.memory_space<vmem_shared>>
        %dma_start3A_100 = arith.constant 0 : i32
        %dma_start3A_101 = tpu.memref_slice %arg22[%add3A_15, %dma_start3A_100] : memref<10000x80xf32, #tpu.memory_space<vmem_shared>> -> memref<80x80xf32, #tpu.memory_space<vmem_shared>>
        tpu.enqueue_dma source(%arg20 : memref<80x80xf32, #tpu.memory_space<vmem>>) target(%dma_start3A_101 : memref<80x80xf32, #tpu.memory_space<vmem_shared>>) target_semaphore(%run_scoped3A : memref<!tpu.dma_semaphore, #tpu.memory_space<semaphore_mem>>)
        %dma_wait3A_102 = arith.constant 0 : i32
        %dma_wait3A_103 = tpu.memref_slice %arg22[%add3A_15, %dma_wait3A_102] : memref<10000x80xf32, #tpu.memory_space<vmem_shared>> -> memref<80x80xf32, #tpu.memory_space<vmem_shared>>
        %dma_wait3A_104 = arith.constant 0 : i32
        %dma_wait3A_105 = tpu.memref_slice %arg22[%add3A_15, %dma_wait3A_104] : memref<10000x80xf32, #tpu.memory_space<vmem_shared>> -> memref<80x80xf32, #tpu.memory_space<vmem_shared>>
        tpu.wait_dma2 semaphore(%run_scoped3A : memref<!tpu.dma_semaphore, #tpu.memory_space<semaphore_mem>>) src(%arg20 : memref<80x80xf32, #tpu.memory_space<vmem>>) dst(%dma_wait3A_105 : memref<80x80xf32, #tpu.memory_space<vmem_shared>>)
        tpu.yield
      }) : () -> ()
      %add3A_16 = arith.constant 80 : i32
      %add3A_17 = arith.addi %mul3A_14, %add3A_16 : i32
      "tpu.region"() ({
        %run_scoped3A = tpu.sem_alloc : memref<!tpu.dma_semaphore, #tpu.memory_space<semaphore_mem>>
        %dma_start3A_98 = arith.constant 0 : i32
        %dma_start3A_99 = tpu.memref_slice %arg22[%add3A_17, %dma_start3A_98] : memref<10000x80xf32, #tpu.memory_space<vmem_shared>> -> memref<80x80xf32, #tpu.memory_space<vmem_shared>>
        %dma_start3A_100 = arith.constant 0 : i32
        %dma_start3A_101 = tpu.memref_slice %arg22[%add3A_17, %dma_start3A_100] : memref<10000x80xf32, #tpu.memory_space<vmem_shared>> -> memref<80x80xf32, #tpu.memory_space<vmem_shared>>
        tpu.enqueue_dma source(%arg20 : memref<80x80xf32, #tpu.memory_space<vmem>>) target(%dma_start3A_101 : memref<80x80xf32, #tpu.memory_space<vmem_shared>>) target_semaphore(%run_scoped3A : memref<!tpu.dma_semaphore, #tpu.memory_space<semaphore_mem>>)
        %dma_wait3A_102 = arith.constant 0 : i32
        %dma_wait3A_103 = tpu.memref_slice %arg22[%add3A_17, %dma_wait3A_102] : memref<10000x80xf32, #tpu.memory_space<vmem_shared>> -> memref<80x80xf32, #tpu.memory_space<vmem_shared>>
        %dma_wait3A_104 = arith.constant 0 : i32
        %dma_wait3A_105 = tpu.memref_slice %arg22[%add3A_17, %dma_wait3A_104] : memref<10000x80xf32, #tpu.memory_space<vmem_shared>> -> memref<80x80xf32, #tpu.memory_space<vmem_shared>>
        tpu.wait_dma2 semaphore(%run_scoped3A : memref<!tpu.dma_semaphore, #tpu.memory_space<semaphore_mem>>) src(%arg20 : memref<80x80xf32, #tpu.memory_space<vmem>>) dst(%dma_wait3A_105 : memref<80x80xf32, #tpu.memory_space<vmem_shared>>)
        tpu.yield
      }) : () -> ()
      %add3A_18 = arith.constant 160 : i32
      %add3A_19 = arith.addi %mul3A_14, %add3A_18 : i32
      "tpu.region"() ({
        %run_scoped3A = tpu.sem_alloc : memref<!tpu.dma_semaphore, #tpu.memory_space<semaphore_mem>>
        %dma_start3A_98 = arith.constant 0 : i32
        %dma_start3A_99 = tpu.memref_slice %arg22[%add3A_19, %dma_start3A_98] : memref<10000x80xf32, #tpu.memory_space<vmem_shared>> -> memref<80x80xf32, #tpu.memory_space<vmem_shared>>
        %dma_start3A_100 = arith.constant 0 : i32
        %dma_start3A_101 = tpu.memref_slice %arg22[%add3A_19, %dma_start3A_100] : memref<10000x80xf32, #tpu.memory_space<vmem_shared>> -> memref<80x80xf32, #tpu.memory_space<vmem_shared>>
        tpu.enqueue_dma source(%arg20 : memref<80x80xf32, #tpu.memory_space<vmem>>) target(%dma_start3A_101 : memref<80x80xf32, #tpu.memory_space<vmem_shared>>) target_semaphore(%run_scoped3A : memref<!tpu.dma_semaphore, #tpu.memory_space<semaphore_mem>>)
        %dma_wait3A_102 = arith.constant 0 : i32
        %dma_wait3A_103 = tpu.memref_slice %arg22[%add3A_19, %dma_wait3A_102] : memref<10000x80xf32, #tpu.memory_space<vmem_shared>> -> memref<80x80xf32, #tpu.memory_space<vmem_shared>>
        %dma_wait3A_104 = arith.constant 0 : i32
        %dma_wait3A_105 = tpu.memref_slice %arg22[%add3A_19, %dma_wait3A_104] : memref<10000x80xf32, #tpu.memory_space<vmem_shared>> -> memref<80x80xf32, #tpu.memory_space<vmem_shared>>
        tpu.wait_dma2 semaphore(%run_scoped3A : memref<!tpu.dma_semaphore, #tpu.memory_space<semaphore_mem>>) src(%arg20 : memref<80x80xf32, #tpu.memory_space<vmem>>) dst(%dma_wait3A_105 : memref<80x80xf32, #tpu.memory_space<vmem_shared>>)
        tpu.yield
      }) : () -> ()
      %add3A_20 = arith.constant 240 : i32
      %add3A_21 = arith.addi %mul3A_14, %add3A_20 : i32
      "tpu.region"() ({
        %run_scoped3A = tpu.sem_alloc : memref<!tpu.dma_semaphore, #tpu.memory_space<semaphore_mem>>
        %dma_start3A_98 = arith.constant 0 : i32
        %dma_start3A_99 = tpu.memref_slice %arg22[%add3A_21, %dma_start3A_98] : memref<10000x80xf32, #tpu.memory_space<vmem_shared>> -> memref<80x80xf32, #tpu.memory_space<vmem_shared>>
        %dma_start3A_100 = arith.constant 0 : i32
        %dma_start3A_101 = tpu.memref_slice %arg22[%add3A_21, %dma_start3A_100] : memref<10000x80xf32, #tpu.memory_space<vmem_shared>> -> memref<80x80xf32, #tpu.memory_space<vmem_shared>>
        tpu.enqueue_dma source(%arg20 : memref<80x80xf32, #tpu.memory_space<vmem>>) target(%dma_start3A_101 : memref<80x80xf32, #tpu.memory_space<vmem_shared>>) target_semaphore(%run_scoped3A : memref<!tpu.dma_semaphore, #tpu.memory_space<semaphore_mem>>)
        %dma_wait3A_102 = arith.constant 0 : i32
        %dma_wait3A_103 = tpu.memref_slice %arg22[%add3A_21, %dma_wait3A_102] : memref<10000x80xf32, #tpu.memory_space<vmem_shared>> -> memref<80x80xf32, #tpu.memory_space<vmem_shared>>
        %dma_wait3A_104 = arith.constant 0 : i32
        %dma_wait3A_105 = tpu.memref_slice %arg22[%add3A_21, %dma_wait3A_104] : memref<10000x80xf32, #tpu.memory_space<vmem_shared>> -> memref<80x80xf32, #tpu.memory_space<vmem_shared>>
        tpu.wait_dma2 semaphore(%run_scoped3A : memref<!tpu.dma_semaphore, #tpu.memory_space<semaphore_mem>>) src(%arg20 : memref<80x80xf32, #tpu.memory_space<vmem>>) dst(%dma_wait3A_105 : memref<80x80xf32, #tpu.memory_space<vmem_shared>>)
        tpu.yield
      }) : () -> ()
      %add3A_22 = arith.constant 320 : i32
      %add3A_23 = arith.addi %mul3A_14, %add3A_22 : i32
      "tpu.region"() ({
        %run_scoped3A = tpu.sem_alloc : memref<!tpu.dma_semaphore, #tpu.memory_space<semaphore_mem>>
        %dma_start3A_98 = arith.constant 0 : i32
        %dma_start3A_99 = tpu.memref_slice %arg22[%add3A_23, %dma_start3A_98] : memref<10000x80xf32, #tpu.memory_space<vmem_shared>> -> memref<80x80xf32, #tpu.memory_space<vmem_shared>>
        %dma_start3A_100 = arith.constant 0 : i32
        %dma_start3A_101 = tpu.memref_slice %arg22[%add3A_23, %dma_start3A_100] : memref<10000x80xf32, #tpu.memory_space<vmem_shared>> -> memref<80x80xf32, #tpu.memory_space<vmem_shared>>
        tpu.enqueue_dma source(%arg20 : memref<80x80xf32, #tpu.memory_space<vmem>>) target(%dma_start3A_101 : memref<80x80xf32, #tpu.memory_space<vmem_shared>>) target_semaphore(%run_scoped3A : memref<!tpu.dma_semaphore, #tpu.memory_space<semaphore_mem>>)
        %dma_wait3A_102 = arith.constant 0 : i32
        %dma_wait3A_103 = tpu.memref_slice %arg22[%add3A_23, %dma_wait3A_102] : memref<10000x80xf32, #tpu.memory_space<vmem_shared>> -> memref<80x80xf32, #tpu.memory_space<vmem_shared>>
        %dma_wait3A_104 = arith.constant 0 : i32
        %dma_wait3A_105 = tpu.memref_slice %arg22[%add3A_23, %dma_wait3A_104] : memref<10000x80xf32, #tpu.memory_space<vmem_shared>> -> memref<80x80xf32, #tpu.memory_space<vmem_shared>>
        tpu.wait_dma2 semaphore(%run_scoped3A : memref<!tpu.dma_semaphore, #tpu.memory_space<semaphore_mem>>) src(%arg20 : memref<80x80xf32, #tpu.memory_space<vmem>>) dst(%dma_wait3A_105 : memref<80x80xf32, #tpu.memory_space<vmem_shared>>)
        tpu.yield
      }) : () -> ()
      %add3A_24 = arith.constant 400 : i32
      %add3A_25 = arith.addi %mul3A_14, %add3A_24 : i32
      "tpu.region"() ({
        %run_scoped3A = tpu.sem_alloc : memref<!tpu.dma_semaphore, #tpu.memory_space<semaphore_mem>>
        %dma_start3A_98 = arith.constant 0 : i32
        %dma_start3A_99 = tpu.memref_slice %arg22[%add3A_25, %dma_start3A_98] : memref<10000x80xf32, #tpu.memory_space<vmem_shared>> -> memref<80x80xf32, #tpu.memory_space<vmem_shared>>
        %dma_start3A_100 = arith.constant 0 : i32
        %dma_start3A_101 = tpu.memref_slice %arg22[%add3A_25, %dma_start3A_100] : memref<10000x80xf32, #tpu.memory_space<vmem_shared>> -> memref<80x80xf32, #tpu.memory_space<vmem_shared>>
        tpu.enqueue_dma source(%arg20 : memref<80x80xf32, #tpu.memory_space<vmem>>) target(%dma_start3A_101 : memref<80x80xf32, #tpu.memory_space<vmem_shared>>) target_semaphore(%run_scoped3A : memref<!tpu.dma_semaphore, #tpu.memory_space<semaphore_mem>>)
        %dma_wait3A_102 = arith.constant 0 : i32
        %dma_wait3A_103 = tpu.memref_slice %arg22[%add3A_25, %dma_wait3A_102] : memref<10000x80xf32, #tpu.memory_space<vmem_shared>> -> memref<80x80xf32, #tpu.memory_space<vmem_shared>>
        %dma_wait3A_104 = arith.constant 0 : i32
        %dma_wait3A_105 = tpu.memref_slice %arg22[%add3A_25, %dma_wait3A_104] : memref<10000x80xf32, #tpu.memory_space<vmem_shared>> -> memref<80x80xf32, #tpu.memory_space<vmem_shared>>
        tpu.wait_dma2 semaphore(%run_scoped3A : memref<!tpu.dma_semaphore, #tpu.memory_space<semaphore_mem>>) src(%arg20 : memref<80x80xf32, #tpu.memory_space<vmem>>) dst(%dma_wait3A_105 : memref<80x80xf32, #tpu.memory_space<vmem_shared>>)
        tpu.yield
      }) : () -> ()
      %add3A_26 = arith.constant 480 : i32
      %add3A_27 = arith.addi %mul3A_14, %add3A_26 : i32
      "tpu.region"() ({
        %run_scoped3A = tpu.sem_alloc : memref<!tpu.dma_semaphore, #tpu.memory_space<semaphore_mem>>
        %dma_start3A_98 = arith.constant 0 : i32
        %dma_start3A_99 = tpu.memref_slice %arg22[%add3A_27, %dma_start3A_98] : memref<10000x80xf32, #tpu.memory_space<vmem_shared>> -> memref<80x80xf32, #tpu.memory_space<vmem_shared>>
        %dma_start3A_100 = arith.constant 0 : i32
        %dma_start3A_101 = tpu.memref_slice %arg22[%add3A_27, %dma_start3A_100] : memref<10000x80xf32, #tpu.memory_space<vmem_shared>> -> memref<80x80xf32, #tpu.memory_space<vmem_shared>>
        tpu.enqueue_dma source(%arg20 : memref<80x80xf32, #tpu.memory_space<vmem>>) target(%dma_start3A_101 : memref<80x80xf32, #tpu.memory_space<vmem_shared>>) target_semaphore(%run_scoped3A : memref<!tpu.dma_semaphore, #tpu.memory_space<semaphore_mem>>)
        %dma_wait3A_102 = arith.constant 0 : i32
        %dma_wait3A_103 = tpu.memref_slice %arg22[%add3A_27, %dma_wait3A_102] : memref<10000x80xf32, #tpu.memory_space<vmem_shared>> -> memref<80x80xf32, #tpu.memory_space<vmem_shared>>
        %dma_wait3A_104 = arith.constant 0 : i32
        %dma_wait3A_105 = tpu.memref_slice %arg22[%add3A_27, %dma_wait3A_104] : memref<10000x80xf32, #tpu.memory_space<vmem_shared>> -> memref<80x80xf32, #tpu.memory_space<vmem_shared>>
        tpu.wait_dma2 semaphore(%run_scoped3A : memref<!tpu.dma_semaphore, #tpu.memory_space<semaphore_mem>>) src(%arg20 : memref<80x80xf32, #tpu.memory_space<vmem>>) dst(%dma_wait3A_105 : memref<80x80xf32, #tpu.memory_space<vmem_shared>>)
        tpu.yield
      }) : () -> ()
      %add3A_28 = arith.constant 560 : i32
      %add3A_29 = arith.addi %mul3A_14, %add3A_28 : i32
      "tpu.region"() ({
        %run_scoped3A = tpu.sem_alloc : memref<!tpu.dma_semaphore, #tpu.memory_space<semaphore_mem>>
        %dma_start3A_98 = arith.constant 0 : i32
        %dma_start3A_99 = arith.constant 0 : i32
        %dma_start3A_100 = tpu.memref_slice %arg20[%dma_start3A_98, %dma_start3A_99] : memref<80x80xf32, #tpu.memory_space<vmem>> -> memref<65x80xf32, #tpu.memory_space<vmem>>
        %dma_start3A_101 = arith.constant 0 : i32
        %dma_start3A_102 = tpu.memref_slice %arg22[%add3A_29, %dma_start3A_101] : memref<10000x80xf32, #tpu.memory_space<vmem_shared>> -> memref<65x80xf32, #tpu.memory_space<vmem_shared>>
        %dma_start3A_103 = arith.constant 0 : i32
        %dma_start3A_104 = tpu.memref_slice %arg22[%add3A_29, %dma_start3A_103] : memref<10000x80xf32, #tpu.memory_space<vmem_shared>> -> memref<65x80xf32, #tpu.memory_space<vmem_shared>>
        %dma_start3A_105 = arith.constant 0 : i32
        %dma_start3A_106 = arith.constant 0 : i32
        %dma_start3A_107 = tpu.memref_slice %arg20[%dma_start3A_105, %dma_start3A_106] : memref<80x80xf32, #tpu.memory_space<vmem>> -> memref<65x80xf32, #tpu.memory_space<vmem>>
        tpu.enqueue_dma source(%dma_start3A_107 : memref<65x80xf32, #tpu.memory_space<vmem>>) target(%dma_start3A_104 : memref<65x80xf32, #tpu.memory_space<vmem_shared>>) target_semaphore(%run_scoped3A : memref<!tpu.dma_semaphore, #tpu.memory_space<semaphore_mem>>)
        %dma_wait3A_108 = arith.constant 0 : i32
        %dma_wait3A_109 = arith.constant 0 : i32
        %dma_wait3A_110 = tpu.memref_slice %arg20[%dma_wait3A_108, %dma_wait3A_109] : memref<80x80xf32, #tpu.memory_space<vmem>> -> memref<65x80xf32, #tpu.memory_space<vmem>>
        %dma_wait3A_111 = arith.constant 0 : i32
        %dma_wait3A_112 = tpu.memref_slice %arg22[%add3A_29, %dma_wait3A_111] : memref<10000x80xf32, #tpu.memory_space<vmem_shared>> -> memref<65x80xf32, #tpu.memory_space<vmem_shared>>
        %dma_wait3A_113 = arith.constant 0 : i32
        %dma_wait3A_114 = tpu.memref_slice %arg22[%add3A_29, %dma_wait3A_113] : memref<10000x80xf32, #tpu.memory_space<vmem_shared>> -> memref<65x80xf32, #tpu.memory_space<vmem_shared>>
        %dma_wait3A_115 = arith.constant 0 : i32
        %dma_wait3A_116 = arith.constant 0 : i32
        %dma_wait3A_117 = tpu.memref_slice %arg20[%dma_wait3A_115, %dma_wait3A_116] : memref<80x80xf32, #tpu.memory_space<vmem>> -> memref<65x80xf32, #tpu.memory_space<vmem>>
        tpu.wait_dma2 semaphore(%run_scoped3A : memref<!tpu.dma_semaphore, #tpu.memory_space<semaphore_mem>>) src(%dma_wait3A_117 : memref<65x80xf32, #tpu.memory_space<vmem>>) dst(%dma_wait3A_114 : memref<65x80xf32, #tpu.memory_space<vmem_shared>>)
        tpu.yield
      }) : () -> ()
      %barrier3A = arith.constant 0 : index
      tpu.barrier barrier_id(%barrier3A)
      %iota3A = tpu.iota {dimensions = array<i32: 0>} : vector<16xi32>
      %eq3A_30 = arith.constant 0 : i32
      %eq3A_31 = vector.broadcast %eq3A_30 : i32 to vector<16xi32>
      %eq3A_32 = arith.cmpi eq, %iota3A, %eq3A_31 : vector<16xi32>
      %convert_element_type3A_33 = arith.extui %eq3A_32 : vector<16xi1> to vector<16xi32>
      %convert_element_type3A_34 = arith.sitofp %convert_element_type3A_33 : vector<16xi32> to vector<16xf32>
      %dma_start3A = arith.constant 0 : i32
      %dma_start3A_35 = arith.constant 0 : i32
      %dma_start3A_36 = arith.constant 0 : i32
      %dma_start3A_37 = tpu.memref_slice %arg18[%dma_start3A_35, %dma_start3A_36] : memref<80x64xf32, #tpu.memory_space<vmem>> -> memref<80x64xf32, #tpu.memory_space<vmem>>
      %dma_start3A_38 = arith.constant 0 : i32
      %dma_start3A_39 = tpu.memref_slice %arg16[%dma_start3A, %dma_start3A_38] : memref<125x80xi32, #tpu.memory_space<vmem>> -> memref<1x80xi32, #tpu.memory_space<vmem>>
      %dma_start3A_40 = tpu.memref_squeeze %dma_start3A_39 : memref<1x80xi32, #tpu.memory_space<vmem>> -> memref<80xi32, #tpu.memory_space<vmem>>
      %dma_start3A_41 = arith.constant 0 : i32
      %dma_start3A_42 = arith.constant 0 : i32
      %dma_start3A_43 = tpu.memref_slice %arg11[%dma_start3A_41, %dma_start3A_42] : memref<10000x64xf32, #tpu.memory_space<hbm>> -> memref<10000x64xf32, #tpu.memory_space<hbm>>
      tpu.enqueue_indirect_dma source(%dma_start3A_43 : memref<10000x64xf32, #tpu.memory_space<hbm>>) target(%dma_start3A_37 : memref<80x64xf32, #tpu.memory_space<vmem>>) offsets(%dma_start3A_40 : memref<80xi32, #tpu.memory_space<vmem>>) semaphore(%arg23 : memref<!tpu.dma_semaphore, #tpu.memory_space<semaphore_mem>>)
      %scan3A = arith.constant 0 : i32
      %scan3A_44 = arith.constant 62 : i32
      %scan3A_45 = arith.addi %scan3A, %scan3A_44 : i32
      %scan3A_46 = arith.constant 1 : i32
      scf.for %scan3A_98 = %scan3A to %scan3A_45 step %scan3A_46  : i32 {
        %mul3A_99 = arith.constant 2 : i32
        %mul3A_100 = arith.muli %scan3A_98, %mul3A_99 : i32
        %add3A_101 = arith.constant 0 : i32
        %add3A_102 = arith.addi %add3A_101, %mul3A_100 : i32
        %add3A_103 = arith.constant 1 : i32
        %add3A_104 = arith.addi %add3A_102, %add3A_103 : i32
        %mul3A_105 = arith.constant 1 : i32
        %mul3A_106 = arith.muli %add3A_104, %mul3A_105 : i32
        %add3A_107 = arith.constant 0 : i32
        %add3A_108 = arith.addi %mul3A_106, %add3A_107 : i32
        %dma_start3A_109 = arith.constant 0 : i32
        %dma_start3A_110 = arith.constant 0 : i32
        %dma_start3A_111 = tpu.memref_slice %arg19[%dma_start3A_109, %dma_start3A_110] : memref<80x64xf32, #tpu.memory_space<vmem>> -> memref<80x64xf32, #tpu.memory_space<vmem>>
        %dma_start3A_112 = arith.constant 0 : i32
        %dma_start3A_113 = tpu.memref_slice %arg16[%add3A_108, %dma_start3A_112] : memref<125x80xi32, #tpu.memory_space<vmem>> -> memref<1x80xi32, #tpu.memory_space<vmem>>
        %dma_start3A_114 = tpu.memref_squeeze %dma_start3A_113 : memref<1x80xi32, #tpu.memory_space<vmem>> -> memref<80xi32, #tpu.memory_space<vmem>>
        %dma_start3A_115 = arith.constant 0 : i32
        %dma_start3A_116 = arith.constant 0 : i32
        %dma_start3A_117 = tpu.memref_slice %arg11[%dma_start3A_115, %dma_start3A_116] : memref<10000x64xf32, #tpu.memory_space<hbm>> -> memref<10000x64xf32, #tpu.memory_space<hbm>>
        tpu.enqueue_indirect_dma source(%dma_start3A_117 : memref<10000x64xf32, #tpu.memory_space<hbm>>) target(%dma_start3A_111 : memref<80x64xf32, #tpu.memory_space<vmem>>) offsets(%dma_start3A_114 : memref<80xi32, #tpu.memory_space<vmem>>) semaphore(%arg24 : memref<!tpu.dma_semaphore, #tpu.memory_space<semaphore_mem>>)
        %mul3A_118 = arith.constant 1 : i32
        %mul3A_119 = arith.muli %add3A_102, %mul3A_118 : i32
        %add3A_120 = arith.constant 0 : i32
        %add3A_121 = arith.addi %mul3A_119, %add3A_120 : i32
        %dma_wait3A_122 = arith.constant 0 : i32
        %dma_wait3A_123 = arith.constant 0 : i32
        %dma_wait3A_124 = tpu.memref_slice %arg18[%dma_wait3A_122, %dma_wait3A_123] : memref<80x64xf32, #tpu.memory_space<vmem>> -> memref<80x64xf32, #tpu.memory_space<vmem>>
        %dma_wait3A_125 = arith.constant 0 : i32
        %dma_wait3A_126 = tpu.memref_slice %arg16[%add3A_121, %dma_wait3A_125] : memref<125x80xi32, #tpu.memory_space<vmem>> -> memref<1x80xi32, #tpu.memory_space<vmem>>
        %dma_wait3A_127 = tpu.memref_squeeze %dma_wait3A_126 : memref<1x80xi32, #tpu.memory_space<vmem>> -> memref<80xi32, #tpu.memory_space<vmem>>
        %dma_wait3A_128 = arith.constant 0 : i32
        %dma_wait3A_129 = arith.constant 0 : i32
        %dma_wait3A_130 = tpu.memref_slice %arg11[%dma_wait3A_128, %dma_wait3A_129] : memref<10000x64xf32, #tpu.memory_space<hbm>> -> memref<10000x64xf32, #tpu.memory_space<hbm>>
        tpu.wait_indirect_dma semaphore(%arg23 : memref<!tpu.dma_semaphore, #tpu.memory_space<semaphore_mem>>) src(%dma_wait3A_130 : memref<10000x64xf32, #tpu.memory_space<hbm>>) dst(%dma_wait3A_124 : memref<80x64xf32, #tpu.memory_space<vmem>>)
        %gt3A = arith.constant 0 : i32
        %gt3A_131 = arith.cmpi sgt, %add3A_102, %gt3A : i32
        %convert_element_type3A_132 = arith.extui %gt3A_131 : i1 to i32
        %cond3A_133 = arith.constant 0 : i32
        %cond3A_134 = arith.cmpi ne, %convert_element_type3A_132, %cond3A_133 : i32
        scf.if %cond3A_134 {
          %sub3A = arith.constant 2 : i32
          %sub3A_200 = arith.subi %add3A_102, %sub3A : i32
          %mul3A_201 = arith.constant 1 : i32
          %mul3A_202 = arith.muli %sub3A_200, %mul3A_201 : i32
          %add3A_203 = arith.constant 0 : i32
          %add3A_204 = arith.addi %mul3A_202, %add3A_203 : i32
          %dma_wait3A_205 = arith.constant 0 : i32
          %dma_wait3A_206 = arith.constant 0 : i32
          %dma_wait3A_207 = tpu.memref_slice %arg20[%dma_wait3A_205, %dma_wait3A_206] : memref<80x80xf32, #tpu.memory_space<vmem>> -> memref<80x80xf32, #tpu.memory_space<vmem>>
          %dma_wait3A_208 = arith.constant 0 : i32
          %dma_wait3A_209 = tpu.memref_slice %arg17[%add3A_204, %dma_wait3A_208] : memref<125x80xi32, #tpu.memory_space<vmem>> -> memref<1x80xi32, #tpu.memory_space<vmem>>
          %dma_wait3A_210 = tpu.memref_squeeze %dma_wait3A_209 : memref<1x80xi32, #tpu.memory_space<vmem>> -> memref<80xi32, #tpu.memory_space<vmem>>
          %dma_wait3A_211 = arith.constant 0 : i32
          %dma_wait3A_212 = arith.constant 0 : i32
          %dma_wait3A_213 = tpu.memref_slice %arg22[%dma_wait3A_211, %dma_wait3A_212] : memref<10000x80xf32, #tpu.memory_space<vmem_shared>> -> memref<10000x80xf32, #tpu.memory_space<vmem_shared>>
          tpu.wait_indirect_dma semaphore(%arg25 : memref<!tpu.dma_semaphore, #tpu.memory_space<semaphore_mem>>) src(%dma_wait3A_207 : memref<80x80xf32, #tpu.memory_space<vmem>>) dst(%dma_wait3A_213 : memref<10000x80xf32, #tpu.memory_space<vmem_shared>>)
        } else {
        }
        %mul3A_135 = arith.constant 1 : i32
        %mul3A_136 = arith.muli %add3A_102, %mul3A_135 : i32
        %add3A_137 = arith.constant 0 : i32
        %add3A_138 = arith.addi %mul3A_136, %add3A_137 : i32
        %dma_start3A_139 = arith.constant 0 : i32
        %dma_start3A_140 = arith.constant 0 : i32
        %dma_start3A_141 = tpu.memref_slice %arg20[%dma_start3A_139, %dma_start3A_140] : memref<80x80xf32, #tpu.memory_space<vmem>> -> memref<80x80xf32, #tpu.memory_space<vmem>>
        %dma_start3A_142 = arith.constant 0 : i32
        %dma_start3A_143 = tpu.memref_slice %arg17[%add3A_138, %dma_start3A_142] : memref<125x80xi32, #tpu.memory_space<vmem>> -> memref<1x80xi32, #tpu.memory_space<vmem>>
        %dma_start3A_144 = tpu.memref_squeeze %dma_start3A_143 : memref<1x80xi32, #tpu.memory_space<vmem>> -> memref<80xi32, #tpu.memory_space<vmem>>
        %dma_start3A_145 = arith.constant 0 : i32
        %dma_start3A_146 = arith.constant 0 : i32
        %dma_start3A_147 = tpu.memref_slice %arg22[%dma_start3A_145, %dma_start3A_146] : memref<10000x80xf32, #tpu.memory_space<vmem_shared>> -> memref<10000x80xf32, #tpu.memory_space<vmem_shared>>
        tpu.enqueue_indirect_dma source(%dma_start3A_141 : memref<80x80xf32, #tpu.memory_space<vmem>>) target(%dma_start3A_147 : memref<10000x80xf32, #tpu.memory_space<vmem_shared>>) offsets(%dma_start3A_144 : memref<80xi32, #tpu.memory_space<vmem>>) semaphore(%arg25 : memref<!tpu.dma_semaphore, #tpu.memory_space<semaphore_mem>>) {add = true}
        %add3A_148 = arith.constant 2 : i32
        %add3A_149 = arith.addi %add3A_102, %add3A_148 : i32
        %mul3A_150 = arith.constant 1 : i32
        %mul3A_151 = arith.muli %add3A_149, %mul3A_150 : i32
        %add3A_152 = arith.constant 0 : i32
        %add3A_153 = arith.addi %mul3A_151, %add3A_152 : i32
        %dma_start3A_154 = arith.constant 0 : i32
        %dma_start3A_155 = arith.constant 0 : i32
        %dma_start3A_156 = tpu.memref_slice %arg18[%dma_start3A_154, %dma_start3A_155] : memref<80x64xf32, #tpu.memory_space<vmem>> -> memref<80x64xf32, #tpu.memory_space<vmem>>
        %dma_start3A_157 = arith.constant 0 : i32
        %dma_start3A_158 = tpu.memref_slice %arg16[%add3A_153, %dma_start3A_157] : memref<125x80xi32, #tpu.memory_space<vmem>> -> memref<1x80xi32, #tpu.memory_space<vmem>>
        %dma_start3A_159 = tpu.memref_squeeze %dma_start3A_158 : memref<1x80xi32, #tpu.memory_space<vmem>> -> memref<80xi32, #tpu.memory_space<vmem>>
        %dma_start3A_160 = arith.constant 0 : i32
        %dma_start3A_161 = arith.constant 0 : i32
        %dma_start3A_162 = tpu.memref_slice %arg11[%dma_start3A_160, %dma_start3A_161] : memref<10000x64xf32, #tpu.memory_space<hbm>> -> memref<10000x64xf32, #tpu.memory_space<hbm>>
        tpu.enqueue_indirect_dma source(%dma_start3A_162 : memref<10000x64xf32, #tpu.memory_space<hbm>>) target(%dma_start3A_156 : memref<80x64xf32, #tpu.memory_space<vmem>>) offsets(%dma_start3A_159 : memref<80xi32, #tpu.memory_space<vmem>>) semaphore(%arg23 : memref<!tpu.dma_semaphore, #tpu.memory_space<semaphore_mem>>)
        %add3A_163 = arith.constant 1 : i32
        %add3A_164 = arith.addi %add3A_102, %add3A_163 : i32
        %mul3A_165 = arith.constant 1 : i32
        %mul3A_166 = arith.muli %add3A_164, %mul3A_165 : i32
        %add3A_167 = arith.constant 0 : i32
        %add3A_168 = arith.addi %mul3A_166, %add3A_167 : i32
        %dma_wait3A_169 = arith.constant 0 : i32
        %dma_wait3A_170 = arith.constant 0 : i32
        %dma_wait3A_171 = tpu.memref_slice %arg19[%dma_wait3A_169, %dma_wait3A_170] : memref<80x64xf32, #tpu.memory_space<vmem>> -> memref<80x64xf32, #tpu.memory_space<vmem>>
        %dma_wait3A_172 = arith.constant 0 : i32
        %dma_wait3A_173 = tpu.memref_slice %arg16[%add3A_168, %dma_wait3A_172] : memref<125x80xi32, #tpu.memory_space<vmem>> -> memref<1x80xi32, #tpu.memory_space<vmem>>
        %dma_wait3A_174 = tpu.memref_squeeze %dma_wait3A_173 : memref<1x80xi32, #tpu.memory_space<vmem>> -> memref<80xi32, #tpu.memory_space<vmem>>
        %dma_wait3A_175 = arith.constant 0 : i32
        %dma_wait3A_176 = arith.constant 0 : i32
        %dma_wait3A_177 = tpu.memref_slice %arg11[%dma_wait3A_175, %dma_wait3A_176] : memref<10000x64xf32, #tpu.memory_space<hbm>> -> memref<10000x64xf32, #tpu.memory_space<hbm>>
        tpu.wait_indirect_dma semaphore(%arg24 : memref<!tpu.dma_semaphore, #tpu.memory_space<semaphore_mem>>) src(%dma_wait3A_177 : memref<10000x64xf32, #tpu.memory_space<hbm>>) dst(%dma_wait3A_171 : memref<80x64xf32, #tpu.memory_space<vmem>>)
        %gt3A_178 = arith.constant 0 : i32
        %gt3A_179 = arith.cmpi sgt, %add3A_102, %gt3A_178 : i32
        %convert_element_type3A_180 = arith.extui %gt3A_179 : i1 to i32
        %cond3A_181 = arith.constant 0 : i32
        %cond3A_182 = arith.cmpi ne, %convert_element_type3A_180, %cond3A_181 : i32
        scf.if %cond3A_182 {
          %sub3A = arith.constant 1 : i32
          %sub3A_200 = arith.subi %add3A_102, %sub3A : i32
          %mul3A_201 = arith.constant 1 : i32
          %mul3A_202 = arith.muli %sub3A_200, %mul3A_201 : i32
          %add3A_203 = arith.constant 0 : i32
          %add3A_204 = arith.addi %mul3A_202, %add3A_203 : i32
          %dma_wait3A_205 = arith.constant 0 : i32
          %dma_wait3A_206 = arith.constant 0 : i32
          %dma_wait3A_207 = tpu.memref_slice %arg21[%dma_wait3A_205, %dma_wait3A_206] : memref<80x80xf32, #tpu.memory_space<vmem>> -> memref<80x80xf32, #tpu.memory_space<vmem>>
          %dma_wait3A_208 = arith.constant 0 : i32
          %dma_wait3A_209 = tpu.memref_slice %arg17[%add3A_204, %dma_wait3A_208] : memref<125x80xi32, #tpu.memory_space<vmem>> -> memref<1x80xi32, #tpu.memory_space<vmem>>
          %dma_wait3A_210 = tpu.memref_squeeze %dma_wait3A_209 : memref<1x80xi32, #tpu.memory_space<vmem>> -> memref<80xi32, #tpu.memory_space<vmem>>
          %dma_wait3A_211 = arith.constant 0 : i32
          %dma_wait3A_212 = arith.constant 0 : i32
          %dma_wait3A_213 = tpu.memref_slice %arg22[%dma_wait3A_211, %dma_wait3A_212] : memref<10000x80xf32, #tpu.memory_space<vmem_shared>> -> memref<10000x80xf32, #tpu.memory_space<vmem_shared>>
          tpu.wait_indirect_dma semaphore(%arg26 : memref<!tpu.dma_semaphore, #tpu.memory_space<semaphore_mem>>) src(%dma_wait3A_207 : memref<80x80xf32, #tpu.memory_space<vmem>>) dst(%dma_wait3A_213 : memref<10000x80xf32, #tpu.memory_space<vmem_shared>>)
        } else {
        }
        %add3A_183 = arith.constant 1 : i32
        %add3A_184 = arith.addi %add3A_102, %add3A_183 : i32
        %add3A_185 = arith.constant 1 : i32
        %add3A_186 = arith.addi %add3A_102, %add3A_185 : i32
        %mul3A_187 = arith.constant 1 : i32
        %mul3A_188 = arith.muli %add3A_186, %mul3A_187 : i32
        %add3A_189 = arith.constant 0 : i32
        %add3A_190 = arith.addi %mul3A_188, %add3A_189 : i32
        %dma_start3A_191 = arith.constant 0 : i32
        %dma_start3A_192 = arith.constant 0 : i32
        %dma_start3A_193 = tpu.memref_slice %arg21[%dma_start3A_191, %dma_start3A_192] : memref<80x80xf32, #tpu.memory_space<vmem>> -> memref<80x80xf32, #tpu.memory_space<vmem>>
        %dma_start3A_194 = arith.constant 0 : i32
        %dma_start3A_195 = tpu.memref_slice %arg17[%add3A_190, %dma_start3A_194] : memref<125x80xi32, #tpu.memory_space<vmem>> -> memref<1x80xi32, #tpu.memory_space<vmem>>
        %dma_start3A_196 = tpu.memref_squeeze %dma_start3A_195 : memref<1x80xi32, #tpu.memory_space<vmem>> -> memref<80xi32, #tpu.memory_space<vmem>>
        %dma_start3A_197 = arith.constant 0 : i32
        %dma_start3A_198 = arith.constant 0 : i32
        %dma_start3A_199 = tpu.memref_slice %arg22[%dma_start3A_197, %dma_start3A_198] : memref<10000x80xf32, #tpu.memory_space<vmem_shared>> -> memref<10000x80xf32, #tpu.memory_space<vmem_shared>>
        tpu.enqueue_indirect_dma source(%dma_start3A_193 : memref<80x80xf32, #tpu.memory_space<vmem>>) target(%dma_start3A_199 : memref<10000x80xf32, #tpu.memory_space<vmem_shared>>) offsets(%dma_start3A_196 : memref<80xi32, #tpu.memory_space<vmem>>) semaphore(%arg26 : memref<!tpu.dma_semaphore, #tpu.memory_space<semaphore_mem>>) {add = true}
      }
      %scan3A_47 = arith.constant 62 : i32
      %dma_wait3A = arith.constant 124 : i32
      %dma_wait3A_48 = arith.constant 0 : i32
      %dma_wait3A_49 = arith.constant 0 : i32
      %dma_wait3A_50 = tpu.memref_slice %arg18[%dma_wait3A_48, %dma_wait3A_49] : memref<80x64xf32, #tpu.memory_space<vmem>> -> memref<80x64xf32, #tpu.memory_space<vmem>>
      %dma_wait3A_51 = arith.constant 0 : i32
      %dma_wait3A_52 = tpu.memref_slice %arg16[%dma_wait3A, %dma_wait3A_51] : memref<125x80xi32, #tpu.memory_space<vmem>> -> memref<1x80xi32, #tpu.memory_space<vmem>>
      %dma_wait3A_53 = tpu.memref_squeeze %dma_wait3A_52 : memref<1x80xi32, #tpu.memory_space<vmem>> -> memref<80xi32, #tpu.memory_space<vmem>>
      %dma_wait3A_54 = arith.constant 0 : i32
      %dma_wait3A_55 = arith.constant 0 : i32
      %dma_wait3A_56 = tpu.memref_slice %arg11[%dma_wait3A_54, %dma_wait3A_55] : memref<10000x64xf32, #tpu.memory_space<hbm>> -> memref<10000x64xf32, #tpu.memory_space<hbm>>
      tpu.wait_indirect_dma semaphore(%arg23 : memref<!tpu.dma_semaphore, #tpu.memory_space<semaphore_mem>>) src(%dma_wait3A_56 : memref<10000x64xf32, #tpu.memory_space<hbm>>) dst(%dma_wait3A_50 : memref<80x64xf32, #tpu.memory_space<vmem>>)
      %dma_wait3A_57 = arith.constant 122 : i32
      %dma_wait3A_58 = arith.constant 0 : i32
      %dma_wait3A_59 = arith.constant 0 : i32
      %dma_wait3A_60 = tpu.memref_slice %arg20[%dma_wait3A_58, %dma_wait3A_59] : memref<80x80xf32, #tpu.memory_space<vmem>> -> memref<80x80xf32, #tpu.memory_space<vmem>>
      %dma_wait3A_61 = arith.constant 0 : i32
      %dma_wait3A_62 = tpu.memref_slice %arg17[%dma_wait3A_57, %dma_wait3A_61] : memref<125x80xi32, #tpu.memory_space<vmem>> -> memref<1x80xi32, #tpu.memory_space<vmem>>
      %dma_wait3A_63 = tpu.memref_squeeze %dma_wait3A_62 : memref<1x80xi32, #tpu.memory_space<vmem>> -> memref<80xi32, #tpu.memory_space<vmem>>
      %dma_wait3A_64 = arith.constant 0 : i32
      %dma_wait3A_65 = arith.constant 0 : i32
      %dma_wait3A_66 = tpu.memref_slice %arg22[%dma_wait3A_64, %dma_wait3A_65] : memref<10000x80xf32, #tpu.memory_space<vmem_shared>> -> memref<10000x80xf32, #tpu.memory_space<vmem_shared>>
      tpu.wait_indirect_dma semaphore(%arg25 : memref<!tpu.dma_semaphore, #tpu.memory_space<semaphore_mem>>) src(%dma_wait3A_60 : memref<80x80xf32, #tpu.memory_space<vmem>>) dst(%dma_wait3A_66 : memref<10000x80xf32, #tpu.memory_space<vmem_shared>>)
      %dma_start3A_67 = arith.constant 124 : i32
      %dma_start3A_68 = arith.constant 0 : i32
      %dma_start3A_69 = arith.constant 0 : i32
      %dma_start3A_70 = tpu.memref_slice %arg20[%dma_start3A_68, %dma_start3A_69] : memref<80x80xf32, #tpu.memory_space<vmem>> -> memref<80x80xf32, #tpu.memory_space<vmem>>
      %dma_start3A_71 = arith.constant 0 : i32
      %dma_start3A_72 = tpu.memref_slice %arg17[%dma_start3A_67, %dma_start3A_71] : memref<125x80xi32, #tpu.memory_space<vmem>> -> memref<1x80xi32, #tpu.memory_space<vmem>>
      %dma_start3A_73 = tpu.memref_squeeze %dma_start3A_72 : memref<1x80xi32, #tpu.memory_space<vmem>> -> memref<80xi32, #tpu.memory_space<vmem>>
      %dma_start3A_74 = arith.constant 0 : i32
      %dma_start3A_75 = arith.constant 0 : i32
      %dma_start3A_76 = tpu.memref_slice %arg22[%dma_start3A_74, %dma_start3A_75] : memref<10000x80xf32, #tpu.memory_space<vmem_shared>> -> memref<10000x80xf32, #tpu.memory_space<vmem_shared>>
      tpu.enqueue_indirect_dma source(%dma_start3A_70 : memref<80x80xf32, #tpu.memory_space<vmem>>) target(%dma_start3A_76 : memref<10000x80xf32, #tpu.memory_space<vmem_shared>>) offsets(%dma_start3A_73 : memref<80xi32, #tpu.memory_space<vmem>>) semaphore(%arg25 : memref<!tpu.dma_semaphore, #tpu.memory_space<semaphore_mem>>) {add = true}
      %dma_wait3A_77 = arith.constant 123 : i32
      %dma_wait3A_78 = arith.constant 0 : i32
      %dma_wait3A_79 = arith.constant 0 : i32
      %dma_wait3A_80 = tpu.memref_slice %arg21[%dma_wait3A_78, %dma_wait3A_79] : memref<80x80xf32, #tpu.memory_space<vmem>> -> memref<80x80xf32, #tpu.memory_space<vmem>>
      %dma_wait3A_81 = arith.constant 0 : i32
      %dma_wait3A_82 = tpu.memref_slice %arg17[%dma_wait3A_77, %dma_wait3A_81] : memref<125x80xi32, #tpu.memory_space<vmem>> -> memref<1x80xi32, #tpu.memory_space<vmem>>
      %dma_wait3A_83 = tpu.memref_squeeze %dma_wait3A_82 : memref<1x80xi32, #tpu.memory_space<vmem>> -> memref<80xi32, #tpu.memory_space<vmem>>
      %dma_wait3A_84 = arith.constant 0 : i32
      %dma_wait3A_85 = arith.constant 0 : i32
      %dma_wait3A_86 = tpu.memref_slice %arg22[%dma_wait3A_84, %dma_wait3A_85] : memref<10000x80xf32, #tpu.memory_space<vmem_shared>> -> memref<10000x80xf32, #tpu.memory_space<vmem_shared>>
      tpu.wait_indirect_dma semaphore(%arg26 : memref<!tpu.dma_semaphore, #tpu.memory_space<semaphore_mem>>) src(%dma_wait3A_80 : memref<80x80xf32, #tpu.memory_space<vmem>>) dst(%dma_wait3A_86 : memref<10000x80xf32, #tpu.memory_space<vmem_shared>>)
      %dma_wait3A_87 = arith.constant 124 : i32
      %dma_wait3A_88 = arith.constant 0 : i32
      %dma_wait3A_89 = arith.constant 0 : i32
      %dma_wait3A_90 = tpu.memref_slice %arg20[%dma_wait3A_88, %dma_wait3A_89] : memref<80x80xf32, #tpu.memory_space<vmem>> -> memref<80x80xf32, #tpu.memory_space<vmem>>
      %dma_wait3A_91 = arith.constant 0 : i32
      %dma_wait3A_92 = tpu.memref_slice %arg17[%dma_wait3A_87, %dma_wait3A_91] : memref<125x80xi32, #tpu.memory_space<vmem>> -> memref<1x80xi32, #tpu.memory_space<vmem>>
      %dma_wait3A_93 = tpu.memref_squeeze %dma_wait3A_92 : memref<1x80xi32, #tpu.memory_space<vmem>> -> memref<80xi32, #tpu.memory_space<vmem>>
      %dma_wait3A_94 = arith.constant 0 : i32
      %dma_wait3A_95 = arith.constant 0 : i32
      %dma_wait3A_96 = tpu.memref_slice %arg22[%dma_wait3A_94, %dma_wait3A_95] : memref<10000x80xf32, #tpu.memory_space<vmem_shared>> -> memref<10000x80xf32, #tpu.memory_space<vmem_shared>>
      tpu.wait_indirect_dma semaphore(%arg25 : memref<!tpu.dma_semaphore, #tpu.memory_space<semaphore_mem>>) src(%dma_wait3A_90 : memref<80x80xf32, #tpu.memory_space<vmem>>) dst(%dma_wait3A_96 : memref<10000x80xf32, #tpu.memory_space<vmem_shared>>)
      %barrier3A_97 = arith.constant 0 : index
      tpu.barrier barrier_id(%barrier3A_97)
      "tpu.region"() ({
        %run_scoped3A = tpu.sem_alloc : memref<!tpu.dma_semaphore, #tpu.memory_space<semaphore_mem>>
        %dma_start3A_98 = arith.constant 0 : i32
        %dma_start3A_99 = tpu.memref_slice %arg13[%mul3A_14, %dma_start3A_98] : memref<10000x80xf32, #tpu.memory_space<hbm>> -> memref<625x80xf32, #tpu.memory_space<hbm>>
        %dma_start3A_100 = arith.constant 0 : i32
        %dma_start3A_101 = tpu.memref_slice %arg22[%mul3A_14, %dma_start3A_100] : memref<10000x80xf32, #tpu.memory_space<vmem_shared>> -> memref<625x80xf32, #tpu.memory_space<vmem_shared>>
        tpu.enqueue_dma source(%dma_start3A_101 : memref<625x80xf32, #tpu.memory_space<vmem_shared>>) target(%dma_start3A_99 : memref<625x80xf32, #tpu.memory_space<hbm>>) target_semaphore(%run_scoped3A : memref<!tpu.dma_semaphore, #tpu.memory_space<semaphore_mem>>)
        %dma_wait3A_102 = arith.constant 0 : i32
        %dma_wait3A_103 = tpu.memref_slice %arg13[%mul3A_14, %dma_wait3A_102] : memref<10000x80xf32, #tpu.memory_space<hbm>> -> memref<625x80xf32, #tpu.memory_space<hbm>>
        %dma_wait3A_104 = arith.constant 0 : i32
        %dma_wait3A_105 = tpu.memref_slice %arg22[%mul3A_14, %dma_wait3A_104] : memref<10000x80xf32, #tpu.memory_space<vmem_shared>> -> memref<625x80xf32, #tpu.memory_space<vmem_shared>>
        tpu.wait_dma2 semaphore(%run_scoped3A : memref<!tpu.dma_semaphore, #tpu.memory_space<semaphore_mem>>) src(%dma_wait3A_105 : memref<625x80xf32, #tpu.memory_space<vmem_shared>>) dst(%dma_wait3A_103 : memref<625x80xf32, #tpu.memory_space<hbm>>)
        tpu.yield
      }) : () -> ()
    } else {
    }
    return
  }
}

#map = affine_map<(d0, d1) -> (0, 0)>
#map1 = affine_map<(d0, d1) -> (0)>
module attributes {stable_mosaic.version = 14 : i64} {
  func.func @_edge_body(%arg0: i32, %arg1: i32, %arg2: memref<2000x80xi32, #tpu.memory_space<hbm>>, %arg3: memref<2000x80xi32, #tpu.memory_space<hbm>>, %arg4: memref<2000x80xi32, #tpu.memory_space<hbm>>, %arg5: memref<2000x80xi32, #tpu.memory_space<hbm>>, %arg6: memref<10000xf32, #tpu.memory_space<hbm>>, %arg7: memref<10000xf32, #tpu.memory_space<hbm>>, %arg8: memref<10000xf32, #tpu.memory_space<hbm>>, %arg9: memref<10000xf32, #tpu.memory_space<hbm>>, %arg10: memref<10000x64xf32, #tpu.memory_space<hbm>>, %arg11: memref<10000x64xf32, #tpu.memory_space<hbm>>, %arg12: memref<10000x80xf32, #tpu.memory_space<hbm>>, %arg13: memref<10000x80xf32, #tpu.memory_space<hbm>>, %arg14: memref<10000xf32, #tpu.memory_space<vmem>>, %arg15: memref<10000xf32, #tpu.memory_space<vmem>>, %arg16: memref<125x80xi32, #tpu.memory_space<vmem>>, %arg17: memref<125x80xi32, #tpu.memory_space<vmem>>, %arg18: memref<80x64xf32, #tpu.memory_space<vmem>>, %arg19: memref<80x64xf32, #tpu.memory_space<vmem>>, %arg20: memref<80x80xf32, #tpu.memory_space<vmem>>, %arg21: memref<80x80xf32, #tpu.memory_space<vmem>>, %arg22: memref<10000x80xf32, #tpu.memory_space<vmem_shared>>, %arg23: memref<!tpu.dma_semaphore, #tpu.memory_space<semaphore_mem>>, %arg24: memref<!tpu.dma_semaphore, #tpu.memory_space<semaphore_mem>>, %arg25: memref<!tpu.dma_semaphore, #tpu.memory_space<semaphore_mem>>, %arg26: memref<!tpu.dma_semaphore, #tpu.memory_space<semaphore_mem>>) attributes {dimension_semantics = [#tpu.dimension_semantics<core_parallel>, #tpu.dimension_semantics<subcore_parallel>], iteration_bounds = array<i64: 2, 16>, scalar_prefetch = 0 : i64, scratch_operands = 13 : i64, tpu.core_type = #tpu.core_type<sc_vector_subcore>, window_params = [{transform_indices = #map}, {transform_indices = #map}, {transform_indices = #map}, {transform_indices = #map}, {transform_indices = #map1}, {transform_indices = #map1}, {transform_indices = #map1}, {transform_indices = #map1}, {transform_indices = #map}, {transform_indices = #map}, {transform_indices = #map}, {transform_indices = #map}]} {
    %eq3A = arith.constant 0 : i32
    %eq3A_0 = arith.cmpi eq, %arg0, %eq3A : i32
    %convert_element_type3A = arith.extui %eq3A_0 : i1 to i32
    %cond3A = arith.constant 0 : i32
    %cond3A_1 = arith.cmpi ne, %convert_element_type3A, %cond3A : i32
    scf.if %cond3A_1 {
      "tpu.region"() ({
        %run_scoped3A = tpu.sem_alloc : memref<!tpu.dma_semaphore, #tpu.memory_space<semaphore_mem>>
        tpu.enqueue_dma source(%arg6 : memref<10000xf32, #tpu.memory_space<hbm>>) target(%arg14 : memref<10000xf32, #tpu.memory_space<vmem>>) target_semaphore(%run_scoped3A : memref<!tpu.dma_semaphore, #tpu.memory_space<semaphore_mem>>)
        tpu.wait_dma2 semaphore(%run_scoped3A : memref<!tpu.dma_semaphore, #tpu.memory_space<semaphore_mem>>) src(%arg6 : memref<10000xf32, #tpu.memory_space<hbm>>) dst(%arg14 : memref<10000xf32, #tpu.memory_space<vmem>>)
        tpu.yield
      }) : () -> ()
      "tpu.region"() ({
        %run_scoped3A = tpu.sem_alloc : memref<!tpu.dma_semaphore, #tpu.memory_space<semaphore_mem>>
        tpu.enqueue_dma source(%arg7 : memref<10000xf32, #tpu.memory_space<hbm>>) target(%arg15 : memref<10000xf32, #tpu.memory_space<vmem>>) target_semaphore(%run_scoped3A : memref<!tpu.dma_semaphore, #tpu.memory_space<semaphore_mem>>)
        tpu.wait_dma2 semaphore(%run_scoped3A : memref<!tpu.dma_semaphore, #tpu.memory_space<semaphore_mem>>) src(%arg7 : memref<10000xf32, #tpu.memory_space<hbm>>) dst(%arg15 : memref<10000xf32, #tpu.memory_space<vmem>>)
        tpu.yield
      }) : () -> ()
      %mul3A = arith.constant 125 : i32
      %mul3A_7 = arith.muli %arg1, %mul3A : i32
      "tpu.region"() ({
        %run_scoped3A = tpu.sem_alloc : memref<!tpu.dma_semaphore, #tpu.memory_space<semaphore_mem>>
        %dma_start3A_98 = arith.constant 0 : i32
        %dma_start3A_99 = tpu.memref_slice %arg2[%mul3A_7, %dma_start3A_98] : memref<2000x80xi32, #tpu.memory_space<hbm>> -> memref<125x80xi32, #tpu.memory_space<hbm>>
        %dma_start3A_100 = arith.constant 0 : i32
        %dma_start3A_101 = tpu.memref_slice %arg2[%mul3A_7, %dma_start3A_100] : memref<2000x80xi32, #tpu.memory_space<hbm>> -> memref<125x80xi32, #tpu.memory_space<hbm>>
        tpu.enqueue_dma source(%dma_start3A_101 : memref<125x80xi32, #tpu.memory_space<hbm>>) target(%arg16 : memref<125x80xi32, #tpu.memory_space<vmem>>) target_semaphore(%run_scoped3A : memref<!tpu.dma_semaphore, #tpu.memory_space<semaphore_mem>>)
        %dma_wait3A_102 = arith.constant 0 : i32
        %dma_wait3A_103 = tpu.memref_slice %arg2[%mul3A_7, %dma_wait3A_102] : memref<2000x80xi32, #tpu.memory_space<hbm>> -> memref<125x80xi32, #tpu.memory_space<hbm>>
        %dma_wait3A_104 = arith.constant 0 : i32
        %dma_wait3A_105 = tpu.memref_slice %arg2[%mul3A_7, %dma_wait3A_104] : memref<2000x80xi32, #tpu.memory_space<hbm>> -> memref<125x80xi32, #tpu.memory_space<hbm>>
        tpu.wait_dma2 semaphore(%run_scoped3A : memref<!tpu.dma_semaphore, #tpu.memory_space<semaphore_mem>>) src(%dma_wait3A_105 : memref<125x80xi32, #tpu.memory_space<hbm>>) dst(%arg16 : memref<125x80xi32, #tpu.memory_space<vmem>>)
        tpu.yield
      }) : () -> ()
      %mul3A_8 = arith.constant 125 : i32
      %mul3A_9 = arith.muli %arg1, %mul3A_8 : i32
      "tpu.region"() ({
        %run_scoped3A = tpu.sem_alloc : memref<!tpu.dma_semaphore, #tpu.memory_space<semaphore_mem>>
        %dma_start3A_98 = arith.constant 0 : i32
        %dma_start3A_99 = tpu.memref_slice %arg3[%mul3A_9, %dma_start3A_98] : memref<2000x80xi32, #tpu.memory_space<hbm>> -> memref<125x80xi32, #tpu.memory_space<hbm>>
        %dma_start3A_100 = arith.constant 0 : i32
        %dma_start3A_101 = tpu.memref_slice %arg3[%mul3A_9, %dma_start3A_100] : memref<2000x80xi32, #tpu.memory_space<hbm>> -> memref<125x80xi32, #tpu.memory_space<hbm>>
        tpu.enqueue_dma source(%dma_start3A_101 : memref<125x80xi32, #tpu.memory_space<hbm>>) target(%arg17 : memref<125x80xi32, #tpu.memory_space<vmem>>) target_semaphore(%run_scoped3A : memref<!tpu.dma_semaphore, #tpu.memory_space<semaphore_mem>>)
        %dma_wait3A_102 = arith.constant 0 : i32
        %dma_wait3A_103 = tpu.memref_slice %arg3[%mul3A_9, %dma_wait3A_102] : memref<2000x80xi32, #tpu.memory_space<hbm>> -> memref<125x80xi32, #tpu.memory_space<hbm>>
        %dma_wait3A_104 = arith.constant 0 : i32
        %dma_wait3A_105 = tpu.memref_slice %arg3[%mul3A_9, %dma_wait3A_104] : memref<2000x80xi32, #tpu.memory_space<hbm>> -> memref<125x80xi32, #tpu.memory_space<hbm>>
        tpu.wait_dma2 semaphore(%run_scoped3A : memref<!tpu.dma_semaphore, #tpu.memory_space<semaphore_mem>>) src(%dma_wait3A_105 : memref<125x80xi32, #tpu.memory_space<hbm>>) dst(%arg17 : memref<125x80xi32, #tpu.memory_space<vmem>>)
        tpu.yield
      }) : () -> ()
      %broadcast_in_dim3A = arith.constant 0.000000e+00 : f32
      %broadcast_in_dim3A_10 = vector.broadcast %broadcast_in_dim3A : f32 to vector<16xf32>
      %parallel_loop3A = arith.constant 0 : i32
      %parallel_loop3A_11 = arith.constant 80 : i32
      %parallel_loop3A_12 = arith.constant 1 : i32
      scf.for %parallel_loop3A_98 = %parallel_loop3A to %parallel_loop3A_11 step %parallel_loop3A_12  : i32 {
        %parallel_loop3A_99 = arith.index_cast %parallel_loop3A_98 : i32 to index
        %parallel_loop3A_100 = arith.constant 0 : index
        %parallel_loop3A_101 = tpu.vector_load %arg20[%parallel_loop3A_99, %parallel_loop3A_100] {strides = array<i32>} : memref<80x80xf32, #tpu.memory_space<vmem>>, vector<16xf32>,
        tpu.vector_store %arg20[%parallel_loop3A_99, %parallel_loop3A_100], %broadcast_in_dim3A_10 {strides = array<i32>} : memref<80x80xf32, #tpu.memory_space<vmem>>, vector<16xf32>,
        %parallel_loop3A_102 = arith.index_cast %parallel_loop3A_98 : i32 to index
        %parallel_loop3A_103 = arith.constant 16 : index
        %parallel_loop3A_104 = tpu.vector_load %arg20[%parallel_loop3A_102, %parallel_loop3A_103] {strides = array<i32>} : memref<80x80xf32, #tpu.memory_space<vmem>>, vector<16xf32>,
        tpu.vector_store %arg20[%parallel_loop3A_102, %parallel_loop3A_103], %broadcast_in_dim3A_10 {strides = array<i32>} : memref<80x80xf32, #tpu.memory_space<vmem>>, vector<16xf32>,
        %parallel_loop3A_105 = arith.index_cast %parallel_loop3A_98 : i32 to index
        %parallel_loop3A_106 = arith.constant 32 : index
        %parallel_loop3A_107 = tpu.vector_load %arg20[%parallel_loop3A_105, %parallel_loop3A_106] {strides = array<i32>} : memref<80x80xf32, #tpu.memory_space<vmem>>, vector<16xf32>,
        tpu.vector_store %arg20[%parallel_loop3A_105, %parallel_loop3A_106], %broadcast_in_dim3A_10 {strides = array<i32>} : memref<80x80xf32, #tpu.memory_space<vmem>>, vector<16xf32>,
        %parallel_loop3A_108 = arith.index_cast %parallel_loop3A_98 : i32 to index
        %parallel_loop3A_109 = arith.constant 48 : index
        %parallel_loop3A_110 = tpu.vector_load %arg20[%parallel_loop3A_108, %parallel_loop3A_109] {strides = array<i32>} : memref<80x80xf32, #tpu.memory_space<vmem>>, vector<16xf32>,
        tpu.vector_store %arg20[%parallel_loop3A_108, %parallel_loop3A_109], %broadcast_in_dim3A_10 {strides = array<i32>} : memref<80x80xf32, #tpu.memory_space<vmem>>, vector<16xf32>,
        %parallel_loop3A_111 = arith.index_cast %parallel_loop3A_98 : i32 to index
        %parallel_loop3A_112 = arith.constant 64 : index
        %parallel_loop3A_113 = tpu.vector_load %arg20[%parallel_loop3A_111, %parallel_loop3A_112] {strides = array<i32>} : memref<80x80xf32, #tpu.memory_space<vmem>>, vector<16xf32>,
        tpu.vector_store %arg20[%parallel_loop3A_111, %parallel_loop3A_112], %broadcast_in_dim3A_10 {strides = array<i32>} : memref<80x80xf32, #tpu.memory_space<vmem>>, vector<16xf32>,
      } {sc.loop_unroll_factor = 4 : i64, sc.parallel_access}
      %mul3A_13 = arith.constant 625 : i32
      %mul3A_14 = arith.muli %arg1, %mul3A_13 : i32
      %add3A = arith.constant 0 : i32
      %add3A_15 = arith.addi %mul3A_14, %add3A : i32
      "tpu.region"() ({
        %run_scoped3A = tpu.sem_alloc : memref<!tpu.dma_semaphore, #tpu.memory_space<semaphore_mem>>
        %dma_start3A_98 = arith.constant 0 : i32
        %dma_start3A_99 = tpu.memref_slice %arg22[%add3A_15, %dma_start3A_98] : memref<10000x80xf32, #tpu.memory_space<vmem_shared>> -> memref<80x80xf32, #tpu.memory_space<vmem_shared>>
        %dma_start3A_100 = arith.constant 0 : i32
        %dma_start3A_101 = tpu.memref_slice %arg22[%add3A_15, %dma_start3A_100] : memref<10000x80xf32, #tpu.memory_space<vmem_shared>> -> memref<80x80xf32, #tpu.memory_space<vmem_shared>>
        tpu.enqueue_dma source(%arg20 : memref<80x80xf32, #tpu.memory_space<vmem>>) target(%dma_start3A_101 : memref<80x80xf32, #tpu.memory_space<vmem_shared>>) target_semaphore(%run_scoped3A : memref<!tpu.dma_semaphore, #tpu.memory_space<semaphore_mem>>)
        %dma_wait3A_102 = arith.constant 0 : i32
        %dma_wait3A_103 = tpu.memref_slice %arg22[%add3A_15, %dma_wait3A_102] : memref<10000x80xf32, #tpu.memory_space<vmem_shared>> -> memref<80x80xf32, #tpu.memory_space<vmem_shared>>
        %dma_wait3A_104 = arith.constant 0 : i32
        %dma_wait3A_105 = tpu.memref_slice %arg22[%add3A_15, %dma_wait3A_104] : memref<10000x80xf32, #tpu.memory_space<vmem_shared>> -> memref<80x80xf32, #tpu.memory_space<vmem_shared>>
        tpu.wait_dma2 semaphore(%run_scoped3A : memref<!tpu.dma_semaphore, #tpu.memory_space<semaphore_mem>>) src(%arg20 : memref<80x80xf32, #tpu.memory_space<vmem>>) dst(%dma_wait3A_105 : memref<80x80xf32, #tpu.memory_space<vmem_shared>>)
        tpu.yield
      }) : () -> ()
      %add3A_16 = arith.constant 80 : i32
      %add3A_17 = arith.addi %mul3A_14, %add3A_16 : i32
      "tpu.region"() ({
        %run_scoped3A = tpu.sem_alloc : memref<!tpu.dma_semaphore, #tpu.memory_space<semaphore_mem>>
        %dma_start3A_98 = arith.constant 0 : i32
        %dma_start3A_99 = tpu.memref_slice %arg22[%add3A_17, %dma_start3A_98] : memref<10000x80xf32, #tpu.memory_space<vmem_shared>> -> memref<80x80xf32, #tpu.memory_space<vmem_shared>>
        %dma_start3A_100 = arith.constant 0 : i32
        %dma_start3A_101 = tpu.memref_slice %arg22[%add3A_17, %dma_start3A_100] : memref<10000x80xf32, #tpu.memory_space<vmem_shared>> -> memref<80x80xf32, #tpu.memory_space<vmem_shared>>
        tpu.enqueue_dma source(%arg20 : memref<80x80xf32, #tpu.memory_space<vmem>>) target(%dma_start3A_101 : memref<80x80xf32, #tpu.memory_space<vmem_shared>>) target_semaphore(%run_scoped3A : memref<!tpu.dma_semaphore, #tpu.memory_space<semaphore_mem>>)
        %dma_wait3A_102 = arith.constant 0 : i32
        %dma_wait3A_103 = tpu.memref_slice %arg22[%add3A_17, %dma_wait3A_102] : memref<10000x80xf32, #tpu.memory_space<vmem_shared>> -> memref<80x80xf32, #tpu.memory_space<vmem_shared>>
        %dma_wait3A_104 = arith.constant 0 : i32
        %dma_wait3A_105 = tpu.memref_slice %arg22[%add3A_17, %dma_wait3A_104] : memref<10000x80xf32, #tpu.memory_space<vmem_shared>> -> memref<80x80xf32, #tpu.memory_space<vmem_shared>>
        tpu.wait_dma2 semaphore(%run_scoped3A : memref<!tpu.dma_semaphore, #tpu.memory_space<semaphore_mem>>) src(%arg20 : memref<80x80xf32, #tpu.memory_space<vmem>>) dst(%dma_wait3A_105 : memref<80x80xf32, #tpu.memory_space<vmem_shared>>)
        tpu.yield
      }) : () -> ()
      %add3A_18 = arith.constant 160 : i32
      %add3A_19 = arith.addi %mul3A_14, %add3A_18 : i32
      "tpu.region"() ({
        %run_scoped3A = tpu.sem_alloc : memref<!tpu.dma_semaphore, #tpu.memory_space<semaphore_mem>>
        %dma_start3A_98 = arith.constant 0 : i32
        %dma_start3A_99 = tpu.memref_slice %arg22[%add3A_19, %dma_start3A_98] : memref<10000x80xf32, #tpu.memory_space<vmem_shared>> -> memref<80x80xf32, #tpu.memory_space<vmem_shared>>
        %dma_start3A_100 = arith.constant 0 : i32
        %dma_start3A_101 = tpu.memref_slice %arg22[%add3A_19, %dma_start3A_100] : memref<10000x80xf32, #tpu.memory_space<vmem_shared>> -> memref<80x80xf32, #tpu.memory_space<vmem_shared>>
        tpu.enqueue_dma source(%arg20 : memref<80x80xf32, #tpu.memory_space<vmem>>) target(%dma_start3A_101 : memref<80x80xf32, #tpu.memory_space<vmem_shared>>) target_semaphore(%run_scoped3A : memref<!tpu.dma_semaphore, #tpu.memory_space<semaphore_mem>>)
        %dma_wait3A_102 = arith.constant 0 : i32
        %dma_wait3A_103 = tpu.memref_slice %arg22[%add3A_19, %dma_wait3A_102] : memref<10000x80xf32, #tpu.memory_space<vmem_shared>> -> memref<80x80xf32, #tpu.memory_space<vmem_shared>>
        %dma_wait3A_104 = arith.constant 0 : i32
        %dma_wait3A_105 = tpu.memref_slice %arg22[%add3A_19, %dma_wait3A_104] : memref<10000x80xf32, #tpu.memory_space<vmem_shared>> -> memref<80x80xf32, #tpu.memory_space<vmem_shared>>
        tpu.wait_dma2 semaphore(%run_scoped3A : memref<!tpu.dma_semaphore, #tpu.memory_space<semaphore_mem>>) src(%arg20 : memref<80x80xf32, #tpu.memory_space<vmem>>) dst(%dma_wait3A_105 : memref<80x80xf32, #tpu.memory_space<vmem_shared>>)
        tpu.yield
      }) : () -> ()
      %add3A_20 = arith.constant 240 : i32
      %add3A_21 = arith.addi %mul3A_14, %add3A_20 : i32
      "tpu.region"() ({
        %run_scoped3A = tpu.sem_alloc : memref<!tpu.dma_semaphore, #tpu.memory_space<semaphore_mem>>
        %dma_start3A_98 = arith.constant 0 : i32
        %dma_start3A_99 = tpu.memref_slice %arg22[%add3A_21, %dma_start3A_98] : memref<10000x80xf32, #tpu.memory_space<vmem_shared>> -> memref<80x80xf32, #tpu.memory_space<vmem_shared>>
        %dma_start3A_100 = arith.constant 0 : i32
        %dma_start3A_101 = tpu.memref_slice %arg22[%add3A_21, %dma_start3A_100] : memref<10000x80xf32, #tpu.memory_space<vmem_shared>> -> memref<80x80xf32, #tpu.memory_space<vmem_shared>>
        tpu.enqueue_dma source(%arg20 : memref<80x80xf32, #tpu.memory_space<vmem>>) target(%dma_start3A_101 : memref<80x80xf32, #tpu.memory_space<vmem_shared>>) target_semaphore(%run_scoped3A : memref<!tpu.dma_semaphore, #tpu.memory_space<semaphore_mem>>)
        %dma_wait3A_102 = arith.constant 0 : i32
        %dma_wait3A_103 = tpu.memref_slice %arg22[%add3A_21, %dma_wait3A_102] : memref<10000x80xf32, #tpu.memory_space<vmem_shared>> -> memref<80x80xf32, #tpu.memory_space<vmem_shared>>
        %dma_wait3A_104 = arith.constant 0 : i32
        %dma_wait3A_105 = tpu.memref_slice %arg22[%add3A_21, %dma_wait3A_104] : memref<10000x80xf32, #tpu.memory_space<vmem_shared>> -> memref<80x80xf32, #tpu.memory_space<vmem_shared>>
        tpu.wait_dma2 semaphore(%run_scoped3A : memref<!tpu.dma_semaphore, #tpu.memory_space<semaphore_mem>>) src(%arg20 : memref<80x80xf32, #tpu.memory_space<vmem>>) dst(%dma_wait3A_105 : memref<80x80xf32, #tpu.memory_space<vmem_shared>>)
        tpu.yield
      }) : () -> ()
      %add3A_22 = arith.constant 320 : i32
      %add3A_23 = arith.addi %mul3A_14, %add3A_22 : i32
      "tpu.region"() ({
        %run_scoped3A = tpu.sem_alloc : memref<!tpu.dma_semaphore, #tpu.memory_space<semaphore_mem>>
        %dma_start3A_98 = arith.constant 0 : i32
        %dma_start3A_99 = tpu.memref_slice %arg22[%add3A_23, %dma_start3A_98] : memref<10000x80xf32, #tpu.memory_space<vmem_shared>> -> memref<80x80xf32, #tpu.memory_space<vmem_shared>>
        %dma_start3A_100 = arith.constant 0 : i32
        %dma_start3A_101 = tpu.memref_slice %arg22[%add3A_23, %dma_start3A_100] : memref<10000x80xf32, #tpu.memory_space<vmem_shared>> -> memref<80x80xf32, #tpu.memory_space<vmem_shared>>
        tpu.enqueue_dma source(%arg20 : memref<80x80xf32, #tpu.memory_space<vmem>>) target(%dma_start3A_101 : memref<80x80xf32, #tpu.memory_space<vmem_shared>>) target_semaphore(%run_scoped3A : memref<!tpu.dma_semaphore, #tpu.memory_space<semaphore_mem>>)
        %dma_wait3A_102 = arith.constant 0 : i32
        %dma_wait3A_103 = tpu.memref_slice %arg22[%add3A_23, %dma_wait3A_102] : memref<10000x80xf32, #tpu.memory_space<vmem_shared>> -> memref<80x80xf32, #tpu.memory_space<vmem_shared>>
        %dma_wait3A_104 = arith.constant 0 : i32
        %dma_wait3A_105 = tpu.memref_slice %arg22[%add3A_23, %dma_wait3A_104] : memref<10000x80xf32, #tpu.memory_space<vmem_shared>> -> memref<80x80xf32, #tpu.memory_space<vmem_shared>>
        tpu.wait_dma2 semaphore(%run_scoped3A : memref<!tpu.dma_semaphore, #tpu.memory_space<semaphore_mem>>) src(%arg20 : memref<80x80xf32, #tpu.memory_space<vmem>>) dst(%dma_wait3A_105 : memref<80x80xf32, #tpu.memory_space<vmem_shared>>)
        tpu.yield
      }) : () -> ()
      %add3A_24 = arith.constant 400 : i32
      %add3A_25 = arith.addi %mul3A_14, %add3A_24 : i32
      "tpu.region"() ({
        %run_scoped3A = tpu.sem_alloc : memref<!tpu.dma_semaphore, #tpu.memory_space<semaphore_mem>>
        %dma_start3A_98 = arith.constant 0 : i32
        %dma_start3A_99 = tpu.memref_slice %arg22[%add3A_25, %dma_start3A_98] : memref<10000x80xf32, #tpu.memory_space<vmem_shared>> -> memref<80x80xf32, #tpu.memory_space<vmem_shared>>
        %dma_start3A_100 = arith.constant 0 : i32
        %dma_start3A_101 = tpu.memref_slice %arg22[%add3A_25, %dma_start3A_100] : memref<10000x80xf32, #tpu.memory_space<vmem_shared>> -> memref<80x80xf32, #tpu.memory_space<vmem_shared>>
        tpu.enqueue_dma source(%arg20 : memref<80x80xf32, #tpu.memory_space<vmem>>) target(%dma_start3A_101 : memref<80x80xf32, #tpu.memory_space<vmem_shared>>) target_semaphore(%run_scoped3A : memref<!tpu.dma_semaphore, #tpu.memory_space<semaphore_mem>>)
        %dma_wait3A_102 = arith.constant 0 : i32
        %dma_wait3A_103 = tpu.memref_slice %arg22[%add3A_25, %dma_wait3A_102] : memref<10000x80xf32, #tpu.memory_space<vmem_shared>> -> memref<80x80xf32, #tpu.memory_space<vmem_shared>>
        %dma_wait3A_104 = arith.constant 0 : i32
        %dma_wait3A_105 = tpu.memref_slice %arg22[%add3A_25, %dma_wait3A_104] : memref<10000x80xf32, #tpu.memory_space<vmem_shared>> -> memref<80x80xf32, #tpu.memory_space<vmem_shared>>
        tpu.wait_dma2 semaphore(%run_scoped3A : memref<!tpu.dma_semaphore, #tpu.memory_space<semaphore_mem>>) src(%arg20 : memref<80x80xf32, #tpu.memory_space<vmem>>) dst(%dma_wait3A_105 : memref<80x80xf32, #tpu.memory_space<vmem_shared>>)
        tpu.yield
      }) : () -> ()
      %add3A_26 = arith.constant 480 : i32
      %add3A_27 = arith.addi %mul3A_14, %add3A_26 : i32
      "tpu.region"() ({
        %run_scoped3A = tpu.sem_alloc : memref<!tpu.dma_semaphore, #tpu.memory_space<semaphore_mem>>
        %dma_start3A_98 = arith.constant 0 : i32
        %dma_start3A_99 = tpu.memref_slice %arg22[%add3A_27, %dma_start3A_98] : memref<10000x80xf32, #tpu.memory_space<vmem_shared>> -> memref<80x80xf32, #tpu.memory_space<vmem_shared>>
        %dma_start3A_100 = arith.constant 0 : i32
        %dma_start3A_101 = tpu.memref_slice %arg22[%add3A_27, %dma_start3A_100] : memref<10000x80xf32, #tpu.memory_space<vmem_shared>> -> memref<80x80xf32, #tpu.memory_space<vmem_shared>>
        tpu.enqueue_dma source(%arg20 : memref<80x80xf32, #tpu.memory_space<vmem>>) target(%dma_start3A_101 : memref<80x80xf32, #tpu.memory_space<vmem_shared>>) target_semaphore(%run_scoped3A : memref<!tpu.dma_semaphore, #tpu.memory_space<semaphore_mem>>)
        %dma_wait3A_102 = arith.constant 0 : i32
        %dma_wait3A_103 = tpu.memref_slice %arg22[%add3A_27, %dma_wait3A_102] : memref<10000x80xf32, #tpu.memory_space<vmem_shared>> -> memref<80x80xf32, #tpu.memory_space<vmem_shared>>
        %dma_wait3A_104 = arith.constant 0 : i32
        %dma_wait3A_105 = tpu.memref_slice %arg22[%add3A_27, %dma_wait3A_104] : memref<10000x80xf32, #tpu.memory_space<vmem_shared>> -> memref<80x80xf32, #tpu.memory_space<vmem_shared>>
        tpu.wait_dma2 semaphore(%run_scoped3A : memref<!tpu.dma_semaphore, #tpu.memory_space<semaphore_mem>>) src(%arg20 : memref<80x80xf32, #tpu.memory_space<vmem>>) dst(%dma_wait3A_105 : memref<80x80xf32, #tpu.memory_space<vmem_shared>>)
        tpu.yield
      }) : () -> ()
      %add3A_28 = arith.constant 560 : i32
      %add3A_29 = arith.addi %mul3A_14, %add3A_28 : i32
      "tpu.region"() ({
        %run_scoped3A = tpu.sem_alloc : memref<!tpu.dma_semaphore, #tpu.memory_space<semaphore_mem>>
        %dma_start3A_98 = arith.constant 0 : i32
        %dma_start3A_99 = arith.constant 0 : i32
        %dma_start3A_100 = tpu.memref_slice %arg20[%dma_start3A_98, %dma_start3A_99] : memref<80x80xf32, #tpu.memory_space<vmem>> -> memref<65x80xf32, #tpu.memory_space<vmem>>
        %dma_start3A_101 = arith.constant 0 : i32
        %dma_start3A_102 = tpu.memref_slice %arg22[%add3A_29, %dma_start3A_101] : memref<10000x80xf32, #tpu.memory_space<vmem_shared>> -> memref<65x80xf32, #tpu.memory_space<vmem_shared>>
        %dma_start3A_103 = arith.constant 0 : i32
        %dma_start3A_104 = tpu.memref_slice %arg22[%add3A_29, %dma_start3A_103] : memref<10000x80xf32, #tpu.memory_space<vmem_shared>> -> memref<65x80xf32, #tpu.memory_space<vmem_shared>>
        %dma_start3A_105 = arith.constant 0 : i32
        %dma_start3A_106 = arith.constant 0 : i32
        %dma_start3A_107 = tpu.memref_slice %arg20[%dma_start3A_105, %dma_start3A_106] : memref<80x80xf32, #tpu.memory_space<vmem>> -> memref<65x80xf32, #tpu.memory_space<vmem>>
        tpu.enqueue_dma source(%dma_start3A_107 : memref<65x80xf32, #tpu.memory_space<vmem>>) target(%dma_start3A_104 : memref<65x80xf32, #tpu.memory_space<vmem_shared>>) target_semaphore(%run_scoped3A : memref<!tpu.dma_semaphore, #tpu.memory_space<semaphore_mem>>)
        %dma_wait3A_108 = arith.constant 0 : i32
        %dma_wait3A_109 = arith.constant 0 : i32
        %dma_wait3A_110 = tpu.memref_slice %arg20[%dma_wait3A_108, %dma_wait3A_109] : memref<80x80xf32, #tpu.memory_space<vmem>> -> memref<65x80xf32, #tpu.memory_space<vmem>>
        %dma_wait3A_111 = arith.constant 0 : i32
        %dma_wait3A_112 = tpu.memref_slice %arg22[%add3A_29, %dma_wait3A_111] : memref<10000x80xf32, #tpu.memory_space<vmem_shared>> -> memref<65x80xf32, #tpu.memory_space<vmem_shared>>
        %dma_wait3A_113 = arith.constant 0 : i32
        %dma_wait3A_114 = tpu.memref_slice %arg22[%add3A_29, %dma_wait3A_113] : memref<10000x80xf32, #tpu.memory_space<vmem_shared>> -> memref<65x80xf32, #tpu.memory_space<vmem_shared>>
        %dma_wait3A_115 = arith.constant 0 : i32
        %dma_wait3A_116 = arith.constant 0 : i32
        %dma_wait3A_117 = tpu.memref_slice %arg20[%dma_wait3A_115, %dma_wait3A_116] : memref<80x80xf32, #tpu.memory_space<vmem>> -> memref<65x80xf32, #tpu.memory_space<vmem>>
        tpu.wait_dma2 semaphore(%run_scoped3A : memref<!tpu.dma_semaphore, #tpu.memory_space<semaphore_mem>>) src(%dma_wait3A_117 : memref<65x80xf32, #tpu.memory_space<vmem>>) dst(%dma_wait3A_114 : memref<65x80xf32, #tpu.memory_space<vmem_shared>>)
        tpu.yield
      }) : () -> ()
      %barrier3A = arith.constant 0 : index
      tpu.barrier barrier_id(%barrier3A)
      %iota3A = tpu.iota {dimensions = array<i32: 0>} : vector<16xi32>
      %eq3A_30 = arith.constant 0 : i32
      %eq3A_31 = vector.broadcast %eq3A_30 : i32 to vector<16xi32>
      %eq3A_32 = arith.cmpi eq, %iota3A, %eq3A_31 : vector<16xi32>
      %convert_element_type3A_33 = arith.extui %eq3A_32 : vector<16xi1> to vector<16xi32>
      %convert_element_type3A_34 = arith.sitofp %convert_element_type3A_33 : vector<16xi32> to vector<16xf32>
      %dma_start3A = arith.constant 0 : i32
      %dma_start3A_35 = arith.constant 0 : i32
      %dma_start3A_36 = arith.constant 0 : i32
      %dma_start3A_37 = tpu.memref_slice %arg18[%dma_start3A_35, %dma_start3A_36] : memref<80x64xf32, #tpu.memory_space<vmem>> -> memref<80x64xf32, #tpu.memory_space<vmem>>
      %dma_start3A_38 = arith.constant 0 : i32
      %dma_start3A_39 = tpu.memref_slice %arg16[%dma_start3A, %dma_start3A_38] : memref<125x80xi32, #tpu.memory_space<vmem>> -> memref<1x80xi32, #tpu.memory_space<vmem>>
      %dma_start3A_40 = tpu.memref_squeeze %dma_start3A_39 : memref<1x80xi32, #tpu.memory_space<vmem>> -> memref<80xi32, #tpu.memory_space<vmem>>
      %dma_start3A_41 = arith.constant 0 : i32
      %dma_start3A_42 = arith.constant 0 : i32
      %dma_start3A_43 = tpu.memref_slice %arg10[%dma_start3A_41, %dma_start3A_42] : memref<10000x64xf32, #tpu.memory_space<hbm>> -> memref<10000x64xf32, #tpu.memory_space<hbm>>
      tpu.enqueue_indirect_dma source(%dma_start3A_43 : memref<10000x64xf32, #tpu.memory_space<hbm>>) target(%dma_start3A_37 : memref<80x64xf32, #tpu.memory_space<vmem>>) offsets(%dma_start3A_40 : memref<80xi32, #tpu.memory_space<vmem>>) semaphore(%arg23 : memref<!tpu.dma_semaphore, #tpu.memory_space<semaphore_mem>>)
      %scan3A = arith.constant 0 : i32
      %scan3A_44 = arith.constant 62 : i32
      %scan3A_45 = arith.addi %scan3A, %scan3A_44 : i32
      %scan3A_46 = arith.constant 1 : i32
      scf.for %scan3A_98 = %scan3A to %scan3A_45 step %scan3A_46  : i32 {
        %mul3A_99 = arith.constant 2 : i32
        %mul3A_100 = arith.muli %scan3A_98, %mul3A_99 : i32
        %add3A_101 = arith.constant 0 : i32
        %add3A_102 = arith.addi %add3A_101, %mul3A_100 : i32
        %add3A_103 = arith.constant 1 : i32
        %add3A_104 = arith.addi %add3A_102, %add3A_103 : i32
        %mul3A_105 = arith.constant 1 : i32
        %mul3A_106 = arith.muli %add3A_104, %mul3A_105 : i32
        %add3A_107 = arith.constant 0 : i32
        %add3A_108 = arith.addi %mul3A_106, %add3A_107 : i32
        %dma_start3A_109 = arith.constant 0 : i32
        %dma_start3A_110 = arith.constant 0 : i32
        %dma_start3A_111 = tpu.memref_slice %arg19[%dma_start3A_109, %dma_start3A_110] : memref<80x64xf32, #tpu.memory_space<vmem>> -> memref<80x64xf32, #tpu.memory_space<vmem>>
        %dma_start3A_112 = arith.constant 0 : i32
        %dma_start3A_113 = tpu.memref_slice %arg16[%add3A_108, %dma_start3A_112] : memref<125x80xi32, #tpu.memory_space<vmem>> -> memref<1x80xi32, #tpu.memory_space<vmem>>
        %dma_start3A_114 = tpu.memref_squeeze %dma_start3A_113 : memref<1x80xi32, #tpu.memory_space<vmem>> -> memref<80xi32, #tpu.memory_space<vmem>>
        %dma_start3A_115 = arith.constant 0 : i32
        %dma_start3A_116 = arith.constant 0 : i32
        %dma_start3A_117 = tpu.memref_slice %arg10[%dma_start3A_115, %dma_start3A_116] : memref<10000x64xf32, #tpu.memory_space<hbm>> -> memref<10000x64xf32, #tpu.memory_space<hbm>>
        tpu.enqueue_indirect_dma source(%dma_start3A_117 : memref<10000x64xf32, #tpu.memory_space<hbm>>) target(%dma_start3A_111 : memref<80x64xf32, #tpu.memory_space<vmem>>) offsets(%dma_start3A_114 : memref<80xi32, #tpu.memory_space<vmem>>) semaphore(%arg24 : memref<!tpu.dma_semaphore, #tpu.memory_space<semaphore_mem>>)
        %mul3A_118 = arith.constant 1 : i32
        %mul3A_119 = arith.muli %add3A_102, %mul3A_118 : i32
        %add3A_120 = arith.constant 0 : i32
        %add3A_121 = arith.addi %mul3A_119, %add3A_120 : i32
        %dma_wait3A_122 = arith.constant 0 : i32
        %dma_wait3A_123 = arith.constant 0 : i32
        %dma_wait3A_124 = tpu.memref_slice %arg18[%dma_wait3A_122, %dma_wait3A_123] : memref<80x64xf32, #tpu.memory_space<vmem>> -> memref<80x64xf32, #tpu.memory_space<vmem>>
        %dma_wait3A_125 = arith.constant 0 : i32
        %dma_wait3A_126 = tpu.memref_slice %arg16[%add3A_121, %dma_wait3A_125] : memref<125x80xi32, #tpu.memory_space<vmem>> -> memref<1x80xi32, #tpu.memory_space<vmem>>
        %dma_wait3A_127 = tpu.memref_squeeze %dma_wait3A_126 : memref<1x80xi32, #tpu.memory_space<vmem>> -> memref<80xi32, #tpu.memory_space<vmem>>
        %dma_wait3A_128 = arith.constant 0 : i32
        %dma_wait3A_129 = arith.constant 0 : i32
        %dma_wait3A_130 = tpu.memref_slice %arg10[%dma_wait3A_128, %dma_wait3A_129] : memref<10000x64xf32, #tpu.memory_space<hbm>> -> memref<10000x64xf32, #tpu.memory_space<hbm>>
        tpu.wait_indirect_dma semaphore(%arg23 : memref<!tpu.dma_semaphore, #tpu.memory_space<semaphore_mem>>) src(%dma_wait3A_130 : memref<10000x64xf32, #tpu.memory_space<hbm>>) dst(%dma_wait3A_124 : memref<80x64xf32, #tpu.memory_space<vmem>>)
        %gt3A = arith.constant 0 : i32
        %gt3A_131 = arith.cmpi sgt, %add3A_102, %gt3A : i32
        %convert_element_type3A_132 = arith.extui %gt3A_131 : i1 to i32
        %cond3A_133 = arith.constant 0 : i32
        %cond3A_134 = arith.cmpi ne, %convert_element_type3A_132, %cond3A_133 : i32
        scf.if %cond3A_134 {
          %sub3A = arith.constant 2 : i32
          %sub3A_200 = arith.subi %add3A_102, %sub3A : i32
          %mul3A_201 = arith.constant 1 : i32
          %mul3A_202 = arith.muli %sub3A_200, %mul3A_201 : i32
          %add3A_203 = arith.constant 0 : i32
          %add3A_204 = arith.addi %mul3A_202, %add3A_203 : i32
          %dma_wait3A_205 = arith.constant 0 : i32
          %dma_wait3A_206 = arith.constant 0 : i32
          %dma_wait3A_207 = tpu.memref_slice %arg20[%dma_wait3A_205, %dma_wait3A_206] : memref<80x80xf32, #tpu.memory_space<vmem>> -> memref<80x80xf32, #tpu.memory_space<vmem>>
          %dma_wait3A_208 = arith.constant 0 : i32
          %dma_wait3A_209 = tpu.memref_slice %arg17[%add3A_204, %dma_wait3A_208] : memref<125x80xi32, #tpu.memory_space<vmem>> -> memref<1x80xi32, #tpu.memory_space<vmem>>
          %dma_wait3A_210 = tpu.memref_squeeze %dma_wait3A_209 : memref<1x80xi32, #tpu.memory_space<vmem>> -> memref<80xi32, #tpu.memory_space<vmem>>
          %dma_wait3A_211 = arith.constant 0 : i32
          %dma_wait3A_212 = arith.constant 0 : i32
          %dma_wait3A_213 = tpu.memref_slice %arg22[%dma_wait3A_211, %dma_wait3A_212] : memref<10000x80xf32, #tpu.memory_space<vmem_shared>> -> memref<10000x80xf32, #tpu.memory_space<vmem_shared>>
          tpu.wait_indirect_dma semaphore(%arg25 : memref<!tpu.dma_semaphore, #tpu.memory_space<semaphore_mem>>) src(%dma_wait3A_207 : memref<80x80xf32, #tpu.memory_space<vmem>>) dst(%dma_wait3A_213 : memref<10000x80xf32, #tpu.memory_space<vmem_shared>>)
        } else {
        }
        %mul3A_135 = arith.constant 1 : i32
        %mul3A_136 = arith.muli %add3A_102, %mul3A_135 : i32
        %add3A_137 = arith.constant 0 : i32
        %add3A_138 = arith.addi %mul3A_136, %add3A_137 : i32
        %dma_start3A_139 = arith.constant 0 : i32
        %dma_start3A_140 = arith.constant 0 : i32
        %dma_start3A_141 = tpu.memref_slice %arg20[%dma_start3A_139, %dma_start3A_140] : memref<80x80xf32, #tpu.memory_space<vmem>> -> memref<80x80xf32, #tpu.memory_space<vmem>>
        %dma_start3A_142 = arith.constant 0 : i32
        %dma_start3A_143 = tpu.memref_slice %arg17[%add3A_138, %dma_start3A_142] : memref<125x80xi32, #tpu.memory_space<vmem>> -> memref<1x80xi32, #tpu.memory_space<vmem>>
        %dma_start3A_144 = tpu.memref_squeeze %dma_start3A_143 : memref<1x80xi32, #tpu.memory_space<vmem>> -> memref<80xi32, #tpu.memory_space<vmem>>
        %dma_start3A_145 = arith.constant 0 : i32
        %dma_start3A_146 = arith.constant 0 : i32
        %dma_start3A_147 = tpu.memref_slice %arg22[%dma_start3A_145, %dma_start3A_146] : memref<10000x80xf32, #tpu.memory_space<vmem_shared>> -> memref<10000x80xf32, #tpu.memory_space<vmem_shared>>
        tpu.enqueue_indirect_dma source(%dma_start3A_141 : memref<80x80xf32, #tpu.memory_space<vmem>>) target(%dma_start3A_147 : memref<10000x80xf32, #tpu.memory_space<vmem_shared>>) offsets(%dma_start3A_144 : memref<80xi32, #tpu.memory_space<vmem>>) semaphore(%arg25 : memref<!tpu.dma_semaphore, #tpu.memory_space<semaphore_mem>>) {add = true}
        %add3A_148 = arith.constant 2 : i32
        %add3A_149 = arith.addi %add3A_102, %add3A_148 : i32
        %mul3A_150 = arith.constant 1 : i32
        %mul3A_151 = arith.muli %add3A_149, %mul3A_150 : i32
        %add3A_152 = arith.constant 0 : i32
        %add3A_153 = arith.addi %mul3A_151, %add3A_152 : i32
        %dma_start3A_154 = arith.constant 0 : i32
        %dma_start3A_155 = arith.constant 0 : i32
        %dma_start3A_156 = tpu.memref_slice %arg18[%dma_start3A_154, %dma_start3A_155] : memref<80x64xf32, #tpu.memory_space<vmem>> -> memref<80x64xf32, #tpu.memory_space<vmem>>
        %dma_start3A_157 = arith.constant 0 : i32
        %dma_start3A_158 = tpu.memref_slice %arg16[%add3A_153, %dma_start3A_157] : memref<125x80xi32, #tpu.memory_space<vmem>> -> memref<1x80xi32, #tpu.memory_space<vmem>>
        %dma_start3A_159 = tpu.memref_squeeze %dma_start3A_158 : memref<1x80xi32, #tpu.memory_space<vmem>> -> memref<80xi32, #tpu.memory_space<vmem>>
        %dma_start3A_160 = arith.constant 0 : i32
        %dma_start3A_161 = arith.constant 0 : i32
        %dma_start3A_162 = tpu.memref_slice %arg10[%dma_start3A_160, %dma_start3A_161] : memref<10000x64xf32, #tpu.memory_space<hbm>> -> memref<10000x64xf32, #tpu.memory_space<hbm>>
        tpu.enqueue_indirect_dma source(%dma_start3A_162 : memref<10000x64xf32, #tpu.memory_space<hbm>>) target(%dma_start3A_156 : memref<80x64xf32, #tpu.memory_space<vmem>>) offsets(%dma_start3A_159 : memref<80xi32, #tpu.memory_space<vmem>>) semaphore(%arg23 : memref<!tpu.dma_semaphore, #tpu.memory_space<semaphore_mem>>)
        %add3A_163 = arith.constant 1 : i32
        %add3A_164 = arith.addi %add3A_102, %add3A_163 : i32
        %mul3A_165 = arith.constant 1 : i32
        %mul3A_166 = arith.muli %add3A_164, %mul3A_165 : i32
        %add3A_167 = arith.constant 0 : i32
        %add3A_168 = arith.addi %mul3A_166, %add3A_167 : i32
        %dma_wait3A_169 = arith.constant 0 : i32
        %dma_wait3A_170 = arith.constant 0 : i32
        %dma_wait3A_171 = tpu.memref_slice %arg19[%dma_wait3A_169, %dma_wait3A_170] : memref<80x64xf32, #tpu.memory_space<vmem>> -> memref<80x64xf32, #tpu.memory_space<vmem>>
        %dma_wait3A_172 = arith.constant 0 : i32
        %dma_wait3A_173 = tpu.memref_slice %arg16[%add3A_168, %dma_wait3A_172] : memref<125x80xi32, #tpu.memory_space<vmem>> -> memref<1x80xi32, #tpu.memory_space<vmem>>
        %dma_wait3A_174 = tpu.memref_squeeze %dma_wait3A_173 : memref<1x80xi32, #tpu.memory_space<vmem>> -> memref<80xi32, #tpu.memory_space<vmem>>
        %dma_wait3A_175 = arith.constant 0 : i32
        %dma_wait3A_176 = arith.constant 0 : i32
        %dma_wait3A_177 = tpu.memref_slice %arg10[%dma_wait3A_175, %dma_wait3A_176] : memref<10000x64xf32, #tpu.memory_space<hbm>> -> memref<10000x64xf32, #tpu.memory_space<hbm>>
        tpu.wait_indirect_dma semaphore(%arg24 : memref<!tpu.dma_semaphore, #tpu.memory_space<semaphore_mem>>) src(%dma_wait3A_177 : memref<10000x64xf32, #tpu.memory_space<hbm>>) dst(%dma_wait3A_171 : memref<80x64xf32, #tpu.memory_space<vmem>>)
        %gt3A_178 = arith.constant 0 : i32
        %gt3A_179 = arith.cmpi sgt, %add3A_102, %gt3A_178 : i32
        %convert_element_type3A_180 = arith.extui %gt3A_179 : i1 to i32
        %cond3A_181 = arith.constant 0 : i32
        %cond3A_182 = arith.cmpi ne, %convert_element_type3A_180, %cond3A_181 : i32
        scf.if %cond3A_182 {
          %sub3A = arith.constant 1 : i32
          %sub3A_200 = arith.subi %add3A_102, %sub3A : i32
          %mul3A_201 = arith.constant 1 : i32
          %mul3A_202 = arith.muli %sub3A_200, %mul3A_201 : i32
          %add3A_203 = arith.constant 0 : i32
          %add3A_204 = arith.addi %mul3A_202, %add3A_203 : i32
          %dma_wait3A_205 = arith.constant 0 : i32
          %dma_wait3A_206 = arith.constant 0 : i32
          %dma_wait3A_207 = tpu.memref_slice %arg21[%dma_wait3A_205, %dma_wait3A_206] : memref<80x80xf32, #tpu.memory_space<vmem>> -> memref<80x80xf32, #tpu.memory_space<vmem>>
          %dma_wait3A_208 = arith.constant 0 : i32
          %dma_wait3A_209 = tpu.memref_slice %arg17[%add3A_204, %dma_wait3A_208] : memref<125x80xi32, #tpu.memory_space<vmem>> -> memref<1x80xi32, #tpu.memory_space<vmem>>
          %dma_wait3A_210 = tpu.memref_squeeze %dma_wait3A_209 : memref<1x80xi32, #tpu.memory_space<vmem>> -> memref<80xi32, #tpu.memory_space<vmem>>
          %dma_wait3A_211 = arith.constant 0 : i32
          %dma_wait3A_212 = arith.constant 0 : i32
          %dma_wait3A_213 = tpu.memref_slice %arg22[%dma_wait3A_211, %dma_wait3A_212] : memref<10000x80xf32, #tpu.memory_space<vmem_shared>> -> memref<10000x80xf32, #tpu.memory_space<vmem_shared>>
          tpu.wait_indirect_dma semaphore(%arg26 : memref<!tpu.dma_semaphore, #tpu.memory_space<semaphore_mem>>) src(%dma_wait3A_207 : memref<80x80xf32, #tpu.memory_space<vmem>>) dst(%dma_wait3A_213 : memref<10000x80xf32, #tpu.memory_space<vmem_shared>>)
        } else {
        }
        %add3A_183 = arith.constant 1 : i32
        %add3A_184 = arith.addi %add3A_102, %add3A_183 : i32
        %add3A_185 = arith.constant 1 : i32
        %add3A_186 = arith.addi %add3A_102, %add3A_185 : i32
        %mul3A_187 = arith.constant 1 : i32
        %mul3A_188 = arith.muli %add3A_186, %mul3A_187 : i32
        %add3A_189 = arith.constant 0 : i32
        %add3A_190 = arith.addi %mul3A_188, %add3A_189 : i32
        %dma_start3A_191 = arith.constant 0 : i32
        %dma_start3A_192 = arith.constant 0 : i32
        %dma_start3A_193 = tpu.memref_slice %arg21[%dma_start3A_191, %dma_start3A_192] : memref<80x80xf32, #tpu.memory_space<vmem>> -> memref<80x80xf32, #tpu.memory_space<vmem>>
        %dma_start3A_194 = arith.constant 0 : i32
        %dma_start3A_195 = tpu.memref_slice %arg17[%add3A_190, %dma_start3A_194] : memref<125x80xi32, #tpu.memory_space<vmem>> -> memref<1x80xi32, #tpu.memory_space<vmem>>
        %dma_start3A_196 = tpu.memref_squeeze %dma_start3A_195 : memref<1x80xi32, #tpu.memory_space<vmem>> -> memref<80xi32, #tpu.memory_space<vmem>>
        %dma_start3A_197 = arith.constant 0 : i32
        %dma_start3A_198 = arith.constant 0 : i32
        %dma_start3A_199 = tpu.memref_slice %arg22[%dma_start3A_197, %dma_start3A_198] : memref<10000x80xf32, #tpu.memory_space<vmem_shared>> -> memref<10000x80xf32, #tpu.memory_space<vmem_shared>>
        tpu.enqueue_indirect_dma source(%dma_start3A_193 : memref<80x80xf32, #tpu.memory_space<vmem>>) target(%dma_start3A_199 : memref<10000x80xf32, #tpu.memory_space<vmem_shared>>) offsets(%dma_start3A_196 : memref<80xi32, #tpu.memory_space<vmem>>) semaphore(%arg26 : memref<!tpu.dma_semaphore, #tpu.memory_space<semaphore_mem>>) {add = true}
      }
      %scan3A_47 = arith.constant 62 : i32
      %dma_wait3A = arith.constant 124 : i32
      %dma_wait3A_48 = arith.constant 0 : i32
      %dma_wait3A_49 = arith.constant 0 : i32
      %dma_wait3A_50 = tpu.memref_slice %arg18[%dma_wait3A_48, %dma_wait3A_49] : memref<80x64xf32, #tpu.memory_space<vmem>> -> memref<80x64xf32, #tpu.memory_space<vmem>>
      %dma_wait3A_51 = arith.constant 0 : i32
      %dma_wait3A_52 = tpu.memref_slice %arg16[%dma_wait3A, %dma_wait3A_51] : memref<125x80xi32, #tpu.memory_space<vmem>> -> memref<1x80xi32, #tpu.memory_space<vmem>>
      %dma_wait3A_53 = tpu.memref_squeeze %dma_wait3A_52 : memref<1x80xi32, #tpu.memory_space<vmem>> -> memref<80xi32, #tpu.memory_space<vmem>>
      %dma_wait3A_54 = arith.constant 0 : i32
      %dma_wait3A_55 = arith.constant 0 : i32
      %dma_wait3A_56 = tpu.memref_slice %arg10[%dma_wait3A_54, %dma_wait3A_55] : memref<10000x64xf32, #tpu.memory_space<hbm>> -> memref<10000x64xf32, #tpu.memory_space<hbm>>
      tpu.wait_indirect_dma semaphore(%arg23 : memref<!tpu.dma_semaphore, #tpu.memory_space<semaphore_mem>>) src(%dma_wait3A_56 : memref<10000x64xf32, #tpu.memory_space<hbm>>) dst(%dma_wait3A_50 : memref<80x64xf32, #tpu.memory_space<vmem>>)
      %dma_wait3A_57 = arith.constant 122 : i32
      %dma_wait3A_58 = arith.constant 0 : i32
      %dma_wait3A_59 = arith.constant 0 : i32
      %dma_wait3A_60 = tpu.memref_slice %arg20[%dma_wait3A_58, %dma_wait3A_59] : memref<80x80xf32, #tpu.memory_space<vmem>> -> memref<80x80xf32, #tpu.memory_space<vmem>>
      %dma_wait3A_61 = arith.constant 0 : i32
      %dma_wait3A_62 = tpu.memref_slice %arg17[%dma_wait3A_57, %dma_wait3A_61] : memref<125x80xi32, #tpu.memory_space<vmem>> -> memref<1x80xi32, #tpu.memory_space<vmem>>
      %dma_wait3A_63 = tpu.memref_squeeze %dma_wait3A_62 : memref<1x80xi32, #tpu.memory_space<vmem>> -> memref<80xi32, #tpu.memory_space<vmem>>
      %dma_wait3A_64 = arith.constant 0 : i32
      %dma_wait3A_65 = arith.constant 0 : i32
      %dma_wait3A_66 = tpu.memref_slice %arg22[%dma_wait3A_64, %dma_wait3A_65] : memref<10000x80xf32, #tpu.memory_space<vmem_shared>> -> memref<10000x80xf32, #tpu.memory_space<vmem_shared>>
      tpu.wait_indirect_dma semaphore(%arg25 : memref<!tpu.dma_semaphore, #tpu.memory_space<semaphore_mem>>) src(%dma_wait3A_60 : memref<80x80xf32, #tpu.memory_space<vmem>>) dst(%dma_wait3A_66 : memref<10000x80xf32, #tpu.memory_space<vmem_shared>>)
      %dma_start3A_67 = arith.constant 124 : i32
      %dma_start3A_68 = arith.constant 0 : i32
      %dma_start3A_69 = arith.constant 0 : i32
      %dma_start3A_70 = tpu.memref_slice %arg20[%dma_start3A_68, %dma_start3A_69] : memref<80x80xf32, #tpu.memory_space<vmem>> -> memref<80x80xf32, #tpu.memory_space<vmem>>
      %dma_start3A_71 = arith.constant 0 : i32
      %dma_start3A_72 = tpu.memref_slice %arg17[%dma_start3A_67, %dma_start3A_71] : memref<125x80xi32, #tpu.memory_space<vmem>> -> memref<1x80xi32, #tpu.memory_space<vmem>>
      %dma_start3A_73 = tpu.memref_squeeze %dma_start3A_72 : memref<1x80xi32, #tpu.memory_space<vmem>> -> memref<80xi32, #tpu.memory_space<vmem>>
      %dma_start3A_74 = arith.constant 0 : i32
      %dma_start3A_75 = arith.constant 0 : i32
      %dma_start3A_76 = tpu.memref_slice %arg22[%dma_start3A_74, %dma_start3A_75] : memref<10000x80xf32, #tpu.memory_space<vmem_shared>> -> memref<10000x80xf32, #tpu.memory_space<vmem_shared>>
      tpu.enqueue_indirect_dma source(%dma_start3A_70 : memref<80x80xf32, #tpu.memory_space<vmem>>) target(%dma_start3A_76 : memref<10000x80xf32, #tpu.memory_space<vmem_shared>>) offsets(%dma_start3A_73 : memref<80xi32, #tpu.memory_space<vmem>>) semaphore(%arg25 : memref<!tpu.dma_semaphore, #tpu.memory_space<semaphore_mem>>) {add = true}
      %dma_wait3A_77 = arith.constant 123 : i32
      %dma_wait3A_78 = arith.constant 0 : i32
      %dma_wait3A_79 = arith.constant 0 : i32
      %dma_wait3A_80 = tpu.memref_slice %arg21[%dma_wait3A_78, %dma_wait3A_79] : memref<80x80xf32, #tpu.memory_space<vmem>> -> memref<80x80xf32, #tpu.memory_space<vmem>>
      %dma_wait3A_81 = arith.constant 0 : i32
      %dma_wait3A_82 = tpu.memref_slice %arg17[%dma_wait3A_77, %dma_wait3A_81] : memref<125x80xi32, #tpu.memory_space<vmem>> -> memref<1x80xi32, #tpu.memory_space<vmem>>
      %dma_wait3A_83 = tpu.memref_squeeze %dma_wait3A_82 : memref<1x80xi32, #tpu.memory_space<vmem>> -> memref<80xi32, #tpu.memory_space<vmem>>
      %dma_wait3A_84 = arith.constant 0 : i32
      %dma_wait3A_85 = arith.constant 0 : i32
      %dma_wait3A_86 = tpu.memref_slice %arg22[%dma_wait3A_84, %dma_wait3A_85] : memref<10000x80xf32, #tpu.memory_space<vmem_shared>> -> memref<10000x80xf32, #tpu.memory_space<vmem_shared>>
      tpu.wait_indirect_dma semaphore(%arg26 : memref<!tpu.dma_semaphore, #tpu.memory_space<semaphore_mem>>) src(%dma_wait3A_80 : memref<80x80xf32, #tpu.memory_space<vmem>>) dst(%dma_wait3A_86 : memref<10000x80xf32, #tpu.memory_space<vmem_shared>>)
      %dma_wait3A_87 = arith.constant 124 : i32
      %dma_wait3A_88 = arith.constant 0 : i32
      %dma_wait3A_89 = arith.constant 0 : i32
      %dma_wait3A_90 = tpu.memref_slice %arg20[%dma_wait3A_88, %dma_wait3A_89] : memref<80x80xf32, #tpu.memory_space<vmem>> -> memref<80x80xf32, #tpu.memory_space<vmem>>
      %dma_wait3A_91 = arith.constant 0 : i32
      %dma_wait3A_92 = tpu.memref_slice %arg17[%dma_wait3A_87, %dma_wait3A_91] : memref<125x80xi32, #tpu.memory_space<vmem>> -> memref<1x80xi32, #tpu.memory_space<vmem>>
      %dma_wait3A_93 = tpu.memref_squeeze %dma_wait3A_92 : memref<1x80xi32, #tpu.memory_space<vmem>> -> memref<80xi32, #tpu.memory_space<vmem>>
      %dma_wait3A_94 = arith.constant 0 : i32
      %dma_wait3A_95 = arith.constant 0 : i32
      %dma_wait3A_96 = tpu.memref_slice %arg22[%dma_wait3A_94, %dma_wait3A_95] : memref<10000x80xf32, #tpu.memory_space<vmem_shared>> -> memref<10000x80xf32, #tpu.memory_space<vmem_shared>>
      tpu.wait_indirect_dma semaphore(%arg25 : memref<!tpu.dma_semaphore, #tpu.memory_space<semaphore_mem>>) src(%dma_wait3A_90 : memref<80x80xf32, #tpu.memory_space<vmem>>) dst(%dma_wait3A_96 : memref<10000x80xf32, #tpu.memory_space<vmem_shared>>)
      %barrier3A_97 = arith.constant 0 : index
      tpu.barrier barrier_id(%barrier3A_97)
      "tpu.region"() ({
        %run_scoped3A = tpu.sem_alloc : memref<!tpu.dma_semaphore, #tpu.memory_space<semaphore_mem>>
        %dma_start3A_98 = arith.constant 0 : i32
        %dma_start3A_99 = tpu.memref_slice %arg12[%mul3A_14, %dma_start3A_98] : memref<10000x80xf32, #tpu.memory_space<hbm>> -> memref<625x80xf32, #tpu.memory_space<hbm>>
        %dma_start3A_100 = arith.constant 0 : i32
        %dma_start3A_101 = tpu.memref_slice %arg22[%mul3A_14, %dma_start3A_100] : memref<10000x80xf32, #tpu.memory_space<vmem_shared>> -> memref<625x80xf32, #tpu.memory_space<vmem_shared>>
        tpu.enqueue_dma source(%dma_start3A_101 : memref<625x80xf32, #tpu.memory_space<vmem_shared>>) target(%dma_start3A_99 : memref<625x80xf32, #tpu.memory_space<hbm>>) target_semaphore(%run_scoped3A : memref<!tpu.dma_semaphore, #tpu.memory_space<semaphore_mem>>)
        %dma_wait3A_102 = arith.constant 0 : i32
        %dma_wait3A_103 = tpu.memref_slice %arg12[%mul3A_14, %dma_wait3A_102] : memref<10000x80xf32, #tpu.memory_space<hbm>> -> memref<625x80xf32, #tpu.memory_space<hbm>>
        %dma_wait3A_104 = arith.constant 0 : i32
        %dma_wait3A_105 = tpu.memref_slice %arg22[%mul3A_14, %dma_wait3A_104] : memref<10000x80xf32, #tpu.memory_space<vmem_shared>> -> memref<625x80xf32, #tpu.memory_space<vmem_shared>>
        tpu.wait_dma2 semaphore(%run_scoped3A : memref<!tpu.dma_semaphore, #tpu.memory_space<semaphore_mem>>) src(%dma_wait3A_105 : memref<625x80xf32, #tpu.memory_space<vmem_shared>>) dst(%dma_wait3A_103 : memref<625x80xf32, #tpu.memory_space<hbm>>)
        tpu.yield
      }) : () -> ()
    } else {
    }
    %eq3A_2 = arith.constant 1 : i32
    %eq3A_3 = arith.cmpi eq, %arg0, %eq3A_2 : i32
    %convert_element_type3A_4 = arith.extui %eq3A_3 : i1 to i32
    %cond3A_5 = arith.constant 0 : i32
    %cond3A_6 = arith.cmpi ne, %convert_element_type3A_4, %cond3A_5 : i32
    scf.if %cond3A_6 {
      "tpu.region"() ({
        %run_scoped3A = tpu.sem_alloc : memref<!tpu.dma_semaphore, #tpu.memory_space<semaphore_mem>>
        tpu.enqueue_dma source(%arg8 : memref<10000xf32, #tpu.memory_space<hbm>>) target(%arg14 : memref<10000xf32, #tpu.memory_space<vmem>>) target_semaphore(%run_scoped3A : memref<!tpu.dma_semaphore, #tpu.memory_space<semaphore_mem>>)
        tpu.wait_dma2 semaphore(%run_scoped3A : memref<!tpu.dma_semaphore, #tpu.memory_space<semaphore_mem>>) src(%arg8 : memref<10000xf32, #tpu.memory_space<hbm>>) dst(%arg14 : memref<10000xf32, #tpu.memory_space<vmem>>)
        tpu.yield
      }) : () -> ()
      "tpu.region"() ({
        %run_scoped3A = tpu.sem_alloc : memref<!tpu.dma_semaphore, #tpu.memory_space<semaphore_mem>>
        tpu.enqueue_dma source(%arg9 : memref<10000xf32, #tpu.memory_space<hbm>>) target(%arg15 : memref<10000xf32, #tpu.memory_space<vmem>>) target_semaphore(%run_scoped3A : memref<!tpu.dma_semaphore, #tpu.memory_space<semaphore_mem>>)
        tpu.wait_dma2 semaphore(%run_scoped3A : memref<!tpu.dma_semaphore, #tpu.memory_space<semaphore_mem>>) src(%arg9 : memref<10000xf32, #tpu.memory_space<hbm>>) dst(%arg15 : memref<10000xf32, #tpu.memory_space<vmem>>)
        tpu.yield
      }) : () -> ()
      %mul3A = arith.constant 125 : i32
      %mul3A_7 = arith.muli %arg1, %mul3A : i32
      "tpu.region"() ({
        %run_scoped3A = tpu.sem_alloc : memref<!tpu.dma_semaphore, #tpu.memory_space<semaphore_mem>>
        %dma_start3A_98 = arith.constant 0 : i32
        %dma_start3A_99 = tpu.memref_slice %arg4[%mul3A_7, %dma_start3A_98] : memref<2000x80xi32, #tpu.memory_space<hbm>> -> memref<125x80xi32, #tpu.memory_space<hbm>>
        %dma_start3A_100 = arith.constant 0 : i32
        %dma_start3A_101 = tpu.memref_slice %arg4[%mul3A_7, %dma_start3A_100] : memref<2000x80xi32, #tpu.memory_space<hbm>> -> memref<125x80xi32, #tpu.memory_space<hbm>>
        tpu.enqueue_dma source(%dma_start3A_101 : memref<125x80xi32, #tpu.memory_space<hbm>>) target(%arg16 : memref<125x80xi32, #tpu.memory_space<vmem>>) target_semaphore(%run_scoped3A : memref<!tpu.dma_semaphore, #tpu.memory_space<semaphore_mem>>)
        %dma_wait3A_102 = arith.constant 0 : i32
        %dma_wait3A_103 = tpu.memref_slice %arg4[%mul3A_7, %dma_wait3A_102] : memref<2000x80xi32, #tpu.memory_space<hbm>> -> memref<125x80xi32, #tpu.memory_space<hbm>>
        %dma_wait3A_104 = arith.constant 0 : i32
        %dma_wait3A_105 = tpu.memref_slice %arg4[%mul3A_7, %dma_wait3A_104] : memref<2000x80xi32, #tpu.memory_space<hbm>> -> memref<125x80xi32, #tpu.memory_space<hbm>>
        tpu.wait_dma2 semaphore(%run_scoped3A : memref<!tpu.dma_semaphore, #tpu.memory_space<semaphore_mem>>) src(%dma_wait3A_105 : memref<125x80xi32, #tpu.memory_space<hbm>>) dst(%arg16 : memref<125x80xi32, #tpu.memory_space<vmem>>)
        tpu.yield
      }) : () -> ()
      %mul3A_8 = arith.constant 125 : i32
      %mul3A_9 = arith.muli %arg1, %mul3A_8 : i32
      "tpu.region"() ({
        %run_scoped3A = tpu.sem_alloc : memref<!tpu.dma_semaphore, #tpu.memory_space<semaphore_mem>>
        %dma_start3A_98 = arith.constant 0 : i32
        %dma_start3A_99 = tpu.memref_slice %arg5[%mul3A_9, %dma_start3A_98] : memref<2000x80xi32, #tpu.memory_space<hbm>> -> memref<125x80xi32, #tpu.memory_space<hbm>>
        %dma_start3A_100 = arith.constant 0 : i32
        %dma_start3A_101 = tpu.memref_slice %arg5[%mul3A_9, %dma_start3A_100] : memref<2000x80xi32, #tpu.memory_space<hbm>> -> memref<125x80xi32, #tpu.memory_space<hbm>>
        tpu.enqueue_dma source(%dma_start3A_101 : memref<125x80xi32, #tpu.memory_space<hbm>>) target(%arg17 : memref<125x80xi32, #tpu.memory_space<vmem>>) target_semaphore(%run_scoped3A : memref<!tpu.dma_semaphore, #tpu.memory_space<semaphore_mem>>)
        %dma_wait3A_102 = arith.constant 0 : i32
        %dma_wait3A_103 = tpu.memref_slice %arg5[%mul3A_9, %dma_wait3A_102] : memref<2000x80xi32, #tpu.memory_space<hbm>> -> memref<125x80xi32, #tpu.memory_space<hbm>>
        %dma_wait3A_104 = arith.constant 0 : i32
        %dma_wait3A_105 = tpu.memref_slice %arg5[%mul3A_9, %dma_wait3A_104] : memref<2000x80xi32, #tpu.memory_space<hbm>> -> memref<125x80xi32, #tpu.memory_space<hbm>>
        tpu.wait_dma2 semaphore(%run_scoped3A : memref<!tpu.dma_semaphore, #tpu.memory_space<semaphore_mem>>) src(%dma_wait3A_105 : memref<125x80xi32, #tpu.memory_space<hbm>>) dst(%arg17 : memref<125x80xi32, #tpu.memory_space<vmem>>)
        tpu.yield
      }) : () -> ()
      %broadcast_in_dim3A = arith.constant 0.000000e+00 : f32
      %broadcast_in_dim3A_10 = vector.broadcast %broadcast_in_dim3A : f32 to vector<16xf32>
      %parallel_loop3A = arith.constant 0 : i32
      %parallel_loop3A_11 = arith.constant 80 : i32
      %parallel_loop3A_12 = arith.constant 1 : i32
      scf.for %parallel_loop3A_98 = %parallel_loop3A to %parallel_loop3A_11 step %parallel_loop3A_12  : i32 {
        %parallel_loop3A_99 = arith.index_cast %parallel_loop3A_98 : i32 to index
        %parallel_loop3A_100 = arith.constant 0 : index
        %parallel_loop3A_101 = tpu.vector_load %arg20[%parallel_loop3A_99, %parallel_loop3A_100] {strides = array<i32>} : memref<80x80xf32, #tpu.memory_space<vmem>>, vector<16xf32>,
        tpu.vector_store %arg20[%parallel_loop3A_99, %parallel_loop3A_100], %broadcast_in_dim3A_10 {strides = array<i32>} : memref<80x80xf32, #tpu.memory_space<vmem>>, vector<16xf32>,
        %parallel_loop3A_102 = arith.index_cast %parallel_loop3A_98 : i32 to index
        %parallel_loop3A_103 = arith.constant 16 : index
        %parallel_loop3A_104 = tpu.vector_load %arg20[%parallel_loop3A_102, %parallel_loop3A_103] {strides = array<i32>} : memref<80x80xf32, #tpu.memory_space<vmem>>, vector<16xf32>,
        tpu.vector_store %arg20[%parallel_loop3A_102, %parallel_loop3A_103], %broadcast_in_dim3A_10 {strides = array<i32>} : memref<80x80xf32, #tpu.memory_space<vmem>>, vector<16xf32>,
        %parallel_loop3A_105 = arith.index_cast %parallel_loop3A_98 : i32 to index
        %parallel_loop3A_106 = arith.constant 32 : index
        %parallel_loop3A_107 = tpu.vector_load %arg20[%parallel_loop3A_105, %parallel_loop3A_106] {strides = array<i32>} : memref<80x80xf32, #tpu.memory_space<vmem>>, vector<16xf32>,
        tpu.vector_store %arg20[%parallel_loop3A_105, %parallel_loop3A_106], %broadcast_in_dim3A_10 {strides = array<i32>} : memref<80x80xf32, #tpu.memory_space<vmem>>, vector<16xf32>,
        %parallel_loop3A_108 = arith.index_cast %parallel_loop3A_98 : i32 to index
        %parallel_loop3A_109 = arith.constant 48 : index
        %parallel_loop3A_110 = tpu.vector_load %arg20[%parallel_loop3A_108, %parallel_loop3A_109] {strides = array<i32>} : memref<80x80xf32, #tpu.memory_space<vmem>>, vector<16xf32>,
        tpu.vector_store %arg20[%parallel_loop3A_108, %parallel_loop3A_109], %broadcast_in_dim3A_10 {strides = array<i32>} : memref<80x80xf32, #tpu.memory_space<vmem>>, vector<16xf32>,
        %parallel_loop3A_111 = arith.index_cast %parallel_loop3A_98 : i32 to index
        %parallel_loop3A_112 = arith.constant 64 : index
        %parallel_loop3A_113 = tpu.vector_load %arg20[%parallel_loop3A_111, %parallel_loop3A_112] {strides = array<i32>} : memref<80x80xf32, #tpu.memory_space<vmem>>, vector<16xf32>,
        tpu.vector_store %arg20[%parallel_loop3A_111, %parallel_loop3A_112], %broadcast_in_dim3A_10 {strides = array<i32>} : memref<80x80xf32, #tpu.memory_space<vmem>>, vector<16xf32>,
      } {sc.loop_unroll_factor = 4 : i64, sc.parallel_access}
      %mul3A_13 = arith.constant 625 : i32
      %mul3A_14 = arith.muli %arg1, %mul3A_13 : i32
      %add3A = arith.constant 0 : i32
      %add3A_15 = arith.addi %mul3A_14, %add3A : i32
      "tpu.region"() ({
        %run_scoped3A = tpu.sem_alloc : memref<!tpu.dma_semaphore, #tpu.memory_space<semaphore_mem>>
        %dma_start3A_98 = arith.constant 0 : i32
        %dma_start3A_99 = tpu.memref_slice %arg22[%add3A_15, %dma_start3A_98] : memref<10000x80xf32, #tpu.memory_space<vmem_shared>> -> memref<80x80xf32, #tpu.memory_space<vmem_shared>>
        %dma_start3A_100 = arith.constant 0 : i32
        %dma_start3A_101 = tpu.memref_slice %arg22[%add3A_15, %dma_start3A_100] : memref<10000x80xf32, #tpu.memory_space<vmem_shared>> -> memref<80x80xf32, #tpu.memory_space<vmem_shared>>
        tpu.enqueue_dma source(%arg20 : memref<80x80xf32, #tpu.memory_space<vmem>>) target(%dma_start3A_101 : memref<80x80xf32, #tpu.memory_space<vmem_shared>>) target_semaphore(%run_scoped3A : memref<!tpu.dma_semaphore, #tpu.memory_space<semaphore_mem>>)
        %dma_wait3A_102 = arith.constant 0 : i32
        %dma_wait3A_103 = tpu.memref_slice %arg22[%add3A_15, %dma_wait3A_102] : memref<10000x80xf32, #tpu.memory_space<vmem_shared>> -> memref<80x80xf32, #tpu.memory_space<vmem_shared>>
        %dma_wait3A_104 = arith.constant 0 : i32
        %dma_wait3A_105 = tpu.memref_slice %arg22[%add3A_15, %dma_wait3A_104] : memref<10000x80xf32, #tpu.memory_space<vmem_shared>> -> memref<80x80xf32, #tpu.memory_space<vmem_shared>>
        tpu.wait_dma2 semaphore(%run_scoped3A : memref<!tpu.dma_semaphore, #tpu.memory_space<semaphore_mem>>) src(%arg20 : memref<80x80xf32, #tpu.memory_space<vmem>>) dst(%dma_wait3A_105 : memref<80x80xf32, #tpu.memory_space<vmem_shared>>)
        tpu.yield
      }) : () -> ()
      %add3A_16 = arith.constant 80 : i32
      %add3A_17 = arith.addi %mul3A_14, %add3A_16 : i32
      "tpu.region"() ({
        %run_scoped3A = tpu.sem_alloc : memref<!tpu.dma_semaphore, #tpu.memory_space<semaphore_mem>>
        %dma_start3A_98 = arith.constant 0 : i32
        %dma_start3A_99 = tpu.memref_slice %arg22[%add3A_17, %dma_start3A_98] : memref<10000x80xf32, #tpu.memory_space<vmem_shared>> -> memref<80x80xf32, #tpu.memory_space<vmem_shared>>
        %dma_start3A_100 = arith.constant 0 : i32
        %dma_start3A_101 = tpu.memref_slice %arg22[%add3A_17, %dma_start3A_100] : memref<10000x80xf32, #tpu.memory_space<vmem_shared>> -> memref<80x80xf32, #tpu.memory_space<vmem_shared>>
        tpu.enqueue_dma source(%arg20 : memref<80x80xf32, #tpu.memory_space<vmem>>) target(%dma_start3A_101 : memref<80x80xf32, #tpu.memory_space<vmem_shared>>) target_semaphore(%run_scoped3A : memref<!tpu.dma_semaphore, #tpu.memory_space<semaphore_mem>>)
        %dma_wait3A_102 = arith.constant 0 : i32
        %dma_wait3A_103 = tpu.memref_slice %arg22[%add3A_17, %dma_wait3A_102] : memref<10000x80xf32, #tpu.memory_space<vmem_shared>> -> memref<80x80xf32, #tpu.memory_space<vmem_shared>>
        %dma_wait3A_104 = arith.constant 0 : i32
        %dma_wait3A_105 = tpu.memref_slice %arg22[%add3A_17, %dma_wait3A_104] : memref<10000x80xf32, #tpu.memory_space<vmem_shared>> -> memref<80x80xf32, #tpu.memory_space<vmem_shared>>
        tpu.wait_dma2 semaphore(%run_scoped3A : memref<!tpu.dma_semaphore, #tpu.memory_space<semaphore_mem>>) src(%arg20 : memref<80x80xf32, #tpu.memory_space<vmem>>) dst(%dma_wait3A_105 : memref<80x80xf32, #tpu.memory_space<vmem_shared>>)
        tpu.yield
      }) : () -> ()
      %add3A_18 = arith.constant 160 : i32
      %add3A_19 = arith.addi %mul3A_14, %add3A_18 : i32
      "tpu.region"() ({
        %run_scoped3A = tpu.sem_alloc : memref<!tpu.dma_semaphore, #tpu.memory_space<semaphore_mem>>
        %dma_start3A_98 = arith.constant 0 : i32
        %dma_start3A_99 = tpu.memref_slice %arg22[%add3A_19, %dma_start3A_98] : memref<10000x80xf32, #tpu.memory_space<vmem_shared>> -> memref<80x80xf32, #tpu.memory_space<vmem_shared>>
        %dma_start3A_100 = arith.constant 0 : i32
        %dma_start3A_101 = tpu.memref_slice %arg22[%add3A_19, %dma_start3A_100] : memref<10000x80xf32, #tpu.memory_space<vmem_shared>> -> memref<80x80xf32, #tpu.memory_space<vmem_shared>>
        tpu.enqueue_dma source(%arg20 : memref<80x80xf32, #tpu.memory_space<vmem>>) target(%dma_start3A_101 : memref<80x80xf32, #tpu.memory_space<vmem_shared>>) target_semaphore(%run_scoped3A : memref<!tpu.dma_semaphore, #tpu.memory_space<semaphore_mem>>)
        %dma_wait3A_102 = arith.constant 0 : i32
        %dma_wait3A_103 = tpu.memref_slice %arg22[%add3A_19, %dma_wait3A_102] : memref<10000x80xf32, #tpu.memory_space<vmem_shared>> -> memref<80x80xf32, #tpu.memory_space<vmem_shared>>
        %dma_wait3A_104 = arith.constant 0 : i32
        %dma_wait3A_105 = tpu.memref_slice %arg22[%add3A_19, %dma_wait3A_104] : memref<10000x80xf32, #tpu.memory_space<vmem_shared>> -> memref<80x80xf32, #tpu.memory_space<vmem_shared>>
        tpu.wait_dma2 semaphore(%run_scoped3A : memref<!tpu.dma_semaphore, #tpu.memory_space<semaphore_mem>>) src(%arg20 : memref<80x80xf32, #tpu.memory_space<vmem>>) dst(%dma_wait3A_105 : memref<80x80xf32, #tpu.memory_space<vmem_shared>>)
        tpu.yield
      }) : () -> ()
      %add3A_20 = arith.constant 240 : i32
      %add3A_21 = arith.addi %mul3A_14, %add3A_20 : i32
      "tpu.region"() ({
        %run_scoped3A = tpu.sem_alloc : memref<!tpu.dma_semaphore, #tpu.memory_space<semaphore_mem>>
        %dma_start3A_98 = arith.constant 0 : i32
        %dma_start3A_99 = tpu.memref_slice %arg22[%add3A_21, %dma_start3A_98] : memref<10000x80xf32, #tpu.memory_space<vmem_shared>> -> memref<80x80xf32, #tpu.memory_space<vmem_shared>>
        %dma_start3A_100 = arith.constant 0 : i32
        %dma_start3A_101 = tpu.memref_slice %arg22[%add3A_21, %dma_start3A_100] : memref<10000x80xf32, #tpu.memory_space<vmem_shared>> -> memref<80x80xf32, #tpu.memory_space<vmem_shared>>
        tpu.enqueue_dma source(%arg20 : memref<80x80xf32, #tpu.memory_space<vmem>>) target(%dma_start3A_101 : memref<80x80xf32, #tpu.memory_space<vmem_shared>>) target_semaphore(%run_scoped3A : memref<!tpu.dma_semaphore, #tpu.memory_space<semaphore_mem>>)
        %dma_wait3A_102 = arith.constant 0 : i32
        %dma_wait3A_103 = tpu.memref_slice %arg22[%add3A_21, %dma_wait3A_102] : memref<10000x80xf32, #tpu.memory_space<vmem_shared>> -> memref<80x80xf32, #tpu.memory_space<vmem_shared>>
        %dma_wait3A_104 = arith.constant 0 : i32
        %dma_wait3A_105 = tpu.memref_slice %arg22[%add3A_21, %dma_wait3A_104] : memref<10000x80xf32, #tpu.memory_space<vmem_shared>> -> memref<80x80xf32, #tpu.memory_space<vmem_shared>>
        tpu.wait_dma2 semaphore(%run_scoped3A : memref<!tpu.dma_semaphore, #tpu.memory_space<semaphore_mem>>) src(%arg20 : memref<80x80xf32, #tpu.memory_space<vmem>>) dst(%dma_wait3A_105 : memref<80x80xf32, #tpu.memory_space<vmem_shared>>)
        tpu.yield
      }) : () -> ()
      %add3A_22 = arith.constant 320 : i32
      %add3A_23 = arith.addi %mul3A_14, %add3A_22 : i32
      "tpu.region"() ({
        %run_scoped3A = tpu.sem_alloc : memref<!tpu.dma_semaphore, #tpu.memory_space<semaphore_mem>>
        %dma_start3A_98 = arith.constant 0 : i32
        %dma_start3A_99 = tpu.memref_slice %arg22[%add3A_23, %dma_start3A_98] : memref<10000x80xf32, #tpu.memory_space<vmem_shared>> -> memref<80x80xf32, #tpu.memory_space<vmem_shared>>
        %dma_start3A_100 = arith.constant 0 : i32
        %dma_start3A_101 = tpu.memref_slice %arg22[%add3A_23, %dma_start3A_100] : memref<10000x80xf32, #tpu.memory_space<vmem_shared>> -> memref<80x80xf32, #tpu.memory_space<vmem_shared>>
        tpu.enqueue_dma source(%arg20 : memref<80x80xf32, #tpu.memory_space<vmem>>) target(%dma_start3A_101 : memref<80x80xf32, #tpu.memory_space<vmem_shared>>) target_semaphore(%run_scoped3A : memref<!tpu.dma_semaphore, #tpu.memory_space<semaphore_mem>>)
        %dma_wait3A_102 = arith.constant 0 : i32
        %dma_wait3A_103 = tpu.memref_slice %arg22[%add3A_23, %dma_wait3A_102] : memref<10000x80xf32, #tpu.memory_space<vmem_shared>> -> memref<80x80xf32, #tpu.memory_space<vmem_shared>>
        %dma_wait3A_104 = arith.constant 0 : i32
        %dma_wait3A_105 = tpu.memref_slice %arg22[%add3A_23, %dma_wait3A_104] : memref<10000x80xf32, #tpu.memory_space<vmem_shared>> -> memref<80x80xf32, #tpu.memory_space<vmem_shared>>
        tpu.wait_dma2 semaphore(%run_scoped3A : memref<!tpu.dma_semaphore, #tpu.memory_space<semaphore_mem>>) src(%arg20 : memref<80x80xf32, #tpu.memory_space<vmem>>) dst(%dma_wait3A_105 : memref<80x80xf32, #tpu.memory_space<vmem_shared>>)
        tpu.yield
      }) : () -> ()
      %add3A_24 = arith.constant 400 : i32
      %add3A_25 = arith.addi %mul3A_14, %add3A_24 : i32
      "tpu.region"() ({
        %run_scoped3A = tpu.sem_alloc : memref<!tpu.dma_semaphore, #tpu.memory_space<semaphore_mem>>
        %dma_start3A_98 = arith.constant 0 : i32
        %dma_start3A_99 = tpu.memref_slice %arg22[%add3A_25, %dma_start3A_98] : memref<10000x80xf32, #tpu.memory_space<vmem_shared>> -> memref<80x80xf32, #tpu.memory_space<vmem_shared>>
        %dma_start3A_100 = arith.constant 0 : i32
        %dma_start3A_101 = tpu.memref_slice %arg22[%add3A_25, %dma_start3A_100] : memref<10000x80xf32, #tpu.memory_space<vmem_shared>> -> memref<80x80xf32, #tpu.memory_space<vmem_shared>>
        tpu.enqueue_dma source(%arg20 : memref<80x80xf32, #tpu.memory_space<vmem>>) target(%dma_start3A_101 : memref<80x80xf32, #tpu.memory_space<vmem_shared>>) target_semaphore(%run_scoped3A : memref<!tpu.dma_semaphore, #tpu.memory_space<semaphore_mem>>)
        %dma_wait3A_102 = arith.constant 0 : i32
        %dma_wait3A_103 = tpu.memref_slice %arg22[%add3A_25, %dma_wait3A_102] : memref<10000x80xf32, #tpu.memory_space<vmem_shared>> -> memref<80x80xf32, #tpu.memory_space<vmem_shared>>
        %dma_wait3A_104 = arith.constant 0 : i32
        %dma_wait3A_105 = tpu.memref_slice %arg22[%add3A_25, %dma_wait3A_104] : memref<10000x80xf32, #tpu.memory_space<vmem_shared>> -> memref<80x80xf32, #tpu.memory_space<vmem_shared>>
        tpu.wait_dma2 semaphore(%run_scoped3A : memref<!tpu.dma_semaphore, #tpu.memory_space<semaphore_mem>>) src(%arg20 : memref<80x80xf32, #tpu.memory_space<vmem>>) dst(%dma_wait3A_105 : memref<80x80xf32, #tpu.memory_space<vmem_shared>>)
        tpu.yield
      }) : () -> ()
      %add3A_26 = arith.constant 480 : i32
      %add3A_27 = arith.addi %mul3A_14, %add3A_26 : i32
      "tpu.region"() ({
        %run_scoped3A = tpu.sem_alloc : memref<!tpu.dma_semaphore, #tpu.memory_space<semaphore_mem>>
        %dma_start3A_98 = arith.constant 0 : i32
        %dma_start3A_99 = tpu.memref_slice %arg22[%add3A_27, %dma_start3A_98] : memref<10000x80xf32, #tpu.memory_space<vmem_shared>> -> memref<80x80xf32, #tpu.memory_space<vmem_shared>>
        %dma_start3A_100 = arith.constant 0 : i32
        %dma_start3A_101 = tpu.memref_slice %arg22[%add3A_27, %dma_start3A_100] : memref<10000x80xf32, #tpu.memory_space<vmem_shared>> -> memref<80x80xf32, #tpu.memory_space<vmem_shared>>
        tpu.enqueue_dma source(%arg20 : memref<80x80xf32, #tpu.memory_space<vmem>>) target(%dma_start3A_101 : memref<80x80xf32, #tpu.memory_space<vmem_shared>>) target_semaphore(%run_scoped3A : memref<!tpu.dma_semaphore, #tpu.memory_space<semaphore_mem>>)
        %dma_wait3A_102 = arith.constant 0 : i32
        %dma_wait3A_103 = tpu.memref_slice %arg22[%add3A_27, %dma_wait3A_102] : memref<10000x80xf32, #tpu.memory_space<vmem_shared>> -> memref<80x80xf32, #tpu.memory_space<vmem_shared>>
        %dma_wait3A_104 = arith.constant 0 : i32
        %dma_wait3A_105 = tpu.memref_slice %arg22[%add3A_27, %dma_wait3A_104] : memref<10000x80xf32, #tpu.memory_space<vmem_shared>> -> memref<80x80xf32, #tpu.memory_space<vmem_shared>>
        tpu.wait_dma2 semaphore(%run_scoped3A : memref<!tpu.dma_semaphore, #tpu.memory_space<semaphore_mem>>) src(%arg20 : memref<80x80xf32, #tpu.memory_space<vmem>>) dst(%dma_wait3A_105 : memref<80x80xf32, #tpu.memory_space<vmem_shared>>)
        tpu.yield
      }) : () -> ()
      %add3A_28 = arith.constant 560 : i32
      %add3A_29 = arith.addi %mul3A_14, %add3A_28 : i32
      "tpu.region"() ({
        %run_scoped3A = tpu.sem_alloc : memref<!tpu.dma_semaphore, #tpu.memory_space<semaphore_mem>>
        %dma_start3A_98 = arith.constant 0 : i32
        %dma_start3A_99 = arith.constant 0 : i32
        %dma_start3A_100 = tpu.memref_slice %arg20[%dma_start3A_98, %dma_start3A_99] : memref<80x80xf32, #tpu.memory_space<vmem>> -> memref<65x80xf32, #tpu.memory_space<vmem>>
        %dma_start3A_101 = arith.constant 0 : i32
        %dma_start3A_102 = tpu.memref_slice %arg22[%add3A_29, %dma_start3A_101] : memref<10000x80xf32, #tpu.memory_space<vmem_shared>> -> memref<65x80xf32, #tpu.memory_space<vmem_shared>>
        %dma_start3A_103 = arith.constant 0 : i32
        %dma_start3A_104 = tpu.memref_slice %arg22[%add3A_29, %dma_start3A_103] : memref<10000x80xf32, #tpu.memory_space<vmem_shared>> -> memref<65x80xf32, #tpu.memory_space<vmem_shared>>
        %dma_start3A_105 = arith.constant 0 : i32
        %dma_start3A_106 = arith.constant 0 : i32
        %dma_start3A_107 = tpu.memref_slice %arg20[%dma_start3A_105, %dma_start3A_106] : memref<80x80xf32, #tpu.memory_space<vmem>> -> memref<65x80xf32, #tpu.memory_space<vmem>>
        tpu.enqueue_dma source(%dma_start3A_107 : memref<65x80xf32, #tpu.memory_space<vmem>>) target(%dma_start3A_104 : memref<65x80xf32, #tpu.memory_space<vmem_shared>>) target_semaphore(%run_scoped3A : memref<!tpu.dma_semaphore, #tpu.memory_space<semaphore_mem>>)
        %dma_wait3A_108 = arith.constant 0 : i32
        %dma_wait3A_109 = arith.constant 0 : i32
        %dma_wait3A_110 = tpu.memref_slice %arg20[%dma_wait3A_108, %dma_wait3A_109] : memref<80x80xf32, #tpu.memory_space<vmem>> -> memref<65x80xf32, #tpu.memory_space<vmem>>
        %dma_wait3A_111 = arith.constant 0 : i32
        %dma_wait3A_112 = tpu.memref_slice %arg22[%add3A_29, %dma_wait3A_111] : memref<10000x80xf32, #tpu.memory_space<vmem_shared>> -> memref<65x80xf32, #tpu.memory_space<vmem_shared>>
        %dma_wait3A_113 = arith.constant 0 : i32
        %dma_wait3A_114 = tpu.memref_slice %arg22[%add3A_29, %dma_wait3A_113] : memref<10000x80xf32, #tpu.memory_space<vmem_shared>> -> memref<65x80xf32, #tpu.memory_space<vmem_shared>>
        %dma_wait3A_115 = arith.constant 0 : i32
        %dma_wait3A_116 = arith.constant 0 : i32
        %dma_wait3A_117 = tpu.memref_slice %arg20[%dma_wait3A_115, %dma_wait3A_116] : memref<80x80xf32, #tpu.memory_space<vmem>> -> memref<65x80xf32, #tpu.memory_space<vmem>>
        tpu.wait_dma2 semaphore(%run_scoped3A : memref<!tpu.dma_semaphore, #tpu.memory_space<semaphore_mem>>) src(%dma_wait3A_117 : memref<65x80xf32, #tpu.memory_space<vmem>>) dst(%dma_wait3A_114 : memref<65x80xf32, #tpu.memory_space<vmem_shared>>)
        tpu.yield
      }) : () -> ()
      %barrier3A = arith.constant 0 : index
      tpu.barrier barrier_id(%barrier3A)
      %iota3A = tpu.iota {dimensions = array<i32: 0>} : vector<16xi32>
      %eq3A_30 = arith.constant 0 : i32
      %eq3A_31 = vector.broadcast %eq3A_30 : i32 to vector<16xi32>
      %eq3A_32 = arith.cmpi eq, %iota3A, %eq3A_31 : vector<16xi32>
      %convert_element_type3A_33 = arith.extui %eq3A_32 : vector<16xi1> to vector<16xi32>
      %convert_element_type3A_34 = arith.sitofp %convert_element_type3A_33 : vector<16xi32> to vector<16xf32>
      %dma_start3A = arith.constant 0 : i32
      %dma_start3A_35 = arith.constant 0 : i32
      %dma_start3A_36 = arith.constant 0 : i32
      %dma_start3A_37 = tpu.memref_slice %arg18[%dma_start3A_35, %dma_start3A_36] : memref<80x64xf32, #tpu.memory_space<vmem>> -> memref<80x64xf32, #tpu.memory_space<vmem>>
      %dma_start3A_38 = arith.constant 0 : i32
      %dma_start3A_39 = tpu.memref_slice %arg16[%dma_start3A, %dma_start3A_38] : memref<125x80xi32, #tpu.memory_space<vmem>> -> memref<1x80xi32, #tpu.memory_space<vmem>>
      %dma_start3A_40 = tpu.memref_squeeze %dma_start3A_39 : memref<1x80xi32, #tpu.memory_space<vmem>> -> memref<80xi32, #tpu.memory_space<vmem>>
      %dma_start3A_41 = arith.constant 0 : i32
      %dma_start3A_42 = arith.constant 0 : i32
      %dma_start3A_43 = tpu.memref_slice %arg11[%dma_start3A_41, %dma_start3A_42] : memref<10000x64xf32, #tpu.memory_space<hbm>> -> memref<10000x64xf32, #tpu.memory_space<hbm>>
      tpu.enqueue_indirect_dma source(%dma_start3A_43 : memref<10000x64xf32, #tpu.memory_space<hbm>>) target(%dma_start3A_37 : memref<80x64xf32, #tpu.memory_space<vmem>>) offsets(%dma_start3A_40 : memref<80xi32, #tpu.memory_space<vmem>>) semaphore(%arg23 : memref<!tpu.dma_semaphore, #tpu.memory_space<semaphore_mem>>)
      %scan3A = arith.constant 0 : i32
      %scan3A_44 = arith.constant 62 : i32
      %scan3A_45 = arith.addi %scan3A, %scan3A_44 : i32
      %scan3A_46 = arith.constant 1 : i32
      scf.for %scan3A_98 = %scan3A to %scan3A_45 step %scan3A_46  : i32 {
        %mul3A_99 = arith.constant 2 : i32
        %mul3A_100 = arith.muli %scan3A_98, %mul3A_99 : i32
        %add3A_101 = arith.constant 0 : i32
        %add3A_102 = arith.addi %add3A_101, %mul3A_100 : i32
        %add3A_103 = arith.constant 1 : i32
        %add3A_104 = arith.addi %add3A_102, %add3A_103 : i32
        %mul3A_105 = arith.constant 1 : i32
        %mul3A_106 = arith.muli %add3A_104, %mul3A_105 : i32
        %add3A_107 = arith.constant 0 : i32
        %add3A_108 = arith.addi %mul3A_106, %add3A_107 : i32
        %dma_start3A_109 = arith.constant 0 : i32
        %dma_start3A_110 = arith.constant 0 : i32
        %dma_start3A_111 = tpu.memref_slice %arg19[%dma_start3A_109, %dma_start3A_110] : memref<80x64xf32, #tpu.memory_space<vmem>> -> memref<80x64xf32, #tpu.memory_space<vmem>>
        %dma_start3A_112 = arith.constant 0 : i32
        %dma_start3A_113 = tpu.memref_slice %arg16[%add3A_108, %dma_start3A_112] : memref<125x80xi32, #tpu.memory_space<vmem>> -> memref<1x80xi32, #tpu.memory_space<vmem>>
        %dma_start3A_114 = tpu.memref_squeeze %dma_start3A_113 : memref<1x80xi32, #tpu.memory_space<vmem>> -> memref<80xi32, #tpu.memory_space<vmem>>
        %dma_start3A_115 = arith.constant 0 : i32
        %dma_start3A_116 = arith.constant 0 : i32
        %dma_start3A_117 = tpu.memref_slice %arg11[%dma_start3A_115, %dma_start3A_116] : memref<10000x64xf32, #tpu.memory_space<hbm>> -> memref<10000x64xf32, #tpu.memory_space<hbm>>
        tpu.enqueue_indirect_dma source(%dma_start3A_117 : memref<10000x64xf32, #tpu.memory_space<hbm>>) target(%dma_start3A_111 : memref<80x64xf32, #tpu.memory_space<vmem>>) offsets(%dma_start3A_114 : memref<80xi32, #tpu.memory_space<vmem>>) semaphore(%arg24 : memref<!tpu.dma_semaphore, #tpu.memory_space<semaphore_mem>>)
        %mul3A_118 = arith.constant 1 : i32
        %mul3A_119 = arith.muli %add3A_102, %mul3A_118 : i32
        %add3A_120 = arith.constant 0 : i32
        %add3A_121 = arith.addi %mul3A_119, %add3A_120 : i32
        %dma_wait3A_122 = arith.constant 0 : i32
        %dma_wait3A_123 = arith.constant 0 : i32
        %dma_wait3A_124 = tpu.memref_slice %arg18[%dma_wait3A_122, %dma_wait3A_123] : memref<80x64xf32, #tpu.memory_space<vmem>> -> memref<80x64xf32, #tpu.memory_space<vmem>>
        %dma_wait3A_125 = arith.constant 0 : i32
        %dma_wait3A_126 = tpu.memref_slice %arg16[%add3A_121, %dma_wait3A_125] : memref<125x80xi32, #tpu.memory_space<vmem>> -> memref<1x80xi32, #tpu.memory_space<vmem>>
        %dma_wait3A_127 = tpu.memref_squeeze %dma_wait3A_126 : memref<1x80xi32, #tpu.memory_space<vmem>> -> memref<80xi32, #tpu.memory_space<vmem>>
        %dma_wait3A_128 = arith.constant 0 : i32
        %dma_wait3A_129 = arith.constant 0 : i32
        %dma_wait3A_130 = tpu.memref_slice %arg11[%dma_wait3A_128, %dma_wait3A_129] : memref<10000x64xf32, #tpu.memory_space<hbm>> -> memref<10000x64xf32, #tpu.memory_space<hbm>>
        tpu.wait_indirect_dma semaphore(%arg23 : memref<!tpu.dma_semaphore, #tpu.memory_space<semaphore_mem>>) src(%dma_wait3A_130 : memref<10000x64xf32, #tpu.memory_space<hbm>>) dst(%dma_wait3A_124 : memref<80x64xf32, #tpu.memory_space<vmem>>)
        %gt3A = arith.constant 0 : i32
        %gt3A_131 = arith.cmpi sgt, %add3A_102, %gt3A : i32
        %convert_element_type3A_132 = arith.extui %gt3A_131 : i1 to i32
        %cond3A_133 = arith.constant 0 : i32
        %cond3A_134 = arith.cmpi ne, %convert_element_type3A_132, %cond3A_133 : i32
        scf.if %cond3A_134 {
          %sub3A = arith.constant 2 : i32
          %sub3A_200 = arith.subi %add3A_102, %sub3A : i32
          %mul3A_201 = arith.constant 1 : i32
          %mul3A_202 = arith.muli %sub3A_200, %mul3A_201 : i32
          %add3A_203 = arith.constant 0 : i32
          %add3A_204 = arith.addi %mul3A_202, %add3A_203 : i32
          %dma_wait3A_205 = arith.constant 0 : i32
          %dma_wait3A_206 = arith.constant 0 : i32
          %dma_wait3A_207 = tpu.memref_slice %arg20[%dma_wait3A_205, %dma_wait3A_206] : memref<80x80xf32, #tpu.memory_space<vmem>> -> memref<80x80xf32, #tpu.memory_space<vmem>>
          %dma_wait3A_208 = arith.constant 0 : i32
          %dma_wait3A_209 = tpu.memref_slice %arg17[%add3A_204, %dma_wait3A_208] : memref<125x80xi32, #tpu.memory_space<vmem>> -> memref<1x80xi32, #tpu.memory_space<vmem>>
          %dma_wait3A_210 = tpu.memref_squeeze %dma_wait3A_209 : memref<1x80xi32, #tpu.memory_space<vmem>> -> memref<80xi32, #tpu.memory_space<vmem>>
          %dma_wait3A_211 = arith.constant 0 : i32
          %dma_wait3A_212 = arith.constant 0 : i32
          %dma_wait3A_213 = tpu.memref_slice %arg22[%dma_wait3A_211, %dma_wait3A_212] : memref<10000x80xf32, #tpu.memory_space<vmem_shared>> -> memref<10000x80xf32, #tpu.memory_space<vmem_shared>>
          tpu.wait_indirect_dma semaphore(%arg25 : memref<!tpu.dma_semaphore, #tpu.memory_space<semaphore_mem>>) src(%dma_wait3A_207 : memref<80x80xf32, #tpu.memory_space<vmem>>) dst(%dma_wait3A_213 : memref<10000x80xf32, #tpu.memory_space<vmem_shared>>)
        } else {
        }
        %mul3A_135 = arith.constant 1 : i32
        %mul3A_136 = arith.muli %add3A_102, %mul3A_135 : i32
        %add3A_137 = arith.constant 0 : i32
        %add3A_138 = arith.addi %mul3A_136, %add3A_137 : i32
        %dma_start3A_139 = arith.constant 0 : i32
        %dma_start3A_140 = arith.constant 0 : i32
        %dma_start3A_141 = tpu.memref_slice %arg20[%dma_start3A_139, %dma_start3A_140] : memref<80x80xf32, #tpu.memory_space<vmem>> -> memref<80x80xf32, #tpu.memory_space<vmem>>
        %dma_start3A_142 = arith.constant 0 : i32
        %dma_start3A_143 = tpu.memref_slice %arg17[%add3A_138, %dma_start3A_142] : memref<125x80xi32, #tpu.memory_space<vmem>> -> memref<1x80xi32, #tpu.memory_space<vmem>>
        %dma_start3A_144 = tpu.memref_squeeze %dma_start3A_143 : memref<1x80xi32, #tpu.memory_space<vmem>> -> memref<80xi32, #tpu.memory_space<vmem>>
        %dma_start3A_145 = arith.constant 0 : i32
        %dma_start3A_146 = arith.constant 0 : i32
        %dma_start3A_147 = tpu.memref_slice %arg22[%dma_start3A_145, %dma_start3A_146] : memref<10000x80xf32, #tpu.memory_space<vmem_shared>> -> memref<10000x80xf32, #tpu.memory_space<vmem_shared>>
        tpu.enqueue_indirect_dma source(%dma_start3A_141 : memref<80x80xf32, #tpu.memory_space<vmem>>) target(%dma_start3A_147 : memref<10000x80xf32, #tpu.memory_space<vmem_shared>>) offsets(%dma_start3A_144 : memref<80xi32, #tpu.memory_space<vmem>>) semaphore(%arg25 : memref<!tpu.dma_semaphore, #tpu.memory_space<semaphore_mem>>) {add = true}
        %add3A_148 = arith.constant 2 : i32
        %add3A_149 = arith.addi %add3A_102, %add3A_148 : i32
        %mul3A_150 = arith.constant 1 : i32
        %mul3A_151 = arith.muli %add3A_149, %mul3A_150 : i32
        %add3A_152 = arith.constant 0 : i32
        %add3A_153 = arith.addi %mul3A_151, %add3A_152 : i32
        %dma_start3A_154 = arith.constant 0 : i32
        %dma_start3A_155 = arith.constant 0 : i32
        %dma_start3A_156 = tpu.memref_slice %arg18[%dma_start3A_154, %dma_start3A_155] : memref<80x64xf32, #tpu.memory_space<vmem>> -> memref<80x64xf32, #tpu.memory_space<vmem>>
        %dma_start3A_157 = arith.constant 0 : i32
        %dma_start3A_158 = tpu.memref_slice %arg16[%add3A_153, %dma_start3A_157] : memref<125x80xi32, #tpu.memory_space<vmem>> -> memref<1x80xi32, #tpu.memory_space<vmem>>
        %dma_start3A_159 = tpu.memref_squeeze %dma_start3A_158 : memref<1x80xi32, #tpu.memory_space<vmem>> -> memref<80xi32, #tpu.memory_space<vmem>>
        %dma_start3A_160 = arith.constant 0 : i32
        %dma_start3A_161 = arith.constant 0 : i32
        %dma_start3A_162 = tpu.memref_slice %arg11[%dma_start3A_160, %dma_start3A_161] : memref<10000x64xf32, #tpu.memory_space<hbm>> -> memref<10000x64xf32, #tpu.memory_space<hbm>>
        tpu.enqueue_indirect_dma source(%dma_start3A_162 : memref<10000x64xf32, #tpu.memory_space<hbm>>) target(%dma_start3A_156 : memref<80x64xf32, #tpu.memory_space<vmem>>) offsets(%dma_start3A_159 : memref<80xi32, #tpu.memory_space<vmem>>) semaphore(%arg23 : memref<!tpu.dma_semaphore, #tpu.memory_space<semaphore_mem>>)
        %add3A_163 = arith.constant 1 : i32
        %add3A_164 = arith.addi %add3A_102, %add3A_163 : i32
        %mul3A_165 = arith.constant 1 : i32
        %mul3A_166 = arith.muli %add3A_164, %mul3A_165 : i32
        %add3A_167 = arith.constant 0 : i32
        %add3A_168 = arith.addi %mul3A_166, %add3A_167 : i32
        %dma_wait3A_169 = arith.constant 0 : i32
        %dma_wait3A_170 = arith.constant 0 : i32
        %dma_wait3A_171 = tpu.memref_slice %arg19[%dma_wait3A_169, %dma_wait3A_170] : memref<80x64xf32, #tpu.memory_space<vmem>> -> memref<80x64xf32, #tpu.memory_space<vmem>>
        %dma_wait3A_172 = arith.constant 0 : i32
        %dma_wait3A_173 = tpu.memref_slice %arg16[%add3A_168, %dma_wait3A_172] : memref<125x80xi32, #tpu.memory_space<vmem>> -> memref<1x80xi32, #tpu.memory_space<vmem>>
        %dma_wait3A_174 = tpu.memref_squeeze %dma_wait3A_173 : memref<1x80xi32, #tpu.memory_space<vmem>> -> memref<80xi32, #tpu.memory_space<vmem>>
        %dma_wait3A_175 = arith.constant 0 : i32
        %dma_wait3A_176 = arith.constant 0 : i32
        %dma_wait3A_177 = tpu.memref_slice %arg11[%dma_wait3A_175, %dma_wait3A_176] : memref<10000x64xf32, #tpu.memory_space<hbm>> -> memref<10000x64xf32, #tpu.memory_space<hbm>>
        tpu.wait_indirect_dma semaphore(%arg24 : memref<!tpu.dma_semaphore, #tpu.memory_space<semaphore_mem>>) src(%dma_wait3A_177 : memref<10000x64xf32, #tpu.memory_space<hbm>>) dst(%dma_wait3A_171 : memref<80x64xf32, #tpu.memory_space<vmem>>)
        %gt3A_178 = arith.constant 0 : i32
        %gt3A_179 = arith.cmpi sgt, %add3A_102, %gt3A_178 : i32
        %convert_element_type3A_180 = arith.extui %gt3A_179 : i1 to i32
        %cond3A_181 = arith.constant 0 : i32
        %cond3A_182 = arith.cmpi ne, %convert_element_type3A_180, %cond3A_181 : i32
        scf.if %cond3A_182 {
          %sub3A = arith.constant 1 : i32
          %sub3A_200 = arith.subi %add3A_102, %sub3A : i32
          %mul3A_201 = arith.constant 1 : i32
          %mul3A_202 = arith.muli %sub3A_200, %mul3A_201 : i32
          %add3A_203 = arith.constant 0 : i32
          %add3A_204 = arith.addi %mul3A_202, %add3A_203 : i32
          %dma_wait3A_205 = arith.constant 0 : i32
          %dma_wait3A_206 = arith.constant 0 : i32
          %dma_wait3A_207 = tpu.memref_slice %arg21[%dma_wait3A_205, %dma_wait3A_206] : memref<80x80xf32, #tpu.memory_space<vmem>> -> memref<80x80xf32, #tpu.memory_space<vmem>>
          %dma_wait3A_208 = arith.constant 0 : i32
          %dma_wait3A_209 = tpu.memref_slice %arg17[%add3A_204, %dma_wait3A_208] : memref<125x80xi32, #tpu.memory_space<vmem>> -> memref<1x80xi32, #tpu.memory_space<vmem>>
          %dma_wait3A_210 = tpu.memref_squeeze %dma_wait3A_209 : memref<1x80xi32, #tpu.memory_space<vmem>> -> memref<80xi32, #tpu.memory_space<vmem>>
          %dma_wait3A_211 = arith.constant 0 : i32
          %dma_wait3A_212 = arith.constant 0 : i32
          %dma_wait3A_213 = tpu.memref_slice %arg22[%dma_wait3A_211, %dma_wait3A_212] : memref<10000x80xf32, #tpu.memory_space<vmem_shared>> -> memref<10000x80xf32, #tpu.memory_space<vmem_shared>>
          tpu.wait_indirect_dma semaphore(%arg26 : memref<!tpu.dma_semaphore, #tpu.memory_space<semaphore_mem>>) src(%dma_wait3A_207 : memref<80x80xf32, #tpu.memory_space<vmem>>) dst(%dma_wait3A_213 : memref<10000x80xf32, #tpu.memory_space<vmem_shared>>)
        } else {
        }
        %add3A_183 = arith.constant 1 : i32
        %add3A_184 = arith.addi %add3A_102, %add3A_183 : i32
        %add3A_185 = arith.constant 1 : i32
        %add3A_186 = arith.addi %add3A_102, %add3A_185 : i32
        %mul3A_187 = arith.constant 1 : i32
        %mul3A_188 = arith.muli %add3A_186, %mul3A_187 : i32
        %add3A_189 = arith.constant 0 : i32
        %add3A_190 = arith.addi %mul3A_188, %add3A_189 : i32
        %dma_start3A_191 = arith.constant 0 : i32
        %dma_start3A_192 = arith.constant 0 : i32
        %dma_start3A_193 = tpu.memref_slice %arg21[%dma_start3A_191, %dma_start3A_192] : memref<80x80xf32, #tpu.memory_space<vmem>> -> memref<80x80xf32, #tpu.memory_space<vmem>>
        %dma_start3A_194 = arith.constant 0 : i32
        %dma_start3A_195 = tpu.memref_slice %arg17[%add3A_190, %dma_start3A_194] : memref<125x80xi32, #tpu.memory_space<vmem>> -> memref<1x80xi32, #tpu.memory_space<vmem>>
        %dma_start3A_196 = tpu.memref_squeeze %dma_start3A_195 : memref<1x80xi32, #tpu.memory_space<vmem>> -> memref<80xi32, #tpu.memory_space<vmem>>
        %dma_start3A_197 = arith.constant 0 : i32
        %dma_start3A_198 = arith.constant 0 : i32
        %dma_start3A_199 = tpu.memref_slice %arg22[%dma_start3A_197, %dma_start3A_198] : memref<10000x80xf32, #tpu.memory_space<vmem_shared>> -> memref<10000x80xf32, #tpu.memory_space<vmem_shared>>
        tpu.enqueue_indirect_dma source(%dma_start3A_193 : memref<80x80xf32, #tpu.memory_space<vmem>>) target(%dma_start3A_199 : memref<10000x80xf32, #tpu.memory_space<vmem_shared>>) offsets(%dma_start3A_196 : memref<80xi32, #tpu.memory_space<vmem>>) semaphore(%arg26 : memref<!tpu.dma_semaphore, #tpu.memory_space<semaphore_mem>>) {add = true}
      }
      %scan3A_47 = arith.constant 62 : i32
      %dma_wait3A = arith.constant 124 : i32
      %dma_wait3A_48 = arith.constant 0 : i32
      %dma_wait3A_49 = arith.constant 0 : i32
      %dma_wait3A_50 = tpu.memref_slice %arg18[%dma_wait3A_48, %dma_wait3A_49] : memref<80x64xf32, #tpu.memory_space<vmem>> -> memref<80x64xf32, #tpu.memory_space<vmem>>
      %dma_wait3A_51 = arith.constant 0 : i32
      %dma_wait3A_52 = tpu.memref_slice %arg16[%dma_wait3A, %dma_wait3A_51] : memref<125x80xi32, #tpu.memory_space<vmem>> -> memref<1x80xi32, #tpu.memory_space<vmem>>
      %dma_wait3A_53 = tpu.memref_squeeze %dma_wait3A_52 : memref<1x80xi32, #tpu.memory_space<vmem>> -> memref<80xi32, #tpu.memory_space<vmem>>
      %dma_wait3A_54 = arith.constant 0 : i32
      %dma_wait3A_55 = arith.constant 0 : i32
      %dma_wait3A_56 = tpu.memref_slice %arg11[%dma_wait3A_54, %dma_wait3A_55] : memref<10000x64xf32, #tpu.memory_space<hbm>> -> memref<10000x64xf32, #tpu.memory_space<hbm>>
      tpu.wait_indirect_dma semaphore(%arg23 : memref<!tpu.dma_semaphore, #tpu.memory_space<semaphore_mem>>) src(%dma_wait3A_56 : memref<10000x64xf32, #tpu.memory_space<hbm>>) dst(%dma_wait3A_50 : memref<80x64xf32, #tpu.memory_space<vmem>>)
      %dma_wait3A_57 = arith.constant 122 : i32
      %dma_wait3A_58 = arith.constant 0 : i32
      %dma_wait3A_59 = arith.constant 0 : i32
      %dma_wait3A_60 = tpu.memref_slice %arg20[%dma_wait3A_58, %dma_wait3A_59] : memref<80x80xf32, #tpu.memory_space<vmem>> -> memref<80x80xf32, #tpu.memory_space<vmem>>
      %dma_wait3A_61 = arith.constant 0 : i32
      %dma_wait3A_62 = tpu.memref_slice %arg17[%dma_wait3A_57, %dma_wait3A_61] : memref<125x80xi32, #tpu.memory_space<vmem>> -> memref<1x80xi32, #tpu.memory_space<vmem>>
      %dma_wait3A_63 = tpu.memref_squeeze %dma_wait3A_62 : memref<1x80xi32, #tpu.memory_space<vmem>> -> memref<80xi32, #tpu.memory_space<vmem>>
      %dma_wait3A_64 = arith.constant 0 : i32
      %dma_wait3A_65 = arith.constant 0 : i32
      %dma_wait3A_66 = tpu.memref_slice %arg22[%dma_wait3A_64, %dma_wait3A_65] : memref<10000x80xf32, #tpu.memory_space<vmem_shared>> -> memref<10000x80xf32, #tpu.memory_space<vmem_shared>>
      tpu.wait_indirect_dma semaphore(%arg25 : memref<!tpu.dma_semaphore, #tpu.memory_space<semaphore_mem>>) src(%dma_wait3A_60 : memref<80x80xf32, #tpu.memory_space<vmem>>) dst(%dma_wait3A_66 : memref<10000x80xf32, #tpu.memory_space<vmem_shared>>)
      %dma_start3A_67 = arith.constant 124 : i32
      %dma_start3A_68 = arith.constant 0 : i32
      %dma_start3A_69 = arith.constant 0 : i32
      %dma_start3A_70 = tpu.memref_slice %arg20[%dma_start3A_68, %dma_start3A_69] : memref<80x80xf32, #tpu.memory_space<vmem>> -> memref<80x80xf32, #tpu.memory_space<vmem>>
      %dma_start3A_71 = arith.constant 0 : i32
      %dma_start3A_72 = tpu.memref_slice %arg17[%dma_start3A_67, %dma_start3A_71] : memref<125x80xi32, #tpu.memory_space<vmem>> -> memref<1x80xi32, #tpu.memory_space<vmem>>
      %dma_start3A_73 = tpu.memref_squeeze %dma_start3A_72 : memref<1x80xi32, #tpu.memory_space<vmem>> -> memref<80xi32, #tpu.memory_space<vmem>>
      %dma_start3A_74 = arith.constant 0 : i32
      %dma_start3A_75 = arith.constant 0 : i32
      %dma_start3A_76 = tpu.memref_slice %arg22[%dma_start3A_74, %dma_start3A_75] : memref<10000x80xf32, #tpu.memory_space<vmem_shared>> -> memref<10000x80xf32, #tpu.memory_space<vmem_shared>>
      tpu.enqueue_indirect_dma source(%dma_start3A_70 : memref<80x80xf32, #tpu.memory_space<vmem>>) target(%dma_start3A_76 : memref<10000x80xf32, #tpu.memory_space<vmem_shared>>) offsets(%dma_start3A_73 : memref<80xi32, #tpu.memory_space<vmem>>) semaphore(%arg25 : memref<!tpu.dma_semaphore, #tpu.memory_space<semaphore_mem>>) {add = true}
      %dma_wait3A_77 = arith.constant 123 : i32
      %dma_wait3A_78 = arith.constant 0 : i32
      %dma_wait3A_79 = arith.constant 0 : i32
      %dma_wait3A_80 = tpu.memref_slice %arg21[%dma_wait3A_78, %dma_wait3A_79] : memref<80x80xf32, #tpu.memory_space<vmem>> -> memref<80x80xf32, #tpu.memory_space<vmem>>
      %dma_wait3A_81 = arith.constant 0 : i32
      %dma_wait3A_82 = tpu.memref_slice %arg17[%dma_wait3A_77, %dma_wait3A_81] : memref<125x80xi32, #tpu.memory_space<vmem>> -> memref<1x80xi32, #tpu.memory_space<vmem>>
      %dma_wait3A_83 = tpu.memref_squeeze %dma_wait3A_82 : memref<1x80xi32, #tpu.memory_space<vmem>> -> memref<80xi32, #tpu.memory_space<vmem>>
      %dma_wait3A_84 = arith.constant 0 : i32
      %dma_wait3A_85 = arith.constant 0 : i32
      %dma_wait3A_86 = tpu.memref_slice %arg22[%dma_wait3A_84, %dma_wait3A_85] : memref<10000x80xf32, #tpu.memory_space<vmem_shared>> -> memref<10000x80xf32, #tpu.memory_space<vmem_shared>>
      tpu.wait_indirect_dma semaphore(%arg26 : memref<!tpu.dma_semaphore, #tpu.memory_space<semaphore_mem>>) src(%dma_wait3A_80 : memref<80x80xf32, #tpu.memory_space<vmem>>) dst(%dma_wait3A_86 : memref<10000x80xf32, #tpu.memory_space<vmem_shared>>)
      %dma_wait3A_87 = arith.constant 124 : i32
      %dma_wait3A_88 = arith.constant 0 : i32
      %dma_wait3A_89 = arith.constant 0 : i32
      %dma_wait3A_90 = tpu.memref_slice %arg20[%dma_wait3A_88, %dma_wait3A_89] : memref<80x80xf32, #tpu.memory_space<vmem>> -> memref<80x80xf32, #tpu.memory_space<vmem>>
      %dma_wait3A_91 = arith.constant 0 : i32
      %dma_wait3A_92 = tpu.memref_slice %arg17[%dma_wait3A_87, %dma_wait3A_91] : memref<125x80xi32, #tpu.memory_space<vmem>> -> memref<1x80xi32, #tpu.memory_space<vmem>>
      %dma_wait3A_93 = tpu.memref_squeeze %dma_wait3A_92 : memref<1x80xi32, #tpu.memory_space<vmem>> -> memref<80xi32, #tpu.memory_space<vmem>>
      %dma_wait3A_94 = arith.constant 0 : i32
      %dma_wait3A_95 = arith.constant 0 : i32
      %dma_wait3A_96 = tpu.memref_slice %arg22[%dma_wait3A_94, %dma_wait3A_95] : memref<10000x80xf32, #tpu.memory_space<vmem_shared>> -> memref<10000x80xf32, #tpu.memory_space<vmem_shared>>
      tpu.wait_indirect_dma semaphore(%arg25 : memref<!tpu.dma_semaphore, #tpu.memory_space<semaphore_mem>>) src(%dma_wait3A_90 : memref<80x80xf32, #tpu.memory_space<vmem>>) dst(%dma_wait3A_96 : memref<10000x80xf32, #tpu.memory_space<vmem_shared>>)
      %barrier3A_97 = arith.constant 0 : index
      tpu.barrier barrier_id(%barrier3A_97)
      "tpu.region"() ({
        %run_scoped3A = tpu.sem_alloc : memref<!tpu.dma_semaphore, #tpu.memory_space<semaphore_mem>>
        %dma_start3A_98 = arith.constant 0 : i32
        %dma_start3A_99 = tpu.memref_slice %arg13[%mul3A_14, %dma_start3A_98] : memref<10000x80xf32, #tpu.memory_space<hbm>> -> memref<625x80xf32, #tpu.memory_space<hbm>>
        %dma_start3A_100 = arith.constant 0 : i32
        %dma_start3A_101 = tpu.memref_slice %arg22[%mul3A_14, %dma_start3A_100] : memref<10000x80xf32, #tpu.memory_space<vmem_shared>> -> memref<625x80xf32, #tpu.memory_space<vmem_shared>>
        tpu.enqueue_dma source(%dma_start3A_101 : memref<625x80xf32, #tpu.memory_space<vmem_shared>>) target(%dma_start3A_99 : memref<625x80xf32, #tpu.memory_space<hbm>>) target_semaphore(%run_scoped3A : memref<!tpu.dma_semaphore, #tpu.memory_space<semaphore_mem>>)
        %dma_wait3A_102 = arith.constant 0 : i32
        %dma_wait3A_103 = tpu.memref_slice %arg13[%mul3A_14, %dma_wait3A_102] : memref<10000x80xf32, #tpu.memory_space<hbm>> -> memref<625x80xf32, #tpu.memory_space<hbm>>
        %dma_wait3A_104 = arith.constant 0 : i32
        %dma_wait3A_105 = tpu.memref_slice %arg22[%mul3A_14, %dma_wait3A_104] : memref<10000x80xf32, #tpu.memory_space<vmem_shared>> -> memref<625x80xf32, #tpu.memory_space<vmem_shared>>
        tpu.wait_dma2 semaphore(%run_scoped3A : memref<!tpu.dma_semaphore, #tpu.memory_space<semaphore_mem>>) src(%dma_wait3A_105 : memref<625x80xf32, #tpu.memory_space<vmem_shared>>) dst(%dma_wait3A_103 : memref<625x80xf32, #tpu.memory_space<hbm>>)
        tpu.yield
      }) : () -> ()
    } else {
    }
    return
  }
}

module attributes {stable_mosaic.version = 14 : i64} {
  func.func @_dense_body(%arg0: memref<10000x128xf32, #tpu.memory_space<vmem>>, %arg1: memref<10000x128xf32, #tpu.memory_space<vmem>>, %arg2: memref<128x64xf32, #tpu.memory_space<vmem>>, %arg3: memref<1x64xf32, #tpu.memory_space<vmem>>, %arg4: memref<128x64xf32, #tpu.memory_space<vmem>>, %arg5: memref<1x64xf32, #tpu.memory_space<vmem>>, %arg6: memref<128x64xf32, #tpu.memory_space<vmem>>, %arg7: memref<1x64xf32, #tpu.memory_space<vmem>>, %arg8: memref<128x64xf32, #tpu.memory_space<vmem>>, %arg9: memref<1x64xf32, #tpu.memory_space<vmem>>, %arg10: memref<10000x64xf32, #tpu.memory_space<vmem>>, %arg11: memref<10000xf32, #tpu.memory_space<vmem>>, %arg12: memref<10000xf32, #tpu.memory_space<vmem>>, %arg13: memref<10000x64xf32, #tpu.memory_space<vmem>>, %arg14: memref<10000xf32, #tpu.memory_space<vmem>>, %arg15: memref<10000xf32, #tpu.memory_space<vmem>>) attributes {dimension_semantics = [], scalar_prefetch = 0 : i64, scratch_operands = 0 : i64, tpu.core_type = #tpu.core_type<tc>} {
    %get3A = arith.constant 0 : index
    %get3A_0 = arith.constant 0 : index
    %get3A_1 = vector.load %arg0[%get3A, %get3A_0] : memref<10000x128xf32, #tpu.memory_space<vmem>>, vector<10000x128xf32>
    %get3A_2 = arith.constant 0 : index
    %get3A_3 = arith.constant 0 : index
    %get3A_4 = vector.load %arg1[%get3A_2, %get3A_3] : memref<10000x128xf32, #tpu.memory_space<vmem>>, vector<10000x128xf32>
    %get3A_5 = arith.constant 0 : index
    %get3A_6 = arith.constant 0 : index
    %get3A_7 = vector.load %arg2[%get3A_5, %get3A_6] : memref<128x64xf32, #tpu.memory_space<vmem>>, vector<128x64xf32>
    %get3A_8 = arith.constant 0 : index
    %get3A_9 = arith.constant 0 : index
    %get3A_10 = vector.load %arg3[%get3A_8, %get3A_9] : memref<1x64xf32, #tpu.memory_space<vmem>>, vector<1x64xf32>
    %get3A_11 = arith.constant 0 : index
    %get3A_12 = arith.constant 0 : index
    %get3A_13 = vector.load %arg4[%get3A_11, %get3A_12] : memref<128x64xf32, #tpu.memory_space<vmem>>, vector<128x64xf32>
    %get3A_14 = arith.constant 0 : index
    %get3A_15 = arith.constant 0 : index
    %get3A_16 = vector.load %arg5[%get3A_14, %get3A_15] : memref<1x64xf32, #tpu.memory_space<vmem>>, vector<1x64xf32>
    %get3A_17 = arith.constant 0 : index
    %get3A_18 = arith.constant 0 : index
    %get3A_19 = vector.load %arg6[%get3A_17, %get3A_18] : memref<128x64xf32, #tpu.memory_space<vmem>>, vector<128x64xf32>
    %get3A_20 = arith.constant 0 : index
    %get3A_21 = arith.constant 0 : index
    %get3A_22 = vector.load %arg7[%get3A_20, %get3A_21] : memref<1x64xf32, #tpu.memory_space<vmem>>, vector<1x64xf32>
    %get3A_23 = arith.constant 0 : index
    %get3A_24 = arith.constant 0 : index
    %get3A_25 = vector.load %arg8[%get3A_23, %get3A_24] : memref<128x64xf32, #tpu.memory_space<vmem>>, vector<128x64xf32>
    %get3A_26 = arith.constant 0 : index
    %get3A_27 = arith.constant 0 : index
    %get3A_28 = vector.load %arg9[%get3A_26, %get3A_27] : memref<1x64xf32, #tpu.memory_space<vmem>>, vector<1x64xf32>
    %convert_element_type3A = arith.truncf %get3A_1 : vector<10000x128xf32> to vector<10000x128xbf16>
    %convert_element_type3A_29 = arith.truncf %get3A_7 : vector<128x64xf32> to vector<128x64xbf16>
    %dot_general3A = arith.constant dense<0.000000e+00> : vector<10000x64xf32>
    %dot_general3A_30 = tpu.matmul %convert_element_type3A, %convert_element_type3A_29, %dot_general3A {dimension_numbers = #tpu.dot_dimension_numbers<[1], [0], [0], [1], [0, 0, 1, 1], [], []>, transpose_lhs_hint = false} : vector<10000x128xbf16>, vector<128x64xbf16>, vector<10000x64xf32> -> vector<10000x64xf32>
    %swap3A = arith.constant 0 : index
    %swap3A_31 = arith.constant 0 : index
    %swap3A_32 = vector.load %arg10[%swap3A, %swap3A_31] : memref<10000x64xf32, #tpu.memory_space<vmem>>, vector<10000x64xf32>
    tpu.vector_store %arg10[%swap3A, %swap3A_31], %dot_general3A_30 {strides = array<i32>} : memref<10000x64xf32, #tpu.memory_space<vmem>>, vector<10000x64xf32>,
    %mul3A = vector.broadcast %get3A_10 : vector<1x64xf32> to vector<10000x64xf32>
    %mul3A_33 = arith.mulf %dot_general3A_30, %mul3A : vector<10000x64xf32>
    %reduce_sum3A = arith.constant dense<0.000000e+00> : vector<10000xf32>
    %reduce_sum3A_34 = vector.multi_reduction <add>, %mul3A_33, %reduce_sum3A [1] : vector<10000x64xf32> to vector<10000xf32>
    %swap3A_35 = arith.constant 0 : index
    %swap3A_36 = vector.load %arg11[%swap3A_35] : memref<10000xf32, #tpu.memory_space<vmem>>, vector<10000xf32>
    tpu.vector_store %arg11[%swap3A_35], %reduce_sum3A_34 {strides = array<i32>} : memref<10000xf32, #tpu.memory_space<vmem>>, vector<10000xf32>,
    %convert_element_type3A_37 = arith.truncf %get3A_4 : vector<10000x128xf32> to vector<10000x128xbf16>
    %convert_element_type3A_38 = arith.truncf %get3A_13 : vector<128x64xf32> to vector<128x64xbf16>
    %dot_general3A_39 = arith.constant dense<0.000000e+00> : vector<10000x64xf32>
    %dot_general3A_40 = tpu.matmul %convert_element_type3A_37, %convert_element_type3A_38, %dot_general3A_39 {dimension_numbers = #tpu.dot_dimension_numbers<[1], [0], [0], [1], [0, 0, 1, 1], [], []>, transpose_lhs_hint = false} : vector<10000x128xbf16>, vector<128x64xbf16>, vector<10000x64xf32> -> vector<10000x64xf32>
    %mul3A_41 = vector.broadcast %get3A_16 : vector<1x64xf32> to vector<10000x64xf32>
    %mul3A_42 = arith.mulf %dot_general3A_40, %mul3A_41 : vector<10000x64xf32>
    %reduce_sum3A_43 = arith.constant dense<0.000000e+00> : vector<10000xf32>
    %reduce_sum3A_44 = vector.multi_reduction <add>, %mul3A_42, %reduce_sum3A_43 [1] : vector<10000x64xf32> to vector<10000xf32>
    %swap3A_45 = arith.constant 0 : index
    %swap3A_46 = vector.load %arg12[%swap3A_45] : memref<10000xf32, #tpu.memory_space<vmem>>, vector<10000xf32>
    tpu.vector_store %arg12[%swap3A_45], %reduce_sum3A_44 {strides = array<i32>} : memref<10000xf32, #tpu.memory_space<vmem>>, vector<10000xf32>,
    %convert_element_type3A_47 = arith.truncf %get3A_4 : vector<10000x128xf32> to vector<10000x128xbf16>
    %convert_element_type3A_48 = arith.truncf %get3A_19 : vector<128x64xf32> to vector<128x64xbf16>
    %dot_general3A_49 = arith.constant dense<0.000000e+00> : vector<10000x64xf32>
    %dot_general3A_50 = tpu.matmul %convert_element_type3A_47, %convert_element_type3A_48, %dot_general3A_49 {dimension_numbers = #tpu.dot_dimension_numbers<[1], [0], [0], [1], [0, 0, 1, 1], [], []>, transpose_lhs_hint = false} : vector<10000x128xbf16>, vector<128x64xbf16>, vector<10000x64xf32> -> vector<10000x64xf32>
    %swap3A_51 = arith.constant 0 : index
    %swap3A_52 = arith.constant 0 : index
    %swap3A_53 = vector.load %arg13[%swap3A_51, %swap3A_52] : memref<10000x64xf32, #tpu.memory_space<vmem>>, vector<10000x64xf32>
    tpu.vector_store %arg13[%swap3A_51, %swap3A_52], %dot_general3A_50 {strides = array<i32>} : memref<10000x64xf32, #tpu.memory_space<vmem>>, vector<10000x64xf32>,
    %mul3A_54 = vector.broadcast %get3A_22 : vector<1x64xf32> to vector<10000x64xf32>
    %mul3A_55 = arith.mulf %dot_general3A_50, %mul3A_54 : vector<10000x64xf32>
    %reduce_sum3A_56 = arith.constant dense<0.000000e+00> : vector<10000xf32>
    %reduce_sum3A_57 = vector.multi_reduction <add>, %mul3A_55, %reduce_sum3A_56 [1] : vector<10000x64xf32> to vector<10000xf32>
    %swap3A_58 = arith.constant 0 : index
    %swap3A_59 = vector.load %arg14[%swap3A_58] : memref<10000xf32, #tpu.memory_space<vmem>>, vector<10000xf32>
    tpu.vector_store %arg14[%swap3A_58], %reduce_sum3A_57 {strides = array<i32>} : memref<10000xf32, #tpu.memory_space<vmem>>, vector<10000xf32>,
    %convert_element_type3A_60 = arith.truncf %get3A_1 : vector<10000x128xf32> to vector<10000x128xbf16>
    %convert_element_type3A_61 = arith.truncf %get3A_25 : vector<128x64xf32> to vector<128x64xbf16>
    %dot_general3A_62 = arith.constant dense<0.000000e+00> : vector<10000x64xf32>
    %dot_general3A_63 = tpu.matmul %convert_element_type3A_60, %convert_element_type3A_61, %dot_general3A_62 {dimension_numbers = #tpu.dot_dimension_numbers<[1], [0], [0], [1], [0, 0, 1, 1], [], []>, transpose_lhs_hint = false} : vector<10000x128xbf16>, vector<128x64xbf16>, vector<10000x64xf32> -> vector<10000x64xf32>
    %mul3A_64 = vector.broadcast %get3A_28 : vector<1x64xf32> to vector<10000x64xf32>
    %mul3A_65 = arith.mulf %dot_general3A_63, %mul3A_64 : vector<10000x64xf32>
    %reduce_sum3A_66 = arith.constant dense<0.000000e+00> : vector<10000xf32>
    %reduce_sum3A_67 = vector.multi_reduction <add>, %mul3A_65, %reduce_sum3A_66 [1] : vector<10000x64xf32> to vector<10000xf32>
    %swap3A_68 = arith.constant 0 : index
    %swap3A_69 = vector.load %arg15[%swap3A_68] : memref<10000xf32, #tpu.memory_space<vmem>>, vector<10000xf32>
    tpu.vector_store %arg15[%swap3A_68], %reduce_sum3A_67 {strides = array<i32>} : memref<10000xf32, #tpu.memory_space<vmem>>, vector<10000xf32>,
    return
  }
}

module attributes {stable_mosaic.version = 14 : i64} {
  func.func @_combine_dense_body(%arg0: memref<10000x80xf32, #tpu.memory_space<vmem>>, %arg1: memref<10000x80xf32, #tpu.memory_space<vmem>>, %arg2: memref<1x64xf32, #tpu.memory_space<vmem>>, %arg3: memref<1x64xf32, #tpu.memory_space<vmem>>, %arg4: memref<64x64xf32, #tpu.memory_space<vmem>>, %arg5: memref<1x64xf32, #tpu.memory_space<vmem>>, %arg6: memref<64x64xf32, #tpu.memory_space<vmem>>, %arg7: memref<1x64xf32, #tpu.memory_space<vmem>>, %arg8: memref<64x64xf32, #tpu.memory_space<vmem>>, %arg9: memref<1x64xf32, #tpu.memory_space<vmem>>, %arg10: memref<64x64xf32, #tpu.memory_space<vmem>>, %arg11: memref<1x64xf32, #tpu.memory_space<vmem>>, %arg12: memref<10000x64xf32, #tpu.memory_space<vmem>>, %arg13: memref<10000xf32, #tpu.memory_space<vmem>>, %arg14: memref<10000xf32, #tpu.memory_space<vmem>>, %arg15: memref<10000x64xf32, #tpu.memory_space<vmem>>, %arg16: memref<10000xf32, #tpu.memory_space<vmem>>, %arg17: memref<10000xf32, #tpu.memory_space<vmem>>) attributes {dimension_semantics = [], scalar_prefetch = 0 : i64, scratch_operands = 0 : i64, tpu.core_type = #tpu.core_type<tc>} {
    %get3A = arith.constant 0 : index
    %get3A_0 = arith.constant 0 : index
    %get3A_1 = vector.load %arg0[%get3A, %get3A_0] : memref<10000x80xf32, #tpu.memory_space<vmem>>, vector<10000x80xf32>
    %slice3A = vector.extract_strided_slice %get3A_1 {offsets = [0, 0], sizes = [10000, 64], strides = [1, 1]} : vector<10000x80xf32> to vector<10000x64xf32>
    %slice3A_2 = vector.extract_strided_slice %get3A_1 {offsets = [0, 64], sizes = [10000, 1], strides = [1, 1]} : vector<10000x80xf32> to vector<10000x1xf32>
    %add3A = arith.constant 1.000000e-16 : f32
    %add3A_3 = vector.broadcast %add3A : f32 to vector<10000x1xf32>
    %add3A_4 = arith.addf %slice3A_2, %add3A_3 : vector<10000x1xf32>
    %div3A = vector.broadcast %add3A_4 : vector<10000x1xf32> to vector<10000x64xf32>
    %div3A_5 = arith.divf %slice3A, %div3A : vector<10000x64xf32>
    %get3A_6 = arith.constant 0 : index
    %get3A_7 = arith.constant 0 : index
    %get3A_8 = vector.load %arg2[%get3A_6, %get3A_7] : memref<1x64xf32, #tpu.memory_space<vmem>>, vector<1x64xf32>
    %add3A_9 = vector.broadcast %get3A_8 : vector<1x64xf32> to vector<10000x64xf32>
    %add3A_10 = arith.addf %div3A_5, %add3A_9 : vector<10000x64xf32>
    %max3A = arith.constant 0.000000e+00 : f32
    %max3A_11 = vector.broadcast %max3A : f32 to vector<10000x64xf32>
    %max3A_12 = arith.maximumf %add3A_10, %max3A_11 : vector<10000x64xf32>
    %get3A_13 = arith.constant 0 : index
    %get3A_14 = arith.constant 0 : index
    %get3A_15 = vector.load %arg1[%get3A_13, %get3A_14] : memref<10000x80xf32, #tpu.memory_space<vmem>>, vector<10000x80xf32>
    %slice3A_16 = vector.extract_strided_slice %get3A_15 {offsets = [0, 0], sizes = [10000, 64], strides = [1, 1]} : vector<10000x80xf32> to vector<10000x64xf32>
    %slice3A_17 = vector.extract_strided_slice %get3A_15 {offsets = [0, 64], sizes = [10000, 1], strides = [1, 1]} : vector<10000x80xf32> to vector<10000x1xf32>
    %add3A_18 = arith.constant 1.000000e-16 : f32
    %add3A_19 = vector.broadcast %add3A_18 : f32 to vector<10000x1xf32>
    %add3A_20 = arith.addf %slice3A_17, %add3A_19 : vector<10000x1xf32>
    %div3A_21 = vector.broadcast %add3A_20 : vector<10000x1xf32> to vector<10000x64xf32>
    %div3A_22 = arith.divf %slice3A_16, %div3A_21 : vector<10000x64xf32>
    %get3A_23 = arith.constant 0 : index
    %get3A_24 = arith.constant 0 : index
    %get3A_25 = vector.load %arg3[%get3A_23, %get3A_24] : memref<1x64xf32, #tpu.memory_space<vmem>>, vector<1x64xf32>
    %add3A_26 = vector.broadcast %get3A_25 : vector<1x64xf32> to vector<10000x64xf32>
    %add3A_27 = arith.addf %div3A_22, %add3A_26 : vector<10000x64xf32>
    %max3A_28 = arith.constant 0.000000e+00 : f32
    %max3A_29 = vector.broadcast %max3A_28 : f32 to vector<10000x64xf32>
    %max3A_30 = arith.maximumf %add3A_27, %max3A_29 : vector<10000x64xf32>
    %get3A_31 = arith.constant 0 : index
    %get3A_32 = arith.constant 0 : index
    %get3A_33 = vector.load %arg4[%get3A_31, %get3A_32] : memref<64x64xf32, #tpu.memory_space<vmem>>, vector<64x64xf32>
    %get3A_34 = arith.constant 0 : index
    %get3A_35 = arith.constant 0 : index
    %get3A_36 = vector.load %arg5[%get3A_34, %get3A_35] : memref<1x64xf32, #tpu.memory_space<vmem>>, vector<1x64xf32>
    %get3A_37 = arith.constant 0 : index
    %get3A_38 = arith.constant 0 : index
    %get3A_39 = vector.load %arg6[%get3A_37, %get3A_38] : memref<64x64xf32, #tpu.memory_space<vmem>>, vector<64x64xf32>
    %get3A_40 = arith.constant 0 : index
    %get3A_41 = arith.constant 0 : index
    %get3A_42 = vector.load %arg7[%get3A_40, %get3A_41] : memref<1x64xf32, #tpu.memory_space<vmem>>, vector<1x64xf32>
    %get3A_43 = arith.constant 0 : index
    %get3A_44 = arith.constant 0 : index
    %get3A_45 = vector.load %arg8[%get3A_43, %get3A_44] : memref<64x64xf32, #tpu.memory_space<vmem>>, vector<64x64xf32>
    %get3A_46 = arith.constant 0 : index
    %get3A_47 = arith.constant 0 : index
    %get3A_48 = vector.load %arg9[%get3A_46, %get3A_47] : memref<1x64xf32, #tpu.memory_space<vmem>>, vector<1x64xf32>
    %get3A_49 = arith.constant 0 : index
    %get3A_50 = arith.constant 0 : index
    %get3A_51 = vector.load %arg10[%get3A_49, %get3A_50] : memref<64x64xf32, #tpu.memory_space<vmem>>, vector<64x64xf32>
    %get3A_52 = arith.constant 0 : index
    %get3A_53 = arith.constant 0 : index
    %get3A_54 = vector.load %arg11[%get3A_52, %get3A_53] : memref<1x64xf32, #tpu.memory_space<vmem>>, vector<1x64xf32>
    %convert_element_type3A = arith.truncf %max3A_30 : vector<10000x64xf32> to vector<10000x64xbf16>
    %convert_element_type3A_55 = arith.truncf %get3A_33 : vector<64x64xf32> to vector<64x64xbf16>
    %dot_general3A = arith.constant dense<0.000000e+00> : vector<10000x64xf32>
    %dot_general3A_56 = tpu.matmul %convert_element_type3A, %convert_element_type3A_55, %dot_general3A {dimension_numbers = #tpu.dot_dimension_numbers<[1], [0], [0], [1], [0, 0, 1, 1], [], []>, transpose_lhs_hint = false} : vector<10000x64xbf16>, vector<64x64xbf16>, vector<10000x64xf32> -> vector<10000x64xf32>
    %swap3A = arith.constant 0 : index
    %swap3A_57 = arith.constant 0 : index
    %swap3A_58 = vector.load %arg12[%swap3A, %swap3A_57] : memref<10000x64xf32, #tpu.memory_space<vmem>>, vector<10000x64xf32>
    tpu.vector_store %arg12[%swap3A, %swap3A_57], %dot_general3A_56 {strides = array<i32>} : memref<10000x64xf32, #tpu.memory_space<vmem>>, vector<10000x64xf32>,
    %mul3A = vector.broadcast %get3A_36 : vector<1x64xf32> to vector<10000x64xf32>
    %mul3A_59 = arith.mulf %dot_general3A_56, %mul3A : vector<10000x64xf32>
    %reduce_sum3A = arith.constant dense<0.000000e+00> : vector<10000xf32>
    %reduce_sum3A_60 = vector.multi_reduction <add>, %mul3A_59, %reduce_sum3A [1] : vector<10000x64xf32> to vector<10000xf32>
    %swap3A_61 = arith.constant 0 : index
    %swap3A_62 = vector.load %arg13[%swap3A_61] : memref<10000xf32, #tpu.memory_space<vmem>>, vector<10000xf32>
    tpu.vector_store %arg13[%swap3A_61], %reduce_sum3A_60 {strides = array<i32>} : memref<10000xf32, #tpu.memory_space<vmem>>, vector<10000xf32>,
    %convert_element_type3A_63 = arith.truncf %max3A_12 : vector<10000x64xf32> to vector<10000x64xbf16>
    %convert_element_type3A_64 = arith.truncf %get3A_39 : vector<64x64xf32> to vector<64x64xbf16>
    %dot_general3A_65 = arith.constant dense<0.000000e+00> : vector<10000x64xf32>
    %dot_general3A_66 = tpu.matmul %convert_element_type3A_63, %convert_element_type3A_64, %dot_general3A_65 {dimension_numbers = #tpu.dot_dimension_numbers<[1], [0], [0], [1], [0, 0, 1, 1], [], []>, transpose_lhs_hint = false} : vector<10000x64xbf16>, vector<64x64xbf16>, vector<10000x64xf32> -> vector<10000x64xf32>
    %mul3A_67 = vector.broadcast %get3A_42 : vector<1x64xf32> to vector<10000x64xf32>
    %mul3A_68 = arith.mulf %dot_general3A_66, %mul3A_67 : vector<10000x64xf32>
    %reduce_sum3A_69 = arith.constant dense<0.000000e+00> : vector<10000xf32>
    %reduce_sum3A_70 = vector.multi_reduction <add>, %mul3A_68, %reduce_sum3A_69 [1] : vector<10000x64xf32> to vector<10000xf32>
    %swap3A_71 = arith.constant 0 : index
    %swap3A_72 = vector.load %arg14[%swap3A_71] : memref<10000xf32, #tpu.memory_space<vmem>>, vector<10000xf32>
    tpu.vector_store %arg14[%swap3A_71], %reduce_sum3A_70 {strides = array<i32>} : memref<10000xf32, #tpu.memory_space<vmem>>, vector<10000xf32>,
    %convert_element_type3A_73 = arith.truncf %max3A_12 : vector<10000x64xf32> to vector<10000x64xbf16>
    %convert_element_type3A_74 = arith.truncf %get3A_45 : vector<64x64xf32> to vector<64x64xbf16>
    %dot_general3A_75 = arith.constant dense<0.000000e+00> : vector<10000x64xf32>
    %dot_general3A_76 = tpu.matmul %convert_element_type3A_73, %convert_element_type3A_74, %dot_general3A_75 {dimension_numbers = #tpu.dot_dimension_numbers<[1], [0], [0], [1], [0, 0, 1, 1], [], []>, transpose_lhs_hint = false} : vector<10000x64xbf16>, vector<64x64xbf16>, vector<10000x64xf32> -> vector<10000x64xf32>
    %swap3A_77 = arith.constant 0 : index
    %swap3A_78 = arith.constant 0 : index
    %swap3A_79 = vector.load %arg15[%swap3A_77, %swap3A_78] : memref<10000x64xf32, #tpu.memory_space<vmem>>, vector<10000x64xf32>
    tpu.vector_store %arg15[%swap3A_77, %swap3A_78], %dot_general3A_76 {strides = array<i32>} : memref<10000x64xf32, #tpu.memory_space<vmem>>, vector<10000x64xf32>,
    %mul3A_80 = vector.broadcast %get3A_48 : vector<1x64xf32> to vector<10000x64xf32>
    %mul3A_81 = arith.mulf %dot_general3A_76, %mul3A_80 : vector<10000x64xf32>
    %reduce_sum3A_82 = arith.constant dense<0.000000e+00> : vector<10000xf32>
    %reduce_sum3A_83 = vector.multi_reduction <add>, %mul3A_81, %reduce_sum3A_82 [1] : vector<10000x64xf32> to vector<10000xf32>
    %swap3A_84 = arith.constant 0 : index
    %swap3A_85 = vector.load %arg16[%swap3A_84] : memref<10000xf32, #tpu.memory_space<vmem>>, vector<10000xf32>
    tpu.vector_store %arg16[%swap3A_84], %reduce_sum3A_83 {strides = array<i32>} : memref<10000xf32, #tpu.memory_space<vmem>>, vector<10000xf32>,
    %convert_element_type3A_86 = arith.truncf %max3A_30 : vector<10000x64xf32> to vector<10000x64xbf16>
    %convert_element_type3A_87 = arith.truncf %get3A_51 : vector<64x64xf32> to vector<64x64xbf16>
    %dot_general3A_88 = arith.constant dense<0.000000e+00> : vector<10000x64xf32>
    %dot_general3A_89 = tpu.matmul %convert_element_type3A_86, %convert_element_type3A_87, %dot_general3A_88 {dimension_numbers = #tpu.dot_dimension_numbers<[1], [0], [0], [1], [0, 0, 1, 1], [], []>, transpose_lhs_hint = false} : vector<10000x64xbf16>, vector<64x64xbf16>, vector<10000x64xf32> -> vector<10000x64xf32>
    %mul3A_90 = vector.broadcast %get3A_54 : vector<1x64xf32> to vector<10000x64xf32>
    %mul3A_91 = arith.mulf %dot_general3A_89, %mul3A_90 : vector<10000x64xf32>
    %reduce_sum3A_92 = arith.constant dense<0.000000e+00> : vector<10000xf32>
    %reduce_sum3A_93 = vector.multi_reduction <add>, %mul3A_91, %reduce_sum3A_92 [1] : vector<10000x64xf32> to vector<10000xf32>
    %swap3A_94 = arith.constant 0 : index
    %swap3A_95 = vector.load %arg17[%swap3A_94] : memref<10000xf32, #tpu.memory_space<vmem>>, vector<10000xf32>
    tpu.vector_store %arg17[%swap3A_94], %reduce_sum3A_93 {strides = array<i32>} : memref<10000xf32, #tpu.memory_space<vmem>>, vector<10000xf32>,
    return
  }
}

module attributes {stable_mosaic.version = 14 : i64} {
  func.func @_final_body(%arg0: memref<10000x80xf32, #tpu.memory_space<vmem>>, %arg1: memref<10000x80xf32, #tpu.memory_space<vmem>>, %arg2: memref<1x64xf32, #tpu.memory_space<vmem>>, %arg3: memref<1x64xf32, #tpu.memory_space<vmem>>, %arg4: memref<64x32xf32, #tpu.memory_space<vmem>>, %arg5: memref<1x32xf32, #tpu.memory_space<vmem>>, %arg6: memref<64x64xf32, #tpu.memory_space<vmem>>, %arg7: memref<1x64xf32, #tpu.memory_space<vmem>>, %arg8: memref<10000x32xf32, #tpu.memory_space<vmem>>, %arg9: memref<10000x64xf32, #tpu.memory_space<vmem>>) attributes {dimension_semantics = [], scalar_prefetch = 0 : i64, scratch_operands = 0 : i64, tpu.core_type = #tpu.core_type<tc>} {
    %get3A = arith.constant 0 : index
    %get3A_0 = arith.constant 0 : index
    %get3A_1 = vector.load %arg0[%get3A, %get3A_0] : memref<10000x80xf32, #tpu.memory_space<vmem>>, vector<10000x80xf32>
    %slice3A = vector.extract_strided_slice %get3A_1 {offsets = [0, 0], sizes = [10000, 64], strides = [1, 1]} : vector<10000x80xf32> to vector<10000x64xf32>
    %slice3A_2 = vector.extract_strided_slice %get3A_1 {offsets = [0, 64], sizes = [10000, 1], strides = [1, 1]} : vector<10000x80xf32> to vector<10000x1xf32>
    %add3A = arith.constant 1.000000e-16 : f32
    %add3A_3 = vector.broadcast %add3A : f32 to vector<10000x1xf32>
    %add3A_4 = arith.addf %slice3A_2, %add3A_3 : vector<10000x1xf32>
    %div3A = vector.broadcast %add3A_4 : vector<10000x1xf32> to vector<10000x64xf32>
    %div3A_5 = arith.divf %slice3A, %div3A : vector<10000x64xf32>
    %get3A_6 = arith.constant 0 : index
    %get3A_7 = arith.constant 0 : index
    %get3A_8 = vector.load %arg2[%get3A_6, %get3A_7] : memref<1x64xf32, #tpu.memory_space<vmem>>, vector<1x64xf32>
    %add3A_9 = vector.broadcast %get3A_8 : vector<1x64xf32> to vector<10000x64xf32>
    %add3A_10 = arith.addf %div3A_5, %add3A_9 : vector<10000x64xf32>
    %max3A = arith.constant 0.000000e+00 : f32
    %max3A_11 = vector.broadcast %max3A : f32 to vector<10000x64xf32>
    %max3A_12 = arith.maximumf %add3A_10, %max3A_11 : vector<10000x64xf32>
    %get3A_13 = arith.constant 0 : index
    %get3A_14 = arith.constant 0 : index
    %get3A_15 = vector.load %arg1[%get3A_13, %get3A_14] : memref<10000x80xf32, #tpu.memory_space<vmem>>, vector<10000x80xf32>
    %slice3A_16 = vector.extract_strided_slice %get3A_15 {offsets = [0, 0], sizes = [10000, 64], strides = [1, 1]} : vector<10000x80xf32> to vector<10000x64xf32>
    %slice3A_17 = vector.extract_strided_slice %get3A_15 {offsets = [0, 64], sizes = [10000, 1], strides = [1, 1]} : vector<10000x80xf32> to vector<10000x1xf32>
    %add3A_18 = arith.constant 1.000000e-16 : f32
    %add3A_19 = vector.broadcast %add3A_18 : f32 to vector<10000x1xf32>
    %add3A_20 = arith.addf %slice3A_17, %add3A_19 : vector<10000x1xf32>
    %div3A_21 = vector.broadcast %add3A_20 : vector<10000x1xf32> to vector<10000x64xf32>
    %div3A_22 = arith.divf %slice3A_16, %div3A_21 : vector<10000x64xf32>
    %get3A_23 = arith.constant 0 : index
    %get3A_24 = arith.constant 0 : index
    %get3A_25 = vector.load %arg3[%get3A_23, %get3A_24] : memref<1x64xf32, #tpu.memory_space<vmem>>, vector<1x64xf32>
    %add3A_26 = vector.broadcast %get3A_25 : vector<1x64xf32> to vector<10000x64xf32>
    %add3A_27 = arith.addf %div3A_22, %add3A_26 : vector<10000x64xf32>
    %max3A_28 = arith.constant 0.000000e+00 : f32
    %max3A_29 = vector.broadcast %max3A_28 : f32 to vector<10000x64xf32>
    %max3A_30 = arith.maximumf %add3A_27, %max3A_29 : vector<10000x64xf32>
    %get3A_31 = arith.constant 0 : index
    %get3A_32 = arith.constant 0 : index
    %get3A_33 = vector.load %arg4[%get3A_31, %get3A_32] : memref<64x32xf32, #tpu.memory_space<vmem>>, vector<64x32xf32>
    %convert_element_type3A = arith.truncf %max3A_30 : vector<10000x64xf32> to vector<10000x64xbf16>
    %convert_element_type3A_34 = arith.truncf %get3A_33 : vector<64x32xf32> to vector<64x32xbf16>
    %dot_general3A = arith.constant dense<0.000000e+00> : vector<10000x32xf32>
    %dot_general3A_35 = tpu.matmul %convert_element_type3A, %convert_element_type3A_34, %dot_general3A {dimension_numbers = #tpu.dot_dimension_numbers<[1], [0], [0], [1], [0, 0, 1, 1], [], []>, transpose_lhs_hint = false} : vector<10000x64xbf16>, vector<64x32xbf16>, vector<10000x32xf32> -> vector<10000x32xf32>
    %get3A_36 = arith.constant 0 : index
    %get3A_37 = arith.constant 0 : index
    %get3A_38 = vector.load %arg5[%get3A_36, %get3A_37] : memref<1x32xf32, #tpu.memory_space<vmem>>, vector<1x32xf32>
    %add3A_39 = vector.broadcast %get3A_38 : vector<1x32xf32> to vector<10000x32xf32>
    %add3A_40 = arith.addf %dot_general3A_35, %add3A_39 : vector<10000x32xf32>
    %swap3A = arith.constant 0 : index
    %swap3A_41 = arith.constant 0 : index
    %swap3A_42 = vector.load %arg8[%swap3A, %swap3A_41] : memref<10000x32xf32, #tpu.memory_space<vmem>>, vector<10000x32xf32>
    tpu.vector_store %arg8[%swap3A, %swap3A_41], %add3A_40 {strides = array<i32>} : memref<10000x32xf32, #tpu.memory_space<vmem>>, vector<10000x32xf32>,
    %get3A_43 = arith.constant 0 : index
    %get3A_44 = arith.constant 0 : index
    %get3A_45 = vector.load %arg6[%get3A_43, %get3A_44] : memref<64x64xf32, #tpu.memory_space<vmem>>, vector<64x64xf32>
    %convert_element_type3A_46 = arith.truncf %max3A_12 : vector<10000x64xf32> to vector<10000x64xbf16>
    %convert_element_type3A_47 = arith.truncf %get3A_45 : vector<64x64xf32> to vector<64x64xbf16>
    %dot_general3A_48 = arith.constant dense<0.000000e+00> : vector<10000x64xf32>
    %dot_general3A_49 = tpu.matmul %convert_element_type3A_46, %convert_element_type3A_47, %dot_general3A_48 {dimension_numbers = #tpu.dot_dimension_numbers<[1], [0], [0], [1], [0, 0, 1, 1], [], []>, transpose_lhs_hint = false} : vector<10000x64xbf16>, vector<64x64xbf16>, vector<10000x64xf32> -> vector<10000x64xf32>
    %get3A_50 = arith.constant 0 : index
    %get3A_51 = arith.constant 0 : index
    %get3A_52 = vector.load %arg7[%get3A_50, %get3A_51] : memref<1x64xf32, #tpu.memory_space<vmem>>, vector<1x64xf32>
    %add3A_53 = vector.broadcast %get3A_52 : vector<1x64xf32> to vector<10000x64xf32>
    %add3A_54 = arith.addf %dot_general3A_49, %add3A_53 : vector<10000x64xf32>
    %swap3A_55 = arith.constant 0 : index
    %swap3A_56 = arith.constant 0 : index
    %swap3A_57 = vector.load %arg9[%swap3A_55, %swap3A_56] : memref<10000x64xf32, #tpu.memory_space<vmem>>, vector<10000x64xf32>
    tpu.vector_store %arg9[%swap3A_55, %swap3A_56], %add3A_54 {strides = array<i32>} : memref<10000x64xf32, #tpu.memory_space<vmem>>, vector<10000x64xf32>,
    return
  }
}

</mosaic_0001>

<sc_bundles>
// kernel: kernel.10.cloned.1.call-start
scs
__scs_entry_jumppad:
0x0: {  	(pc) =	sbr.rel $0x88, $3  }
0x1: {  	(tag) =	ssettag $0x0;
	lr =	simm.s32 $0x1  }
0x2: {  	[smem:$0x3F85] =	sst lr;
	_ =	strace $0xD0000000  }
0x3: {  	_ = 	snop  }
0x4: {  	_ = 	snop  }
0x5: {  	_ = 	snop  }
0x6: {  	_ = 	snop  }
0x7: {  	_ = 	snop  }
__scs_overlays_trampoline_lowered:
0x8: {  	[smem:$0x3F94] =	sst s0  }
0x9: {  	[smem:$0x3F95] =	sst s1  }
0xa: {  	[smem:$0x3F96] =	sst s2  }
0xb: {  	[smem:$0x3F97] =	sst s3  }
0xc: {  	[smem:$0x3F98] =	sst s4  }
0xd: {  	[smem:$0x3F99] =	sst s5  }
0xe: {  	[smem:$0x3F9A] =	sst s6  }
0xf: {  	[smem:$0x3F9B] =	sst s7  }
0x10: {  	[smem:$0x3F9C] =	sst s8  }
0x11: {  	[smem:$0x3F9D] =	sst s9;
	s0 =	simm.s32 @!p0 $0x0  }
0x12: {  	s1 =	sld [smem:$0x3F83];
	s0 =	simm.s32 @p0 $0x1  }
0x13: {  	[smem:$0x3F9E] =	sst s0;
	s0 =	simm.s32 @!p1 $0x0  }
0x14: {  	s2 =	sld [smem:$0x3F82];
	s0 =	simm.s32 @p1 $0x1  }
0x15: {  	[smem:$0x3F9F] =	sst s0;
	s0 =	simm.s32 @!p2 $0x0  }
0x16: {  	s3 =	sld [smem:$0x3FDB];
	s0 =	simm.s32 @p2 $0x1  }
0x17: {  	s4 =	simm.s32 $0x1BF5;
	[smem:$0x3FA1] =	sst s0  }
0x18: {  	s0 =	sld [smem:$0x3F84];
	_ =	swait.ge [sflag:s4], $0x0  }
0x19: {  	s7 =	sld [smem:$0x3F85]  }
0x1a: {  	s8 =	sadd.s32 $0xFFFFE003, lr  }
0x1b: {  	s9 =	sadd.s32 $0xFFFFFEF7, lr;
	s5 =	simm.s32 $0xFFFFFFFF;
	p2 =	slt.u32 s8, $0xFFFFF086  }
0x1c: {  	p1 =	slt.u32 s9, $0xF7A;
	s5 =	simm.s32 @!p2 $0x0  }
0x1d: {  	s5 =	simm.s32 @p1 $0x1;
	p0 =	seq.s32 s7, s2  }
0x1e: {  	s7 =	smul.u32 @!p0 $0xF7A, s2;
	p2 =	seq.s32 @!p0 s5, $0x0  }
0x1f: {  	s9 =	smul.u32 $0xF7A, s1;
	s8 =	simm.s32 @!p0 $0x1BF5;
	p2 =	por !p2, p0  }
0x20: {  	[sflag:s8] =	ssyncset.s32 @!p0 $0xFFFFF086;
	s6 =	sadd.s32 @!p0 s3, s7;
	s7 =	simm.s32 @!p0 $0x108  }
0x21: {  	s3 =	sadd.s32 s3, s9;
	s6 =	sadd.s32 @!p0 $0x88, s6;
	s7 =	simm.s32 @p2 $0x1082  }
0x22: {  	[simem:s7], [sflag:s8] =	dma.local @!p0 [hbm:s6], $0xF7A  }
0x23: {  	s9 =	sor.u32 $0xD0000000, s2;
	s6 =	simm.s32 $0x108;
	_ =	swait.ge @!p0 [sflag:s8], $0x0  }
0x24: {  	s3 =	sadd.s32 $0x88, s3;
	s6 =	simm.s32 @!p1 $0x1082;
	[sflag:s4] =	ssyncset.s32 $0xFFFFF086  }
0x25: {  	[simem:s6], [sflag:s4] =	dma.local [hbm:s3], $0xF7A  }
0x26: {  	[smem:$0x3F85] =	sst s1;
	(tag) =	ssettag s2;
	_ =	strace s9  }
0x27: {  	s1 =	sld [smem:$0x3F95]  }
0x28: {  	s2 =	sld [smem:$0x3F96]  }
0x29: {  	s4 =	sld [smem:$0x3F98]  }
0x2a: {  	p0 =	seq.s32 s5, $0x0;
	s5 =	sld [smem:$0x3F99]  }
0x2b: {  	s6 =	sld [smem:$0x3F9A]  }
0x2c: {  	s7 =	sld [smem:$0x3F9B]  }
0x2d: {  	s3 =	simm.s32 $0x108;
	s8 =	sld [smem:$0x3F9C]  }
0x2e: {  	s3 =	simm.s32 @!p0 $0x1082;
	s9 =	sld [smem:$0x3F9D]  }
0x2f: {  	lr =	sadd.s32 s0, s3;
	s0 =	sld [smem:$0x3F94]  }
0x30: {  	s3 =	sld [smem:$0x3F97]  }
0x31: {  	[smem:$0x3FA0] =	sst s10  }
0x32: {  	s10 =	sld [smem:$0x3F9E];
	_ =	sdelay $0x3  }
0x33: {  	p0 =	seq.s32 s10, $0x1;
	s10 =	sld [smem:$0x3FA0];
	_ =	sdelay $0x3  }
0x34: {  	[smem:$0x3FA0] =	sst s10  }
0x35: {  	s10 =	sld [smem:$0x3F9F];
	_ =	sdelay $0x3  }
0x36: {  	p1 =	seq.s32 s10, $0x1;
	s10 =	sld [smem:$0x3FA0];
	_ =	sdelay $0x3  }
0x37: {  	[smem:$0x3FA0] =	sst s10  }
0x38: {  	s10 =	sld [smem:$0x3FA1]  }
0x39: {  	_ = 	snop;
	(pc) =	sbr.ind lr, $3  }
0x3a: {  	_ = 	snop  }
0x3b: {  	_ = 	snop  }
0x3c: {  	p2 =	seq.s32 s10, $0x1;
	s10 =	sld [smem:$0x3FA0]  }
0x3d: {  	_ =	shalt  }
0x3e: {  	_ =	shalt  }
0x3f: {  	_ =	shalt  }
0x40: {  	_ =	shalt  }
0x41: {  	_ =	shalt  }
0x42: {  	_ =	shalt  }
0x43: {  	_ =	shalt  }
0x44: {  	_ =	shalt  }
0x45: {  	_ =	shalt  }
0x46: {  	_ =	shalt  }
0x47: {  	_ =	shalt  }
0x48: {  	_ =	shalt  }
0x49: {  	_ =	shalt  }
0x4a: {  	_ =	shalt  }
0x4b: {  	_ =	shalt  }
0x4c: {  	_ =	shalt  }
0x4d: {  	_ =	shalt  }
0x4e: {  	_ =	shalt  }
0x4f: {  	_ =	shalt  }
0x50: {  	_ =	shalt  }
0x51: {  	_ =	shalt  }
0x52: {  	_ =	shalt  }
0x53: {  	_ =	shalt  }
0x54: {  	_ =	shalt  }
0x55: {  	_ =	shalt  }
0x56: {  	_ =	shalt  }
0x57: {  	_ =	shalt  }
0x58: {  	_ =	shalt  }
0x59: {  	_ =	shalt  }
0x5a: {  	_ =	shalt  }
0x5b: {  	_ =	shalt  }
0x5c: {  	_ =	shalt  }
0x5d: {  	_ =	shalt  }
0x5e: {  	_ =	shalt  }
0x5f: {  	_ =	shalt  }
0x60: {  	_ =	shalt  }
0x61: {  	_ =	shalt  }
0x62: {  	_ =	shalt  }
0x63: {  	_ =	shalt  }
0x64: {  	_ =	shalt  }
0x65: {  	_ =	shalt  }
0x66: {  	_ =	shalt  }
0x67: {  	_ =	shalt  }
0x68: {  	_ =	shalt  }
0x69: {  	_ =	shalt  }
0x6a: {  	_ =	shalt  }
0x6b: {  	_ =	shalt  }
0x6c: {  	_ =	shalt  }
0x6d: {  	_ =	shalt  }
0x6e: {  	_ =	shalt  }
0x6f: {  	_ =	shalt  }
0x70: {  	_ =	shalt  }
0x71: {  	_ =	shalt  }
0x72: {  	_ =	shalt  }
0x73: {  	_ =	shalt  }
0x74: {  	_ =	shalt  }
0x75: {  	_ =	shalt  }
0x76: {  	_ =	shalt  }
0x77: {  	_ =	shalt  }
0x78: {  	_ =	shalt  }
0x79: {  	_ =	shalt  }
0x7a: {  	_ =	shalt  }
0x7b: {  	_ =	shalt  }
0x7c: {  	_ =	shalt  }
0x7d: {  	_ =	shalt  }
0x7e: {  	_ =	shalt  }
0x7f: {  	_ =	shalt  }
0x80: {  	_ =	shalt  }
0x81: {  	_ =	shalt  }
0x82: {  	_ =	shalt  }
0x83: {  	_ =	shalt  }
0x84: {  	_ =	shalt  }
0x85: {  	_ =	shalt  }
0x86: {  	_ =	shalt  }
0x87: {  	_ =	shalt  }
.Lfunc_end0:
.L_simem_size_0:
called_computation.1_lowered:
.L_overlay_start_0:
0x88: {  	s2 =	sld [smem:$0x3FD9]  }
0x89: {  	s3 =	sld [smem:$0x3FFE];
	_ =	sdelay $0x1  }
0x8a: {  	s1 =	srdreg.scid  }
0x8b: {  	s0 =	sand.u32 $0x1, s1  }
0x8c: {  	s14 =	sshll.u32 s0, $0xA;
	s2 =	sadd.s32 s3, s2  }
0x8d: {  	s2 =	sadd.s32 s2, s14  }
0x8e: {  	[smem:$0x3FAC] =	sst s2  }
0x8f: {  	_ = 	snop  }
0x90: {  	s2 =	sld [smem:$0x3FD0];
	_ =	sdelay $0x2  }
0x91: {  	s15 =	simm.s32 $0xA;
	s4 =	simm.s32 $0x10  }
0x92: {  	[smem:s4], [sflag:s15] =	dma.local [hbm:s2], $0x1  }
0x93: {  	_ =	swait.eq [sflag:s15], $0x1  }
0x94: {  	[sflag:s15] =	ssyncset.done $0x0  }
0x95: {  	s16 =	sld [smem:$0x10];
	[sflag:s15] =	ssyncadd.s32 $0xFFFFFFFF  }
0x96: {  	s17 =	sld [smem:$0x11];
	(tm) =	ssettm $0x1  }
0x97: {  	s18 =	sld [smem:$0x3FFB];
	_ =	sdelay $0x3  }
0x98: {  	_ =	strace s18  }
0x99: {  	s4 =	sld [smem:$0x3FFC];
	_ =	sdelay $0x3  }
0x9a: {  	_ =	strace s4  }
0x9b: {  	s4 =	sld [smem:$0x3FFD];
	_ =	sdelay $0x3  }
0x9c: {  	_ =	strace s4  }
0x9d: {  	_ =	strace $0x8FFFFFFF  }
0x9e: {  	s19 =	sld [smem:$0x3FDB];
	_ =	sdelay $0x1  }
0x9f: {  	s5 =	simm.s32 $_scs_section_size  }
0xa0: {  	s6 =	simm.s32 $_size__tile_overlayer_lowered;
	s7 =	simm.s32 $_tile_overlayer_lowered  }
0xa1: {  	s22 =	simm.s32 $0x1BFF;
	s21 =	sshll.u32 s7, $0x1;
	s4 =	sadd.s32 s5, s19  }
0xa2: {  	s8 =	simm.s32 $0x0;
	s20 =	sshll.u32 s6, $0x1;
	s6 =	sadd.s32 s21, s4  }
0xa3: {  	[timem:s8], [sflag:s22] =	dma.local [hbm:s6], s20  }
0xa4: {  	_ =	swait.ge [sflag:s22], s20  }
0xa5: {  	s5 =	ssub.s32 $0x0, s20;
	[sflag:s22] =	ssyncset.done $0x0  }
0xa6: {  	[sflag:s22] =	ssyncadd.s32 s5;
	_ =	sdelay $0x1  }
0xa7: {  	s23 =	simm.s32 $0x1B8B  }
0xa8: {  	_ =	swait.ge [sflag:s23], $0x1  }
0xa9: {  	[sflag:s23] =	ssyncset.done $0x0  }
0xaa: {  	s25 =	simm.s32 $0x1B8E;
	s24 =	sld [smem:$0x3FFE];
	[sflag:s23] =	ssyncadd.s32 $0xFFFFFFFF  }
0xab: {  	s26 =	simm.s32 $execute0_lowered;
	[smem:$0x3FD2] =	sst s25  }
0xac: {  	s6 =	sshll.u32 s26, $0x1;
	_ =	strace $0x80000049;
	[dreg:$0x1] =	wrdreg $0xFFFFFFFF  }
0xad: {  	s28 =	simm.s32 $_size_execute0_lowered;
	s4 =	sadd.s32 s4, s6;
	[dreg:$0x0] =	wrdreg $0x0  }
0xae: {  	s6 =	sshll.u32 s28, $0x1;
	[dreg:$0x2] =	wrdreg s4  }
0xaf: {  	[dreg:$0x3] =	wrdreg s6  }
0xb0: {  	[dreg:$0x4] =	wrdreg $0xC0  }
0xb1: {  	_ =	task [dreg:s8], $0x5FFFF  }
0xb2: {  	[dreg:$0x1] =	wrdreg $0xFFFFFFFF  }
0xb3: {  	[dreg:$0x0] =	wrdreg $0x60  }
0xb4: {  	[dreg:$0x2] =	wrdreg s24  }
0xb5: {  	[dreg:$0x3] =	wrdreg s16  }
0xb6: {  	[dreg:$0x4] =	wrdreg s17  }
0xb7: {  	[dreg:$0x5] =	wrdreg $0xF6400  }
0xb8: {  	[dreg:$0x6] =	wrdreg $0x9  }
0xb9: {  	_ =	task.clear_ibuf [dreg:s8], $0x7FFFF;
	_ =	strace $0x90000049  }
0xba: {  	s29 =	simm.s32 $0x9;
	_ =	strace $0x8000004B  }
0xbb: {  	_ =	swait.ge [sflag:s29], $0x1  }
0xbc: {  	[sflag:s29] =	ssyncadd.s32 $0xFFFFFFFF  }
0xbd: {  	_ =	strace $0x9000004B  }
0xbe: {  	_ =	sfence  }
0xbf: {  	s30 =	sld [smem:$0x0];
	_ =	sdelay $0x2  }
0xc0: {  	s31 =	sshll.u32 s1, $0xD;
	s1 =	sshrl.u32 s1, $0x2  }
0xc1: {  	s3 =	sand.u32 $0x4000, s31;
	s1 =	sadd.s32 s1, s30  }
0xc2: {  	s0 =	sor.u32 s3, s0;
	s1 =	sshll.u32 s1, $0x11  }
0xc3: {  	s0 =	sor.u32 s1, s0  }
0xc4: {  	s0 =	sadd.s32 $0x8F2B, s0  }
0xc5: {  	[sflag:s0] =	ssyncadd.remote.s32 $0x1  }
0xc6: {  	_ =	sfence.sel $0xFFFF  }
0xc7: {  	[dreg:$0x0] =	wrdreg $0xFFFFFFFF;
	(pc) =	sbr.abs _section_cstart, $3  }
0xc8: {  	[dreg:$0x1] =	wrdreg $0xFFFFFFFF  }
0xc9: {  	_ =	task.clear_ibuf [dreg:s8], $0x2FFFF;
	_ =	strace $0x9FFFFFFF  }
0xca: {  	(tm) =	ssettm $0x7FFFFFFF  }
0xcb: {  	_ =	shalt  }
tec
execute0_lowered:
.L_overlay_start_1:
0x0: {  	(tag) =	ssettag $0x1  }
0x1: {  	s0 =	rddreg [dreg:$0x0]  }
0x2: {  	s5 =	rddreg [dreg:$0x1]  }
0x3: {  	s2 =	rddreg [dreg:$0x2]  }
0x4: {  	s3 =	rddreg [dreg:$0x3];
	s1 =	stileid.u32;
	s4 =	simm.s32 $0x0  }
0x5: {  	s8 =	srdreg.scid;
	s29 =	simm.s32 $0x4E20;
	s30 =	simm.s32 $0x7530  }
0x6: {  	s31 =	simm.s32 $0xC440;
	s28 =	simm.s32 $0xDD40;
	s6 =	smul.u32 $0x4E2, s1  }
0x7: {  	[smem:$0x7FF] =	sst s4;
	s9 =	sadd.s32 $0x4800, s0;
	s10 =	sadd.s32 $0x4E00, s0  }
0x8: {  	s8 =	sand.u32 $0x1, s8;
	_ =	strace $0x8000004A;
	[dreg:$0x5] =	wrdreg s9  }
0x9: {  	s11 =	sadd.s32 $0x5400, s0;
	s12 =	sadd.s32 $0x5A00, s0;
	[dreg:$0x6] =	wrdreg s10  }
0xa: {  	s13 =	sadd.s32 $0x41200, s0;
	s15 =	smul.u32 $0xC350, s1;
	[dreg:$0x7] =	wrdreg s11  }
0xb: {  	[dreg:$0x8] =	wrdreg s12;
	s10 =	ssub.s32 $0x2, s8;
	s9 =	sadd.s32 $0x6000, s0  }
0xc: {  	s12 =	smul.u32 $0x30D40, s1;
	[dreg:$0x9] =	wrdreg s13;
	p0 =	seq.s32 s8, $0x1  }
0xd: {  	s8 =	simm.s32 $0x1;
	s7 =	sadd.s32 s6, s0;
	s11 =	sshrl.u32 s10, $0x1  }
0xe: {  	s0 =	sadd.s32 $0x28A00, s0;
	s22 =	sadd.s32 s5, s6;
	s14 =	sadd.s32 s15, s3  }
0xf: {  	s5 =	simm.s32 $0x9C40;
	s6 =	simm.s32 $0x4;
	[dreg:$0xa] =	wrdreg s0  }
0x10: {  	s13 =	ssub.s32 s10, s11;
	s20 =	sshrl.u32 s12, $0x2;
	s21 =	sadd.s32 $0x23A00, s7  }
0x11: {  	[dreg:$0xc] =	wrdreg s22;
	s22 =	sshrl.u32 s15, $0x3;
	s25 =	sadd.s32 $0x1EA00, s7  }
0x12: {  	s26 =	sadd.s32 $0x19A00, s7;
	s0 =	simm.s32 $0x50;
	s7 =	simm.s32 $0xB040  }
0x13: {  	s12 =	simm.s32 $0x2;
	s11 =	simm.s32 $0x0;
	[dreg:$0xb] =	wrdreg s21  }
.Ltmp0:
0x14: {  	s23 =	sadd.s32 s20, s3;
	[dreg:$0xe] =	wrdreg s25;
	(pc) =	sbr.rel .LBB2_1-.Ltmp0, $4  }
0x15: {  	[dreg:$0xf] =	wrdreg s26;
	s25 =	smax.u32 s13, $0x1;
	s26 =	simm.s32 $0x5  }
0x16: {  	s13 =	simm.s32 $0x3;
	s24 =	sadd.s32 $0x1900, s23;
	s16 =	sadd.s32 $0x3200, s23  }
0x17: {  	s17 =	sadd.s32 $0x4B00, s23;
	s18 =	sadd.s32 $0x6400, s23;
	s19 =	sadd.s32 $0x7D00, s23  }
0x18: {  	v0 =	vimm.f32 $0.0e+00;
	s20 =	sadd.s32 $0x9600, s23;
	s21 =	sadd.s32 $0xAF00, s23;
	[dreg:$0xd] =	wrdreg s24  }
.LBB2_11:
0x19: {  	[spmem:s3] =	stream.indirect.scatter.add.f32 [tilespmem:s28], [sflag:$0x4], $0x50, s10, s0, $0xb8;
	[tilespmem:$0x1B990] =	vst v63  }
0x1a: {  	s1 =	sadd.s32 $0x7530, s23  }
0x1b: {  	[tilespmem:s7], [sflag:$0x2] =	stream.indirect.gather [hbm4b:s9+s0], $0x40, s1, s0, $0xb8;
	[tilespmem:$0x1B990] =	vst v63  }
0x1c: {  	_ =	swait.ge [sflag:s8], $0x1400  }
0x1d: {  	[sflag:s8] =	ssyncset.done $0x0  }
0x1e: {  	[sflag:s8] =	ssyncadd.s32 $0xFFFFEC00  }
0x1f: {  	_ =	swait.ge [sflag:s13], $0x1900  }
0x20: {  	[sflag:s13] =	ssyncset.done $0x0  }
0x21: {  	s10 =	sadd.s32 $0x9BF0, s23;
	[sflag:s13] =	ssyncadd.s32 $0xFFFFE700  }
0x22: {  	[spmem:s3] =	stream.indirect.scatter.add.f32 [tilespmem:s31], [sflag:$0x3], $0x50, s10, s0, $0xb8;
	[tilespmem:$0x1B990] =	vst v63  }
0x23: {  	s15 =	sadd.s32 $0x7580, s23  }
0x24: {  	[tilespmem:s5], [sflag:$0x1] =	stream.indirect.gather [hbm4b:s9+s0], $0x40, s15, s0, $0xb8;
	[tilespmem:$0x1B990] =	vst v63  }
0x25: {  	_ =	swait.ge [sflag:s12], $0x1400  }
0x26: {  	[sflag:s12] =	ssyncset.done $0x0  }
0x27: {  	[sflag:s12] =	ssyncadd.s32 $0xFFFFEC00  }
0x28: {  	_ =	swait.ge [sflag:s6], $0x1900  }
0x29: {  	[sflag:s6] =	ssyncset.done $0x0  }
0x2a: {  	s24 =	sadd.s32 $0x9C40, s23;
	s23 =	rddreg [dreg:$0xa];
	[sflag:s6] =	ssyncadd.s32 $0xFFFFE700  }
0x2b: {  	[spmem:s3] =	stream.indirect.scatter.add.f32 [tilespmem:s28], [sflag:$0x4], $0x50, s24, s0, $0xb8;
	[tilespmem:$0x1B990] =	vst v63  }
.LBB2_12:
0x2c: {  	_ =	swait.ge [sflag:s8], $0x1400  }
0x2d: {  	[sflag:s8] =	ssyncset.done $0x0  }
0x2e: {  	[sflag:s8] =	ssyncadd.s32 $0xFFFFEC00  }
0x2f: {  	_ =	swait.ge [sflag:s13], $0x1900  }
0x30: {  	[sflag:s13] =	ssyncset.done $0x0  }
0x31: {  	s1 =	simm.s32 $0x9BF0;
	[sflag:s13] =	ssyncadd.s32 $0xFFFFE700  }
0x32: {  	[spmem:s3] =	stream.indirect.scatter.add.f32 [tilespmem:s31], [sflag:$0x3], $0x50, s1, s0, $0xb8;
	[tilespmem:$0x1B990] =	vst v63  }
0x33: {  	_ =	swait.ge [sflag:s6], $0x1900  }
0x34: {  	[sflag:s6] =	ssyncset.done $0x0  }
0x35: {  	[sflag:s6] =	ssyncadd.s32 $0xFFFFE700  }
0x36: {  	s24 =	sadd.s32 s23, s22;
	s10 =	stileid.u32;
	_ =	swait.ge [sflag:s13], $0x1900  }
0x37: {  	s15 =	sshrl.u32 s14, $0x3;
	s11 =	sadd.s32 $0x1, s11;
	[sflag:s13] =	ssyncset.done $0x0  }
0x38: {  	s10 =	sshll.u32 s10, $0x6;
	p1 =	sne.s32 s11, s25;
	[sflag:s13] =	ssyncadd.s32 $0xFFFFE700  }
.Ltmp1:
0x39: {  	s10 =	sor.u32 $0x1C05, s10;
	[bflag:$0x0] =	sbarrier.arrive $0xFFFF;
	(pc) =	sbr.rel @!p1 .LBB2_13-.Ltmp1, $4  }
0x3a: {  	[hbm:s24], [sflag:s10] =	dma.local [spmem:s15], $0x186A  }
0x3b: {  	_ =	swait.ge [sflag:s26], $0x186A  }
0x3c: {  	[sflag:s26] =	ssyncset.done $0x0  }
0x3d: {  	[sflag:s26] =	ssyncadd.s32 $0xFFFFE796  }
.LBB2_1:
.Ltmp2:
0x3e: {  	(pc) =	sbr.rel @!p0 .LBB2_2-.Ltmp2, $1  }
0x3f: {  	_ =	sdelay $0x3  }
0x40: {  	s1 =	rddreg [dreg:$0x7]  }
0x41: {  	[tilespmem:s4], [sflag:$0x5] =	stream.linear.gather [hbm4b:s1+s4], $0x2710, $0x38;
	[tilespmem:$0x1B990] =	vst v63  }
0x42: {  	_ =	swait.ge [sflag:s26], $0x2710  }
0x43: {  	[sflag:s26] =	ssyncset.done $0x0  }
0x44: {  	s10 =	simm.s32 $0x2710;
	s15 =	rddreg [dreg:$0x8];
	[sflag:s26] =	ssyncadd.s32 $0xFFFFD8F0  }
0x45: {  	[tilespmem:s10], [sflag:$0x5] =	stream.linear.gather [hbm4b:s15+s4], $0x2710, $0x38;
	[tilespmem:$0x1B990] =	vst v63  }
0x46: {  	_ =	swait.ge [sflag:s26], $0x2710  }
0x47: {  	[sflag:s26] =	ssyncset.done $0x0  }
0x48: {  	s23 =	rddreg [dreg:$0xe];
	[sflag:s26] =	ssyncadd.s32 $0xFFFFD8F0  }
0x49: {  	[tilespmem:s29], [sflag:$0x5] =	stream.linear.gather [hbm4b:s23+s4], $0x2710, $0x38;
	[tilespmem:$0x1B990] =	vst v63  }
0x4a: {  	_ =	swait.ge [sflag:s26], $0x2710  }
0x4b: {  	[sflag:s26] =	ssyncset.done $0x0  }
0x4c: {  	s24 =	rddreg [dreg:$0xf];
	[sflag:s26] =	ssyncadd.s32 $0xFFFFD8F0  }
0x4d: {  	[tilespmem:s30], [sflag:$0x5] =	stream.linear.gather [hbm4b:s24+s4], $0x2710, $0x38;
	[tilespmem:$0x1B990] =	vst v63  }
0x4e: {  	_ =	swait.ge [sflag:s26], $0x2710  }
0x4f: {  	[sflag:s26] =	ssyncset.done $0x0  }
0x50: {  	s23 =	simm.s32 $0xC4E0;
	[sflag:s26] =	ssyncadd.s32 $0xFFFFD8F0  }
0x51: {  	[tilespmem:s23+$0xFFFFFF60] =	vst v0  }
0x52: {  	[tilespmem:s23+$0x90] =	vst v0  }
0x53: {  	[tilespmem:s23+$0x80] =	vst v0  }
0x54: {  	[tilespmem:s23+$0x70] =	vst v0  }
0x55: {  	[tilespmem:s23+$0x60] =	vst v0  }
0x56: {  	[tilespmem:s23+$0x50] =	vst v0  }
0x57: {  	[tilespmem:s23+$0x40] =	vst v0  }
0x58: {  	[tilespmem:s23+$0x30] =	vst v0  }
0x59: {  	[tilespmem:s23+$0x20] =	vst v0  }
0x5a: {  	[tilespmem:s23+$0x10] =	vst v0  }
0x5b: {  	[tilespmem:s23+$0x0] =	vst v0  }
0x5c: {  	[tilespmem:s23+$0xFFFFFFF0] =	vst v0  }
0x5d: {  	[tilespmem:s23+$0xFFFFFFE0] =	vst v0  }
0x5e: {  	[tilespmem:s23+$0xFFFFFFD0] =	vst v0  }
0x5f: {  	[tilespmem:s23+$0xFFFFFFC0] =	vst v0  }
0x60: {  	[tilespmem:s23+$0xFFFFFFB0] =	vst v0  }
0x61: {  	[tilespmem:s23+$0xFFFFFFA0] =	vst v0  }
0x62: {  	[tilespmem:s23+$0xFFFFFF90] =	vst v0  }
0x63: {  	s24 =	simm.s32 $0x0;
	[tilespmem:s23+$0xFFFFFF80] =	vst v0  }
.LBB2_8:
0x64: {  	s24 =	sadd.s32 $0x4, s24;
	[tilespmem:s23+$0xFFFFFF70] =	vst v0;
	s23 =	sadd.s32 $0x140, s23  }
0x65: {  	[tilespmem:s23+$0xFFFFFF60] =	vst v0;
	p1 =	slt.u32 s24, $0x4C  }
0x66: {  	[tilespmem:s23+$0x90] =	vst v0  }
0x67: {  	[tilespmem:s23+$0x80] =	vst v0  }
0x68: {  	[tilespmem:s23+$0x70] =	vst v0  }
0x69: {  	[tilespmem:s23+$0x60] =	vst v0  }
0x6a: {  	[tilespmem:s23+$0x50] =	vst v0  }
0x6b: {  	[tilespmem:s23+$0x40] =	vst v0  }
0x6c: {  	[tilespmem:s23+$0x30] =	vst v0  }
0x6d: {  	[tilespmem:s23+$0x20] =	vst v0  }
0x6e: {  	[tilespmem:s23+$0x10] =	vst v0  }
0x6f: {  	[tilespmem:s23+$0x0] =	vst v0  }
0x70: {  	[tilespmem:s23+$0xFFFFFFF0] =	vst v0  }
0x71: {  	[tilespmem:s23+$0xFFFFFFE0] =	vst v0  }
0x72: {  	[tilespmem:s23+$0xFFFFFFD0] =	vst v0  }
.Ltmp3:
0x73: {  	[tilespmem:s23+$0xFFFFFFC0] =	vst v0;
	(pc) =	sbr.rel @p1 .LBB2_8-.Ltmp3, $4  }
0x74: {  	[tilespmem:s23+$0xFFFFFFB0] =	vst v0  }
0x75: {  	[tilespmem:s23+$0xFFFFFFA0] =	vst v0  }
0x76: {  	[tilespmem:s23+$0xFFFFFF90] =	vst v0  }
0x77: {  	[tilespmem:s23+$0xFFFFFF80] =	vst v0  }
0x78: {  	[tilespmem:s23+$0xFFFFFF70] =	vst v0  }
0x79: {  	[spmem:s14] =	stream.linear.scatter [tilespmem:s31], [sflag:$0x5], $0x1900, $0x38;
	[tilespmem:$0x1B990] =	vst v63  }
0x7a: {  	_ =	swait.ge [sflag:s26], $0x1900  }
0x7b: {  	[sflag:s26] =	ssyncset.done $0x0  }
0x7c: {  	s1 =	rddreg [dreg:$0xd];
	[sflag:s26] =	ssyncadd.s32 $0xFFFFE700  }
0x7d: {  	[spmem:s1] =	stream.linear.scatter [tilespmem:s31], [sflag:$0x5], $0x1900, $0x38;
	[tilespmem:$0x1B990] =	vst v63  }
0x7e: {  	_ =	swait.ge [sflag:s26], $0x1900  }
0x7f: {  	[sflag:s26] =	ssyncset.done $0x0  }
0x80: {  	[sflag:s26] =	ssyncadd.s32 $0xFFFFE700  }
0x81: {  	[spmem:s16] =	stream.linear.scatter [tilespmem:s31], [sflag:$0x5], $0x1900, $0x38;
	[tilespmem:$0x1B990] =	vst v63  }
0x82: {  	_ =	swait.ge [sflag:s26], $0x1900  }
0x83: {  	[sflag:s26] =	ssyncset.done $0x0  }
0x84: {  	[sflag:s26] =	ssyncadd.s32 $0xFFFFE700  }
0x85: {  	[spmem:s17] =	stream.linear.scatter [tilespmem:s31], [sflag:$0x5], $0x1900, $0x38;
	[tilespmem:$0x1B990] =	vst v63  }
0x86: {  	_ =	swait.ge [sflag:s26], $0x1900  }
0x87: {  	[sflag:s26] =	ssyncset.done $0x0  }
0x88: {  	[sflag:s26] =	ssyncadd.s32 $0xFFFFE700  }
0x89: {  	[spmem:s18] =	stream.linear.scatter [tilespmem:s31], [sflag:$0x5], $0x1900, $0x38;
	[tilespmem:$0x1B990] =	vst v63  }
0x8a: {  	_ =	swait.ge [sflag:s26], $0x1900  }
0x8b: {  	[sflag:s26] =	ssyncset.done $0x0  }
0x8c: {  	[sflag:s26] =	ssyncadd.s32 $0xFFFFE700  }
0x8d: {  	[spmem:s19] =	stream.linear.scatter [tilespmem:s31], [sflag:$0x5], $0x1900, $0x38;
	[tilespmem:$0x1B990] =	vst v63  }
0x8e: {  	_ =	swait.ge [sflag:s26], $0x1900  }
0x8f: {  	[sflag:s26] =	ssyncset.done $0x0  }
0x90: {  	[sflag:s26] =	ssyncadd.s32 $0xFFFFE700  }
0x91: {  	[spmem:s20] =	stream.linear.scatter [tilespmem:s31], [sflag:$0x5], $0x1900, $0x38;
	[tilespmem:$0x1B990] =	vst v63  }
0x92: {  	_ =	swait.ge [sflag:s26], $0x1900  }
0x93: {  	[sflag:s26] =	ssyncset.done $0x0  }
0x94: {  	[sflag:s26] =	ssyncadd.s32 $0xFFFFE700  }
0x95: {  	[spmem:s21] =	stream.linear.scatter [tilespmem:s31], [sflag:$0x5], $0x1450, $0x38;
	[tilespmem:$0x1B990] =	vst v63  }
0x96: {  	_ =	swait.ge [sflag:s26], $0x1450  }
0x97: {  	[sflag:s26] =	ssyncset.done $0x0  }
0x98: {  	[sflag:s26] =	ssyncadd.s32 $0xFFFFEBB0  }
0x99: {  	[bflag:$0x0] =	sbarrier.arrive $0xFFFF  }
0x9a: {  	[tilespmem:s5], [sflag:$0x1] =	stream.indirect.gather [hbm4b:s9+s0], $0x40, s29, s0, $0xb8;
	[tilespmem:$0x1B990] =	vst v63  }
0x9b: {  	s23 =	simm.s32 $0x4E70  }
0x9c: {  	[tilespmem:s7], [sflag:$0x2] =	stream.indirect.gather [hbm4b:s9+s0], $0x40, s23, s0, $0xb8;
	[tilespmem:$0x1B990] =	vst v63  }
0x9d: {  	_ =	swait.ge [sflag:s8], $0x1400  }
0x9e: {  	[sflag:s8] =	ssyncset.done $0x0  }
0x9f: {  	[sflag:s8] =	ssyncadd.s32 $0xFFFFEC00  }
0xa0: {  	[spmem:s3] =	stream.indirect.scatter.add.f32 [tilespmem:s31], [sflag:$0x3], $0x50, s30, s0, $0xb8;
	[tilespmem:$0x1B990] =	vst v63  }
0xa1: {  	s24 =	simm.s32 $0x4EC0  }
0xa2: {  	[tilespmem:s5], [sflag:$0x1] =	stream.indirect.gather [hbm4b:s9+s0], $0x40, s24, s0, $0xb8;
	[tilespmem:$0x1B990] =	vst v63  }
0xa3: {  	_ =	swait.ge [sflag:s12], $0x1400  }
0xa4: {  	[sflag:s12] =	ssyncset.done $0x0  }
0xa5: {  	s10 =	simm.s32 $0x7580;
	[sflag:s12] =	ssyncadd.s32 $0xFFFFEC00  }
0xa6: {  	[spmem:s3] =	stream.indirect.scatter.add.f32 [tilespmem:s28], [sflag:$0x4], $0x50, s10, s0, $0xb8;
	[tilespmem:$0x1B990] =	vst v63  }
0xa7: {  	s15 =	simm.s32 $0x4F10  }
0xa8: {  	[tilespmem:s7], [sflag:$0x2] =	stream.indirect.gather [hbm4b:s9+s0], $0x40, s15, s0, $0xb8;
	[tilespmem:$0x1B990] =	vst v63  }
0xa9: {  	_ =	swait.ge [sflag:s8], $0x1400  }
0xaa: {  	[sflag:s8] =	ssyncset.done $0x0  }
0xab: {  	[sflag:s8] =	ssyncadd.s32 $0xFFFFEC00  }
0xac: {  	_ =	swait.ge [sflag:s13], $0x1900  }
0xad: {  	[sflag:s13] =	ssyncset.done $0x0  }
0xae: {  	s23 =	simm.s32 $0x75D0;
	[sflag:s13] =	ssyncadd.s32 $0xFFFFE700  }
0xaf: {  	[spmem:s3] =	stream.indirect.scatter.add.f32 [tilespmem:s31], [sflag:$0x3], $0x50, s23, s0, $0xb8;
	[tilespmem:$0x1B990] =	vst v63  }
0xb0: {  	s24 =	simm.s32 $0x4F60  }
0xb1: {  	[tilespmem:s5], [sflag:$0x1] =	stream.indirect.gather [hbm4b:s9+s0], $0x40, s24, s0, $0xb8;
	[tilespmem:$0x1B990] =	vst v63  }
0xb2: {  	_ =	swait.ge [sflag:s12], $0x1400  }
0xb3: {  	[sflag:s12] =	ssyncset.done $0x0  }
0xb4: {  	[sflag:s12] =	ssyncadd.s32 $0xFFFFEC00  }
0xb5: {  	_ =	swait.ge [sflag:s6], $0x1900  }
0xb6: {  	s10 =	simm.s32 $0x7620;
	[sflag:s6] =	ssyncset.done $0x0  }
0xb7: {  	s23 =	simm.s32 $0xFFFFDA80;
	s24 =	simm.s32 $0xFFFF6C80;
	[sflag:s6] =	ssyncadd.s32 $0xFFFFE700  }
.LBB2_10:
0xb8: {  	[spmem:s3] =	stream.indirect.scatter.add.f32 [tilespmem:s28], [sflag:$0x4], $0x50, s10, s0, $0xb8;
	[tilespmem:$0x1B990] =	vst v63  }
0xb9: {  	s1 =	smov.u32 s24  }
0xba: {  	s15 =	sadd.s32 $0x280, s24;
	s10 =	sadd.s32 $0x7530, s23;
	s1 =	sshra.s32 s1, $0x2  }
0xbb: {  	[tilespmem:s7], [sflag:$0x2] =	stream.indirect.gather [hbm4b:s9+s0], $0x40, s10, s0, $0xb8;
	[tilespmem:$0x1B990] =	vst v63  }
0xbc: {  	p1 =	sne.s32 s24, $0xFFFFFD80;
	_ =	swait.ge [sflag:s8], $0x1400  }
0xbd: {  	[sflag:s8] =	ssyncset.done $0x0  }
0xbe: {  	[sflag:s8] =	ssyncadd.s32 $0xFFFFEC00  }
0xbf: {  	_ =	swait.ge [sflag:s13], $0x1900  }
0xc0: {  	[sflag:s13] =	ssyncset.done $0x0  }
0xc1: {  	s10 =	sadd.s32 $0x9BF0, s23;
	[sflag:s13] =	ssyncadd.s32 $0xFFFFE700  }
0xc2: {  	[spmem:s3] =	stream.indirect.scatter.add.f32 [tilespmem:s31], [sflag:$0x3], $0x50, s10, s0, $0xb8;
	[tilespmem:$0x1B990] =	vst v63  }
0xc3: {  	s10 =	sadd.s32 $0x7580, s23  }
0xc4: {  	[tilespmem:s5], [sflag:$0x1] =	stream.indirect.gather [hbm4b:s9+s0], $0x40, s10, s0, $0xb8;
	[tilespmem:$0x1B990] =	vst v63  }
0xc5: {  	_ =	swait.ge [sflag:s12], $0x1400  }
.Ltmp4:
0xc6: {  	[sflag:s12] =	ssyncset.done $0x0;
	(pc) =	sbr.rel @p1 .LBB2_10-.Ltmp4, $4  }
0xc7: {  	[sflag:s12] =	ssyncadd.s32 $0xFFFFEC00  }
0xc8: {  	_ =	swait.ge [sflag:s6], $0x1900  }
0xc9: {  	s24 =	smov.u32 s15;
	[sflag:s6] =	ssyncset.done $0x0  }
0xca: {  	s10 =	sadd.s32 $0x9C40, s23;
	s23 =	smov.u32 s1;
	[sflag:s6] =	ssyncadd.s32 $0xFFFFE700  }
.Ltmp5:
0xcb: {  	_ = 	snop;
	(pc) =	sbr.rel .LBB2_11-.Ltmp5, $1  }
0xcc: {  	_ =	sdelay $0x3  }
.LBB2_2:
0xcd: {  	s1 =	rddreg [dreg:$0x5]  }
0xce: {  	[tilespmem:s4], [sflag:$0x5] =	stream.linear.gather [hbm4b:s1+s4], $0x2710, $0x38;
	[tilespmem:$0x1B990] =	vst v63  }
0xcf: {  	_ =	swait.ge [sflag:s26], $0x2710  }
0xd0: {  	[sflag:s26] =	ssyncset.done $0x0  }
0xd1: {  	s10 =	simm.s32 $0x2710;
	s15 =	rddreg [dreg:$0x6];
	[sflag:s26] =	ssyncadd.s32 $0xFFFFD8F0  }
0xd2: {  	[tilespmem:s10], [sflag:$0x5] =	stream.linear.gather [hbm4b:s15+s4], $0x2710, $0x38;
	[tilespmem:$0x1B990] =	vst v63  }
0xd3: {  	_ =	swait.ge [sflag:s26], $0x2710  }
0xd4: {  	[sflag:s26] =	ssyncset.done $0x0  }
0xd5: {  	s23 =	rddreg [dreg:$0xb];
	[sflag:s26] =	ssyncadd.s32 $0xFFFFD8F0  }
0xd6: {  	[tilespmem:s29], [sflag:$0x5] =	stream.linear.gather [hbm4b:s23+s4], $0x2710, $0x38;
	[tilespmem:$0x1B990] =	vst v63  }
0xd7: {  	_ =	swait.ge [sflag:s26], $0x2710  }
0xd8: {  	[sflag:s26] =	ssyncset.done $0x0  }
0xd9: {  	s24 =	rddreg [dreg:$0xc];
	[sflag:s26] =	ssyncadd.s32 $0xFFFFD8F0  }
0xda: {  	[tilespmem:s30], [sflag:$0x5] =	stream.linear.gather [hbm4b:s24+s4], $0x2710, $0x38;
	[tilespmem:$0x1B990] =	vst v63  }
0xdb: {  	_ =	swait.ge [sflag:s26], $0x2710  }
0xdc: {  	[sflag:s26] =	ssyncset.done $0x0  }
0xdd: {  	s23 =	simm.s32 $0xC4E0;
	[sflag:s26] =	ssyncadd.s32 $0xFFFFD8F0  }
0xde: {  	[tilespmem:s23+$0xFFFFFF60] =	vst v0  }
0xdf: {  	[tilespmem:s23+$0x90] =	vst v0  }
0xe0: {  	[tilespmem:s23+$0x80] =	vst v0  }
0xe1: {  	[tilespmem:s23+$0x70] =	vst v0  }
0xe2: {  	[tilespmem:s23+$0x60] =	vst v0  }
0xe3: {  	[tilespmem:s23+$0x50] =	vst v0  }
0xe4: {  	[tilespmem:s23+$0x40] =	vst v0  }
0xe5: {  	[tilespmem:s23+$0x30] =	vst v0  }
0xe6: {  	[tilespmem:s23+$0x20] =	vst v0  }
0xe7: {  	[tilespmem:s23+$0x10] =	vst v0  }
0xe8: {  	[tilespmem:s23+$0x0] =	vst v0  }
0xe9: {  	[tilespmem:s23+$0xFFFFFFF0] =	vst v0  }
0xea: {  	[tilespmem:s23+$0xFFFFFFE0] =	vst v0  }
0xeb: {  	[tilespmem:s23+$0xFFFFFFD0] =	vst v0  }
0xec: {  	[tilespmem:s23+$0xFFFFFFC0] =	vst v0  }
0xed: {  	[tilespmem:s23+$0xFFFFFFB0] =	vst v0  }
0xee: {  	[tilespmem:s23+$0xFFFFFFA0] =	vst v0  }
0xef: {  	[tilespmem:s23+$0xFFFFFF90] =	vst v0  }
0xf0: {  	s24 =	simm.s32 $0x0;
	[tilespmem:s23+$0xFFFFFF80] =	vst v0  }
.LBB2_3:
0xf1: {  	s24 =	sadd.s32 $0x4, s24;
	[tilespmem:s23+$0xFFFFFF70] =	vst v0;
	s23 =	sadd.s32 $0x140, s23  }
0xf2: {  	[tilespmem:s23+$0xFFFFFF60] =	vst v0;
	p1 =	slt.u32 s24, $0x4C  }
0xf3: {  	[tilespmem:s23+$0x90] =	vst v0  }
0xf4: {  	[tilespmem:s23+$0x80] =	vst v0  }
0xf5: {  	[tilespmem:s23+$0x70] =	vst v0  }
0xf6: {  	[tilespmem:s23+$0x60] =	vst v0  }
0xf7: {  	[tilespmem:s23+$0x50] =	vst v0  }
0xf8: {  	[tilespmem:s23+$0x40] =	vst v0  }
0xf9: {  	[tilespmem:s23+$0x30] =	vst v0  }
0xfa: {  	[tilespmem:s23+$0x20] =	vst v0  }
0xfb: {  	[tilespmem:s23+$0x10] =	vst v0  }
0xfc: {  	[tilespmem:s23+$0x0] =	vst v0  }
0xfd: {  	[tilespmem:s23+$0xFFFFFFF0] =	vst v0  }
0xfe: {  	[tilespmem:s23+$0xFFFFFFE0] =	vst v0  }
0xff: {  	[tilespmem:s23+$0xFFFFFFD0] =	vst v0  }
.Ltmp6:
0x100: {  	[tilespmem:s23+$0xFFFFFFC0] =	vst v0;
	(pc) =	sbr.rel @p1 .LBB2_3-.Ltmp6, $4  }
0x101: {  	[tilespmem:s23+$0xFFFFFFB0] =	vst v0  }
0x102: {  	[tilespmem:s23+$0xFFFFFFA0] =	vst v0  }
0x103: {  	[tilespmem:s23+$0xFFFFFF90] =	vst v0  }
0x104: {  	[tilespmem:s23+$0xFFFFFF80] =	vst v0  }
0x105: {  	[tilespmem:s23+$0xFFFFFF70] =	vst v0  }
0x106: {  	[spmem:s14] =	stream.linear.scatter [tilespmem:s31], [sflag:$0x5], $0x1900, $0x38;
	[tilespmem:$0x1B990] =	vst v63  }
0x107: {  	_ =	swait.ge [sflag:s26], $0x1900  }
0x108: {  	[sflag:s26] =	ssyncset.done $0x0  }
0x109: {  	s1 =	rddreg [dreg:$0xd];
	[sflag:s26] =	ssyncadd.s32 $0xFFFFE700  }
0x10a: {  	[spmem:s1] =	stream.linear.scatter [tilespmem:s31], [sflag:$0x5], $0x1900, $0x38;
	[tilespmem:$0x1B990] =	vst v63  }
0x10b: {  	_ =	swait.ge [sflag:s26], $0x1900  }
0x10c: {  	[sflag:s26] =	ssyncset.done $0x0  }
0x10d: {  	[sflag:s26] =	ssyncadd.s32 $0xFFFFE700  }
0x10e: {  	[spmem:s16] =	stream.linear.scatter [tilespmem:s31], [sflag:$0x5], $0x1900, $0x38;
	[tilespmem:$0x1B990] =	vst v63  }
0x10f: {  	_ =	swait.ge [sflag:s26], $0x1900  }
0x110: {  	[sflag:s26] =	ssyncset.done $0x0  }
0x111: {  	[sflag:s26] =	ssyncadd.s32 $0xFFFFE700  }
0x112: {  	[spmem:s17] =	stream.linear.scatter [tilespmem:s31], [sflag:$0x5], $0x1900, $0x38;
	[tilespmem:$0x1B990] =	vst v63  }
0x113: {  	_ =	swait.ge [sflag:s26], $0x1900  }
0x114: {  	[sflag:s26] =	ssyncset.done $0x0  }
0x115: {  	[sflag:s26] =	ssyncadd.s32 $0xFFFFE700  }
0x116: {  	[spmem:s18] =	stream.linear.scatter [tilespmem:s31], [sflag:$0x5], $0x1900, $0x38;
	[tilespmem:$0x1B990] =	vst v63  }
0x117: {  	_ =	swait.ge [sflag:s26], $0x1900  }
0x118: {  	[sflag:s26] =	ssyncset.done $0x0  }
0x119: {  	[sflag:s26] =	ssyncadd.s32 $0xFFFFE700  }
0x11a: {  	[spmem:s19] =	stream.linear.scatter [tilespmem:s31], [sflag:$0x5], $0x1900, $0x38;
	[tilespmem:$0x1B990] =	vst v63  }
0x11b: {  	_ =	swait.ge [sflag:s26], $0x1900  }
0x11c: {  	[sflag:s26] =	ssyncset.done $0x0  }
0x11d: {  	[sflag:s26] =	ssyncadd.s32 $0xFFFFE700  }
0x11e: {  	[spmem:s20] =	stream.linear.scatter [tilespmem:s31], [sflag:$0x5], $0x1900, $0x38;
	[tilespmem:$0x1B990] =	vst v63  }
0x11f: {  	_ =	swait.ge [sflag:s26], $0x1900  }
0x120: {  	[sflag:s26] =	ssyncset.done $0x0  }
0x121: {  	[sflag:s26] =	ssyncadd.s32 $0xFFFFE700  }
0x122: {  	[spmem:s21] =	stream.linear.scatter [tilespmem:s31], [sflag:$0x5], $0x1450, $0x38;
	[tilespmem:$0x1B990] =	vst v63  }
0x123: {  	_ =	swait.ge [sflag:s26], $0x1450  }
0x124: {  	[sflag:s26] =	ssyncset.done $0x0  }
0x125: {  	[sflag:s26] =	ssyncadd.s32 $0xFFFFEBB0  }
0x126: {  	[bflag:$0x0] =	sbarrier.arrive $0xFFFF  }
0x127: {  	[tilespmem:s5], [sflag:$0x1] =	stream.indirect.gather [hbm4b:s2+s0], $0x40, s29, s0, $0xb8;
	[tilespmem:$0x1B990] =	vst v63  }
0x128: {  	s24 =	simm.s32 $0x4E70  }
0x129: {  	[tilespmem:s7], [sflag:$0x2] =	stream.indirect.gather [hbm4b:s2+s0], $0x40, s24, s0, $0xb8;
	[tilespmem:$0x1B990] =	vst v63  }
0x12a: {  	_ =	swait.ge [sflag:s8], $0x1400  }
0x12b: {  	[sflag:s8] =	ssyncset.done $0x0  }
0x12c: {  	[sflag:s8] =	ssyncadd.s32 $0xFFFFEC00  }
0x12d: {  	[spmem:s3] =	stream.indirect.scatter.add.f32 [tilespmem:s31], [sflag:$0x3], $0x50, s30, s0, $0xb8;
	[tilespmem:$0x1B990] =	vst v63  }
0x12e: {  	s10 =	simm.s32 $0x4EC0  }
0x12f: {  	[tilespmem:s5], [sflag:$0x1] =	stream.indirect.gather [hbm4b:s2+s0], $0x40, s10, s0, $0xb8;
	[tilespmem:$0x1B990] =	vst v63  }
0x130: {  	_ =	swait.ge [sflag:s12], $0x1400  }
0x131: {  	[sflag:s12] =	ssyncset.done $0x0  }
0x132: {  	s15 =	simm.s32 $0x7580;
	[sflag:s12] =	ssyncadd.s32 $0xFFFFEC00  }
0x133: {  	[spmem:s3] =	stream.indirect.scatter.add.f32 [tilespmem:s28], [sflag:$0x4], $0x50, s15, s0, $0xb8;
	[tilespmem:$0x1B990] =	vst v63  }
0x134: {  	s10 =	simm.s32 $0x4F10  }
0x135: {  	[tilespmem:s7], [sflag:$0x2] =	stream.indirect.gather [hbm4b:s2+s0], $0x40, s10, s0, $0xb8;
	[tilespmem:$0x1B990] =	vst v63  }
0x136: {  	_ =	swait.ge [sflag:s8], $0x1400  }
0x137: {  	[sflag:s8] =	ssyncset.done $0x0  }
0x138: {  	[sflag:s8] =	ssyncadd.s32 $0xFFFFEC00  }
0x139: {  	_ =	swait.ge [sflag:s13], $0x1900  }
0x13a: {  	[sflag:s13] =	ssyncset.done $0x0  }
0x13b: {  	s23 =	simm.s32 $0x75D0;
	[sflag:s13] =	ssyncadd.s32 $0xFFFFE700  }
0x13c: {  	[spmem:s3] =	stream.indirect.scatter.add.f32 [tilespmem:s31], [sflag:$0x3], $0x50, s23, s0, $0xb8;
	[tilespmem:$0x1B990] =	vst v63  }
0x13d: {  	s24 =	simm.s32 $0x4F60  }
0x13e: {  	[tilespmem:s5], [sflag:$0x1] =	stream.indirect.gather [hbm4b:s2+s0], $0x40, s24, s0, $0xb8;
	[tilespmem:$0x1B990] =	vst v63  }
0x13f: {  	_ =	swait.ge [sflag:s12], $0x1400  }
0x140: {  	[sflag:s12] =	ssyncset.done $0x0  }
0x141: {  	[sflag:s12] =	ssyncadd.s32 $0xFFFFEC00  }
0x142: {  	_ =	swait.ge [sflag:s6], $0x1900  }
0x143: {  	s10 =	simm.s32 $0x7620;
	[sflag:s6] =	ssyncset.done $0x0  }
0x144: {  	s23 =	simm.s32 $0xFFFFDA80;
	s24 =	simm.s32 $0xFFFF6C80;
	[sflag:s6] =	ssyncadd.s32 $0xFFFFE700  }
.LBB2_5:
0x145: {  	[spmem:s3] =	stream.indirect.scatter.add.f32 [tilespmem:s28], [sflag:$0x4], $0x50, s10, s0, $0xb8;
	[tilespmem:$0x1B990] =	vst v63  }
0x146: {  	s10 =	smov.u32 s24  }
0x147: {  	s15 =	sadd.s32 $0x280, s24;
	s1 =	sshra.s32 s10, $0x2;
	s10 =	sadd.s32 $0x7530, s23  }
0x148: {  	[tilespmem:s7], [sflag:$0x2] =	stream.indirect.gather [hbm4b:s2+s0], $0x40, s10, s0, $0xb8;
	[tilespmem:$0x1B990] =	vst v63  }
0x149: {  	p1 =	seq.s32 s24, $0xFFFFFD80;
	_ =	swait.ge [sflag:s8], $0x1400  }
0x14a: {  	[sflag:s8] =	ssyncset.done $0x0  }
0x14b: {  	[sflag:s8] =	ssyncadd.s32 $0xFFFFEC00  }
0x14c: {  	_ =	swait.ge [sflag:s13], $0x1900  }
0x14d: {  	[sflag:s13] =	ssyncset.done $0x0  }
0x14e: {  	s10 =	sadd.s32 $0x9BF0, s23;
	[sflag:s13] =	ssyncadd.s32 $0xFFFFE700  }
0x14f: {  	[spmem:s3] =	stream.indirect.scatter.add.f32 [tilespmem:s31], [sflag:$0x3], $0x50, s10, s0, $0xb8;
	[tilespmem:$0x1B990] =	vst v63  }
0x150: {  	s10 =	sadd.s32 $0x7580, s23  }
0x151: {  	[tilespmem:s5], [sflag:$0x1] =	stream.indirect.gather [hbm4b:s2+s0], $0x40, s10, s0, $0xb8;
	[tilespmem:$0x1B990] =	vst v63  }
0x152: {  	_ =	swait.ge [sflag:s12], $0x1400  }
.Ltmp7:
0x153: {  	[sflag:s12] =	ssyncset.done $0x0;
	(pc) =	sbr.rel @!p1 .LBB2_5-.Ltmp7, $4  }
0x154: {  	[sflag:s12] =	ssyncadd.s32 $0xFFFFEC00  }
0x155: {  	_ =	swait.ge [sflag:s6], $0x1900  }
0x156: {  	s24 =	smov.u32 s15;
	[sflag:s6] =	ssyncset.done $0x0  }
0x157: {  	s10 =	sadd.s32 $0x9C40, s23;
	s23 =	smov.u32 s1;
	[sflag:s6] =	ssyncadd.s32 $0xFFFFE700  }
0x158: {  	[spmem:s3] =	stream.indirect.scatter.add.f32 [tilespmem:s28], [sflag:$0x4], $0x50, s10, s0, $0xb8;
	[tilespmem:$0x1B990] =	vst v63  }
0x159: {  	s1 =	sadd.s32 $0x7530, s23  }
0x15a: {  	[tilespmem:s7], [sflag:$0x2] =	stream.indirect.gather [hbm4b:s2+s0], $0x40, s1, s0, $0xb8;
	[tilespmem:$0x1B990] =	vst v63  }
0x15b: {  	_ =	swait.ge [sflag:s8], $0x1400  }
0x15c: {  	[sflag:s8] =	ssyncset.done $0x0  }
0x15d: {  	[sflag:s8] =	ssyncadd.s32 $0xFFFFEC00  }
0x15e: {  	_ =	swait.ge [sflag:s13], $0x1900  }
0x15f: {  	[sflag:s13] =	ssyncset.done $0x0  }
0x160: {  	s10 =	sadd.s32 $0x9BF0, s23;
	[sflag:s13] =	ssyncadd.s32 $0xFFFFE700  }
0x161: {  	[spmem:s3] =	stream.indirect.scatter.add.f32 [tilespmem:s31], [sflag:$0x3], $0x50, s10, s0, $0xb8;
	[tilespmem:$0x1B990] =	vst v63  }
0x162: {  	s15 =	sadd.s32 $0x7580, s23  }
0x163: {  	[tilespmem:s5], [sflag:$0x1] =	stream.indirect.gather [hbm4b:s2+s0], $0x40, s15, s0, $0xb8;
	[tilespmem:$0x1B990] =	vst v63  }
0x164: {  	_ =	swait.ge [sflag:s12], $0x1400  }
0x165: {  	[sflag:s12] =	ssyncset.done $0x0  }
.Ltmp8:
0x166: {  	[sflag:s12] =	ssyncadd.s32 $0xFFFFEC00;
	(pc) =	sbr.rel .LBB2_12-.Ltmp8, $4  }
0x167: {  	_ =	swait.ge [sflag:s6], $0x1900  }
0x168: {  	[sflag:s6] =	ssyncset.done $0x0  }
0x169: {  	s24 =	sadd.s32 $0x9C40, s23;
	s23 =	rddreg [dreg:$0x9];
	[sflag:s6] =	ssyncadd.s32 $0xFFFFE700  }
0x16a: {  	[spmem:s3] =	stream.indirect.scatter.add.f32 [tilespmem:s28], [sflag:$0x4], $0x50, s24, s0, $0xb8;
	[tilespmem:$0x1B990] =	vst v63  }
.LBB2_13:
0x16b: {  	_ =	sfence.sel $0x180000  }
0x16c: {  	[bflag:$0x0] =	sbarrier.arrive $0xFFFF  }
0x16d: {  	_ =	strace $0x9000004A  }
0x16e: {  	s0 =	stileid.u32;
	[bflag:$0x2] =	sbarrier.arrive $0xFFFF  }
0x16f: {  	p0 =	sne.s32 s0, $0x0;
	s0 =	rddreg [dreg:$0x4]  }
0x170: {  	s0 =	sadd.s32 @!p0 $0x100000, s0  }
0x171: {  	[sflag:s0] =	ssyncadd.tile.s32 @!p0 $0x1;
	_ =	shalt  }
.Lfunc_end2:
_tile_overlayer_lowered:
.L_overlay_start_2:
0x172: {  	(tag) =	ssettag $0x2  }
0x173: {  	s0 =	rddreg [dreg:$0x0];
	s2 =	stileid.u32  }
0x174: {  	s1 =	rddreg [dreg:$0x1];
	p0 =	sne.s32 s2, $0x0  }
0x175: {  	s3 =	rddreg [dreg:$0x2];
	[bflag:$0x3] =	sbarrier.arrive $0xFFFF;
	s2 =	simm.s32 @!p0 $0x1C05  }
0x176: {  	[timem:s3], [sflag:s2] =	dma.local @!p0 [hbm:s0], s1  }
0x177: {  	s0 =	simm.s32 @!p0 $0x5  }
0x178: {  	_ =	swait.ge @!p0 [sflag:s0], s1  }
0x179: {  	s1 =	ssub.s32 @!p0 $0x0, s1;
	[sflag:s0] =	ssyncset.done @!p0 $0x0  }
0x17a: {  	[sflag:s0] =	ssyncadd.s32 @!p0 s1  }
0x17b: {  	[bflag:$0x3] =	sbarrier.arrive $0xFFFF  }
0x17c: {  	_ =	shalt  }

// kernel: kernel.7.cloned.1.call-start
scs
__scs_entry_jumppad:
0x0: {  	(pc) =	sbr.rel $0x88, $3  }
0x1: {  	(tag) =	ssettag $0x0;
	lr =	simm.s32 $0x1  }
0x2: {  	[smem:$0x3F85] =	sst lr;
	_ =	strace $0xD0000000  }
0x3: {  	_ = 	snop  }
0x4: {  	_ = 	snop  }
0x5: {  	_ = 	snop  }
0x6: {  	_ = 	snop  }
0x7: {  	_ = 	snop  }
__scs_overlays_trampoline_lowered:
0x8: {  	[smem:$0x3F94] =	sst s0  }
0x9: {  	[smem:$0x3F95] =	sst s1  }
0xa: {  	[smem:$0x3F96] =	sst s2  }
0xb: {  	[smem:$0x3F97] =	sst s3  }
0xc: {  	[smem:$0x3F98] =	sst s4  }
0xd: {  	[smem:$0x3F99] =	sst s5  }
0xe: {  	[smem:$0x3F9A] =	sst s6  }
0xf: {  	[smem:$0x3F9B] =	sst s7  }
0x10: {  	[smem:$0x3F9C] =	sst s8  }
0x11: {  	[smem:$0x3F9D] =	sst s9;
	s0 =	simm.s32 @!p0 $0x0  }
0x12: {  	s1 =	sld [smem:$0x3F83];
	s0 =	simm.s32 @p0 $0x1  }
0x13: {  	[smem:$0x3F9E] =	sst s0;
	s0 =	simm.s32 @!p1 $0x0  }
0x14: {  	s2 =	sld [smem:$0x3F82];
	s0 =	simm.s32 @p1 $0x1  }
0x15: {  	[smem:$0x3F9F] =	sst s0;
	s0 =	simm.s32 @!p2 $0x0  }
0x16: {  	s3 =	sld [smem:$0x3FDB];
	s0 =	simm.s32 @p2 $0x1  }
0x17: {  	s4 =	simm.s32 $0x1BF5;
	[smem:$0x3FA1] =	sst s0  }
0x18: {  	s0 =	sld [smem:$0x3F84];
	_ =	swait.ge [sflag:s4], $0x0  }
0x19: {  	s7 =	sld [smem:$0x3F85]  }
0x1a: {  	s8 =	sadd.s32 $0xFFFFE003, lr  }
0x1b: {  	s9 =	sadd.s32 $0xFFFFFEF7, lr;
	s5 =	simm.s32 $0xFFFFFFFF;
	p2 =	slt.u32 s8, $0xFFFFF086  }
0x1c: {  	p1 =	slt.u32 s9, $0xF7A;
	s5 =	simm.s32 @!p2 $0x0  }
0x1d: {  	s5 =	simm.s32 @p1 $0x1;
	p0 =	seq.s32 s7, s2  }
0x1e: {  	s7 =	smul.u32 @!p0 $0xF7A, s2;
	p2 =	seq.s32 @!p0 s5, $0x0  }
0x1f: {  	s9 =	smul.u32 $0xF7A, s1;
	s8 =	simm.s32 @!p0 $0x1BF5;
	p2 =	por !p2, p0  }
0x20: {  	[sflag:s8] =	ssyncset.s32 @!p0 $0xFFFFF086;
	s6 =	sadd.s32 @!p0 s3, s7;
	s7 =	simm.s32 @!p0 $0x108  }
0x21: {  	s3 =	sadd.s32 s3, s9;
	s6 =	sadd.s32 @!p0 $0x88, s6;
	s7 =	simm.s32 @p2 $0x1082  }
0x22: {  	[simem:s7], [sflag:s8] =	dma.local @!p0 [hbm:s6], $0xF7A  }
0x23: {  	s9 =	sor.u32 $0xD0000000, s2;
	s6 =	simm.s32 $0x108;
	_ =	swait.ge @!p0 [sflag:s8], $0x0  }
0x24: {  	s3 =	sadd.s32 $0x88, s3;
	s6 =	simm.s32 @!p1 $0x1082;
	[sflag:s4] =	ssyncset.s32 $0xFFFFF086  }
0x25: {  	[simem:s6], [sflag:s4] =	dma.local [hbm:s3], $0xF7A  }
0x26: {  	[smem:$0x3F85] =	sst s1;
	(tag) =	ssettag s2;
	_ =	strace s9  }
0x27: {  	s1 =	sld [smem:$0x3F95]  }
0x28: {  	s2 =	sld [smem:$0x3F96]  }
0x29: {  	s4 =	sld [smem:$0x3F98]  }
0x2a: {  	p0 =	seq.s32 s5, $0x0;
	s5 =	sld [smem:$0x3F99]  }
0x2b: {  	s6 =	sld [smem:$0x3F9A]  }
0x2c: {  	s7 =	sld [smem:$0x3F9B]  }
0x2d: {  	s3 =	simm.s32 $0x108;
	s8 =	sld [smem:$0x3F9C]  }
0x2e: {  	s3 =	simm.s32 @!p0 $0x1082;
	s9 =	sld [smem:$0x3F9D]  }
0x2f: {  	lr =	sadd.s32 s0, s3;
	s0 =	sld [smem:$0x3F94]  }
0x30: {  	s3 =	sld [smem:$0x3F97]  }
0x31: {  	[smem:$0x3FA0] =	sst s10  }
0x32: {  	s10 =	sld [smem:$0x3F9E];
	_ =	sdelay $0x3  }
0x33: {  	p0 =	seq.s32 s10, $0x1;
	s10 =	sld [smem:$0x3FA0];
	_ =	sdelay $0x3  }
0x34: {  	[smem:$0x3FA0] =	sst s10  }
0x35: {  	s10 =	sld [smem:$0x3F9F];
	_ =	sdelay $0x3  }
0x36: {  	p1 =	seq.s32 s10, $0x1;
	s10 =	sld [smem:$0x3FA0];
	_ =	sdelay $0x3  }
0x37: {  	[smem:$0x3FA0] =	sst s10  }
0x38: {  	s10 =	sld [smem:$0x3FA1]  }
0x39: {  	_ = 	snop;
	(pc) =	sbr.ind lr, $3  }
0x3a: {  	_ = 	snop  }
0x3b: {  	_ = 	snop  }
0x3c: {  	p2 =	seq.s32 s10, $0x1;
	s10 =	sld [smem:$0x3FA0]  }
0x3d: {  	_ =	shalt  }
0x3e: {  	_ =	shalt  }
0x3f: {  	_ =	shalt  }
0x40: {  	_ =	shalt  }
0x41: {  	_ =	shalt  }
0x42: {  	_ =	shalt  }
0x43: {  	_ =	shalt  }
0x44: {  	_ =	shalt  }
0x45: {  	_ =	shalt  }
0x46: {  	_ =	shalt  }
0x47: {  	_ =	shalt  }
0x48: {  	_ =	shalt  }
0x49: {  	_ =	shalt  }
0x4a: {  	_ =	shalt  }
0x4b: {  	_ =	shalt  }
0x4c: {  	_ =	shalt  }
0x4d: {  	_ =	shalt  }
0x4e: {  	_ =	shalt  }
0x4f: {  	_ =	shalt  }
0x50: {  	_ =	shalt  }
0x51: {  	_ =	shalt  }
0x52: {  	_ =	shalt  }
0x53: {  	_ =	shalt  }
0x54: {  	_ =	shalt  }
0x55: {  	_ =	shalt  }
0x56: {  	_ =	shalt  }
0x57: {  	_ =	shalt  }
0x58: {  	_ =	shalt  }
0x59: {  	_ =	shalt  }
0x5a: {  	_ =	shalt  }
0x5b: {  	_ =	shalt  }
0x5c: {  	_ =	shalt  }
0x5d: {  	_ =	shalt  }
0x5e: {  	_ =	shalt  }
0x5f: {  	_ =	shalt  }
0x60: {  	_ =	shalt  }
0x61: {  	_ =	shalt  }
0x62: {  	_ =	shalt  }
0x63: {  	_ =	shalt  }
0x64: {  	_ =	shalt  }
0x65: {  	_ =	shalt  }
0x66: {  	_ =	shalt  }
0x67: {  	_ =	shalt  }
0x68: {  	_ =	shalt  }
0x69: {  	_ =	shalt  }
0x6a: {  	_ =	shalt  }
0x6b: {  	_ =	shalt  }
0x6c: {  	_ =	shalt  }
0x6d: {  	_ =	shalt  }
0x6e: {  	_ =	shalt  }
0x6f: {  	_ =	shalt  }
0x70: {  	_ =	shalt  }
0x71: {  	_ =	shalt  }
0x72: {  	_ =	shalt  }
0x73: {  	_ =	shalt  }
0x74: {  	_ =	shalt  }
0x75: {  	_ =	shalt  }
0x76: {  	_ =	shalt  }
0x77: {  	_ =	shalt  }
0x78: {  	_ =	shalt  }
0x79: {  	_ =	shalt  }
0x7a: {  	_ =	shalt  }
0x7b: {  	_ =	shalt  }
0x7c: {  	_ =	shalt  }
0x7d: {  	_ =	shalt  }
0x7e: {  	_ =	shalt  }
0x7f: {  	_ =	shalt  }
0x80: {  	_ =	shalt  }
0x81: {  	_ =	shalt  }
0x82: {  	_ =	shalt  }
0x83: {  	_ =	shalt  }
0x84: {  	_ =	shalt  }
0x85: {  	_ =	shalt  }
0x86: {  	_ =	shalt  }
0x87: {  	_ =	shalt  }
.Lfunc_end0:
.L_simem_size_0:
called_computation_lowered:
.L_overlay_start_0:
0x88: {  	s2 =	sld [smem:$0x3FD9]  }
0x89: {  	s3 =	sld [smem:$0x3FFE];
	_ =	sdelay $0x1  }
0x8a: {  	s1 =	srdreg.scid  }
0x8b: {  	s0 =	sand.u32 $0x1, s1  }
0x8c: {  	s14 =	sshll.u32 s0, $0xA;
	s2 =	sadd.s32 s3, s2  }
0x8d: {  	s2 =	sadd.s32 s2, s14  }
0x8e: {  	[smem:$0x3FAC] =	sst s2  }
0x8f: {  	_ = 	snop  }
0x90: {  	s2 =	sld [smem:$0x3FD0];
	_ =	sdelay $0x2  }
0x91: {  	s15 =	simm.s32 $0xA;
	s4 =	simm.s32 $0x10  }
0x92: {  	[smem:s4], [sflag:s15] =	dma.local [hbm:s2], $0x1  }
0x93: {  	_ =	swait.eq [sflag:s15], $0x1  }
0x94: {  	[sflag:s15] =	ssyncset.done $0x0  }
0x95: {  	s16 =	sld [smem:$0x10];
	[sflag:s15] =	ssyncadd.s32 $0xFFFFFFFF  }
0x96: {  	s17 =	sld [smem:$0x11];
	(tm) =	ssettm $0x1  }
0x97: {  	s18 =	sld [smem:$0x3FFB];
	_ =	sdelay $0x3  }
0x98: {  	_ =	strace s18  }
0x99: {  	s4 =	sld [smem:$0x3FFC];
	_ =	sdelay $0x3  }
0x9a: {  	_ =	strace s4  }
0x9b: {  	s4 =	sld [smem:$0x3FFD];
	_ =	sdelay $0x3  }
0x9c: {  	_ =	strace s4  }
0x9d: {  	_ =	strace $0x8FFFFFFF  }
0x9e: {  	s19 =	sld [smem:$0x3FDB];
	_ =	sdelay $0x1  }
0x9f: {  	s5 =	simm.s32 $_scs_section_size  }
0xa0: {  	s6 =	simm.s32 $_size__tile_overlayer_lowered;
	s7 =	simm.s32 $_tile_overlayer_lowered  }
0xa1: {  	s22 =	simm.s32 $0x1BFF;
	s21 =	sshll.u32 s7, $0x1;
	s4 =	sadd.s32 s5, s19  }
0xa2: {  	s8 =	simm.s32 $0x0;
	s20 =	sshll.u32 s6, $0x1;
	s6 =	sadd.s32 s21, s4  }
0xa3: {  	[timem:s8], [sflag:s22] =	dma.local [hbm:s6], s20  }
0xa4: {  	_ =	swait.ge [sflag:s22], s20  }
0xa5: {  	s5 =	ssub.s32 $0x0, s20;
	[sflag:s22] =	ssyncset.done $0x0  }
0xa6: {  	[sflag:s22] =	ssyncadd.s32 s5;
	_ =	sdelay $0x1  }
0xa7: {  	s23 =	simm.s32 $0x1B8B  }
0xa8: {  	_ =	swait.ge [sflag:s23], $0x1  }
0xa9: {  	[sflag:s23] =	ssyncset.done $0x0  }
0xaa: {  	s25 =	simm.s32 $0x1B8E;
	s24 =	sld [smem:$0x3FFE];
	[sflag:s23] =	ssyncadd.s32 $0xFFFFFFFF  }
0xab: {  	s26 =	simm.s32 $execute0_lowered;
	[smem:$0x3FD2] =	sst s25  }
0xac: {  	s6 =	sshll.u32 s26, $0x1;
	_ =	strace $0x80000046;
	[dreg:$0x1] =	wrdreg $0xFFFFFFFF  }
0xad: {  	s28 =	simm.s32 $_size_execute0_lowered;
	s4 =	sadd.s32 s4, s6;
	[dreg:$0x0] =	wrdreg $0x0  }
0xae: {  	s6 =	sshll.u32 s28, $0x1;
	[dreg:$0x2] =	wrdreg s4  }
0xaf: {  	[dreg:$0x3] =	wrdreg s6  }
0xb0: {  	[dreg:$0x4] =	wrdreg $0xC0  }
0xb1: {  	_ =	task [dreg:s8], $0x5FFFF  }
0xb2: {  	[dreg:$0x1] =	wrdreg $0xFFFFFFFF  }
0xb3: {  	[dreg:$0x0] =	wrdreg $0x60  }
0xb4: {  	[dreg:$0x2] =	wrdreg s24  }
0xb5: {  	[dreg:$0x3] =	wrdreg s16  }
0xb6: {  	[dreg:$0x4] =	wrdreg s17  }
0xb7: {  	[dreg:$0x5] =	wrdreg $0xF6400  }
0xb8: {  	[dreg:$0x6] =	wrdreg $0x9  }
0xb9: {  	_ =	task.clear_ibuf [dreg:s8], $0x7FFFF;
	_ =	strace $0x90000046  }
0xba: {  	s29 =	simm.s32 $0x9;
	_ =	strace $0x80000048  }
0xbb: {  	_ =	swait.ge [sflag:s29], $0x1  }
0xbc: {  	[sflag:s29] =	ssyncadd.s32 $0xFFFFFFFF  }
0xbd: {  	_ =	strace $0x90000048  }
0xbe: {  	_ =	sfence  }
0xbf: {  	s30 =	sld [smem:$0x0];
	_ =	sdelay $0x2  }
0xc0: {  	s31 =	sshll.u32 s1, $0xD;
	s1 =	sshrl.u32 s1, $0x2  }
0xc1: {  	s3 =	sand.u32 $0x4000, s31;
	s1 =	sadd.s32 s1, s30  }
0xc2: {  	s0 =	sor.u32 s3, s0;
	s1 =	sshll.u32 s1, $0x11  }
0xc3: {  	s0 =	sor.u32 s1, s0  }
0xc4: {  	s0 =	sadd.s32 $0x8F2B, s0  }
0xc5: {  	[sflag:s0] =	ssyncadd.remote.s32 $0x1  }
0xc6: {  	_ =	sfence.sel $0xFFFF  }
0xc7: {  	[dreg:$0x0] =	wrdreg $0xFFFFFFFF;
	(pc) =	sbr.abs _section_cstart, $3  }
0xc8: {  	[dreg:$0x1] =	wrdreg $0xFFFFFFFF  }
0xc9: {  	_ =	task.clear_ibuf [dreg:s8], $0x2FFFF;
	_ =	strace $0x9FFFFFFF  }
0xca: {  	(tm) =	ssettm $0x7FFFFFFF  }
0xcb: {  	_ =	shalt  }
tec
execute0_lowered:
.L_overlay_start_1:
0x0: {  	(tag) =	ssettag $0x1  }
0x1: {  	s0 =	rddreg [dreg:$0x0]  }
0x2: {  	s5 =	rddreg [dreg:$0x1]  }
0x3: {  	s2 =	rddreg [dreg:$0x2]  }
0x4: {  	s3 =	rddreg [dreg:$0x3];
	s1 =	stileid.u32;
	s4 =	simm.s32 $0x0  }
0x5: {  	s8 =	srdreg.scid;
	s29 =	simm.s32 $0x4E20;
	s30 =	simm.s32 $0x7530  }
0x6: {  	s31 =	simm.s32 $0xC440;
	s28 =	simm.s32 $0xDD40;
	s6 =	smul.u32 $0x4E2, s1  }
0x7: {  	[smem:$0x7FF] =	sst s4;
	s9 =	sadd.s32 $0x4800, s0;
	s10 =	sadd.s32 $0x4E00, s0  }
0x8: {  	s8 =	sand.u32 $0x1, s8;
	_ =	strace $0x80000047;
	[dreg:$0x5] =	wrdreg s9  }
0x9: {  	s11 =	sadd.s32 $0x5400, s0;
	s12 =	sadd.s32 $0x5A00, s0;
	[dreg:$0x6] =	wrdreg s10  }
0xa: {  	s13 =	sadd.s32 $0x41200, s0;
	s15 =	smul.u32 $0xC350, s1;
	[dreg:$0x7] =	wrdreg s11  }
0xb: {  	[dreg:$0x8] =	wrdreg s12;
	s10 =	ssub.s32 $0x2, s8;
	s9 =	sadd.s32 $0x6000, s0  }
0xc: {  	s12 =	smul.u32 $0x30D40, s1;
	[dreg:$0x9] =	wrdreg s13;
	p0 =	seq.s32 s8, $0x1  }
0xd: {  	s8 =	simm.s32 $0x1;
	s7 =	sadd.s32 s6, s0;
	s11 =	sshrl.u32 s10, $0x1  }
0xe: {  	s0 =	sadd.s32 $0x28A00, s0;
	s22 =	sadd.s32 s5, s6;
	s14 =	sadd.s32 s15, s3  }
0xf: {  	s5 =	simm.s32 $0x9C40;
	s6 =	simm.s32 $0x4;
	[dreg:$0xa] =	wrdreg s0  }
0x10: {  	s13 =	ssub.s32 s10, s11;
	s20 =	sshrl.u32 s12, $0x2;
	s21 =	sadd.s32 $0x23A00, s7  }
0x11: {  	[dreg:$0xc] =	wrdreg s22;
	s22 =	sshrl.u32 s15, $0x3;
	s25 =	sadd.s32 $0x1EA00, s7  }
0x12: {  	s26 =	sadd.s32 $0x19A00, s7;
	s0 =	simm.s32 $0x50;
	s7 =	simm.s32 $0xB040  }
0x13: {  	s12 =	simm.s32 $0x2;
	s11 =	simm.s32 $0x0;
	[dreg:$0xb] =	wrdreg s21  }
.Ltmp0:
0x14: {  	s23 =	sadd.s32 s20, s3;
	[dreg:$0xe] =	wrdreg s25;
	(pc) =	sbr.rel .LBB2_1-.Ltmp0, $4  }
0x15: {  	[dreg:$0xf] =	wrdreg s26;
	s25 =	smax.u32 s13, $0x1;
	s26 =	simm.s32 $0x5  }
0x16: {  	s13 =	simm.s32 $0x3;
	s24 =	sadd.s32 $0x1900, s23;
	s16 =	sadd.s32 $0x3200, s23  }
0x17: {  	s17 =	sadd.s32 $0x4B00, s23;
	s18 =	sadd.s32 $0x6400, s23;
	s19 =	sadd.s32 $0x7D00, s23  }
0x18: {  	v0 =	vimm.f32 $0.0e+00;
	s20 =	sadd.s32 $0x9600, s23;
	s21 =	sadd.s32 $0xAF00, s23;
	[dreg:$0xd] =	wrdreg s24  }
.LBB2_11:
0x19: {  	[spmem:s3] =	stream.indirect.scatter.add.f32 [tilespmem:s28], [sflag:$0x4], $0x50, s10, s0, $0xb8;
	[tilespmem:$0x1B990] =	vst v63  }
0x1a: {  	s1 =	sadd.s32 $0x7530, s23  }
0x1b: {  	[tilespmem:s7], [sflag:$0x2] =	stream.indirect.gather [hbm4b:s9+s0], $0x40, s1, s0, $0xb8;
	[tilespmem:$0x1B990] =	vst v63  }
0x1c: {  	_ =	swait.ge [sflag:s8], $0x1400  }
0x1d: {  	[sflag:s8] =	ssyncset.done $0x0  }
0x1e: {  	[sflag:s8] =	ssyncadd.s32 $0xFFFFEC00  }
0x1f: {  	_ =	swait.ge [sflag:s13], $0x1900  }
0x20: {  	[sflag:s13] =	ssyncset.done $0x0  }
0x21: {  	s10 =	sadd.s32 $0x9BF0, s23;
	[sflag:s13] =	ssyncadd.s32 $0xFFFFE700  }
0x22: {  	[spmem:s3] =	stream.indirect.scatter.add.f32 [tilespmem:s31], [sflag:$0x3], $0x50, s10, s0, $0xb8;
	[tilespmem:$0x1B990] =	vst v63  }
0x23: {  	s15 =	sadd.s32 $0x7580, s23  }
0x24: {  	[tilespmem:s5], [sflag:$0x1] =	stream.indirect.gather [hbm4b:s9+s0], $0x40, s15, s0, $0xb8;
	[tilespmem:$0x1B990] =	vst v63  }
0x25: {  	_ =	swait.ge [sflag:s12], $0x1400  }
0x26: {  	[sflag:s12] =	ssyncset.done $0x0  }
0x27: {  	[sflag:s12] =	ssyncadd.s32 $0xFFFFEC00  }
0x28: {  	_ =	swait.ge [sflag:s6], $0x1900  }
0x29: {  	[sflag:s6] =	ssyncset.done $0x0  }
0x2a: {  	s24 =	sadd.s32 $0x9C40, s23;
	s23 =	rddreg [dreg:$0xa];
	[sflag:s6] =	ssyncadd.s32 $0xFFFFE700  }
0x2b: {  	[spmem:s3] =	stream.indirect.scatter.add.f32 [tilespmem:s28], [sflag:$0x4], $0x50, s24, s0, $0xb8;
	[tilespmem:$0x1B990] =	vst v63  }
.LBB2_12:
0x2c: {  	_ =	swait.ge [sflag:s8], $0x1400  }
0x2d: {  	[sflag:s8] =	ssyncset.done $0x0  }
0x2e: {  	[sflag:s8] =	ssyncadd.s32 $0xFFFFEC00  }
0x2f: {  	_ =	swait.ge [sflag:s13], $0x1900  }
0x30: {  	[sflag:s13] =	ssyncset.done $0x0  }
0x31: {  	s1 =	simm.s32 $0x9BF0;
	[sflag:s13] =	ssyncadd.s32 $0xFFFFE700  }
0x32: {  	[spmem:s3] =	stream.indirect.scatter.add.f32 [tilespmem:s31], [sflag:$0x3], $0x50, s1, s0, $0xb8;
	[tilespmem:$0x1B990] =	vst v63  }
0x33: {  	_ =	swait.ge [sflag:s6], $0x1900  }
0x34: {  	[sflag:s6] =	ssyncset.done $0x0  }
0x35: {  	[sflag:s6] =	ssyncadd.s32 $0xFFFFE700  }
0x36: {  	s24 =	sadd.s32 s23, s22;
	s10 =	stileid.u32;
	_ =	swait.ge [sflag:s13], $0x1900  }
0x37: {  	s15 =	sshrl.u32 s14, $0x3;
	s11 =	sadd.s32 $0x1, s11;
	[sflag:s13] =	ssyncset.done $0x0  }
0x38: {  	s10 =	sshll.u32 s10, $0x6;
	p1 =	sne.s32 s11, s25;
	[sflag:s13] =	ssyncadd.s32 $0xFFFFE700  }
.Ltmp1:
0x39: {  	s10 =	sor.u32 $0x1C05, s10;
	[bflag:$0x0] =	sbarrier.arrive $0xFFFF;
	(pc) =	sbr.rel @!p1 .LBB2_13-.Ltmp1, $4  }
0x3a: {  	[hbm:s24], [sflag:s10] =	dma.local [spmem:s15], $0x186A  }
0x3b: {  	_ =	swait.ge [sflag:s26], $0x186A  }
0x3c: {  	[sflag:s26] =	ssyncset.done $0x0  }
0x3d: {  	[sflag:s26] =	ssyncadd.s32 $0xFFFFE796  }
.LBB2_1:
.Ltmp2:
0x3e: {  	(pc) =	sbr.rel @!p0 .LBB2_2-.Ltmp2, $1  }
0x3f: {  	_ =	sdelay $0x3  }
0x40: {  	s1 =	rddreg [dreg:$0x7]  }
0x41: {  	[tilespmem:s4], [sflag:$0x5] =	stream.linear.gather [hbm4b:s1+s4], $0x2710, $0x38;
	[tilespmem:$0x1B990] =	vst v63  }
0x42: {  	_ =	swait.ge [sflag:s26], $0x2710  }
0x43: {  	[sflag:s26] =	ssyncset.done $0x0  }
0x44: {  	s10 =	simm.s32 $0x2710;
	s15 =	rddreg [dreg:$0x8];
	[sflag:s26] =	ssyncadd.s32 $0xFFFFD8F0  }
0x45: {  	[tilespmem:s10], [sflag:$0x5] =	stream.linear.gather [hbm4b:s15+s4], $0x2710, $0x38;
	[tilespmem:$0x1B990] =	vst v63  }
0x46: {  	_ =	swait.ge [sflag:s26], $0x2710  }
0x47: {  	[sflag:s26] =	ssyncset.done $0x0  }
0x48: {  	s23 =	rddreg [dreg:$0xe];
	[sflag:s26] =	ssyncadd.s32 $0xFFFFD8F0  }
0x49: {  	[tilespmem:s29], [sflag:$0x5] =	stream.linear.gather [hbm4b:s23+s4], $0x2710, $0x38;
	[tilespmem:$0x1B990] =	vst v63  }
0x4a: {  	_ =	swait.ge [sflag:s26], $0x2710  }
0x4b: {  	[sflag:s26] =	ssyncset.done $0x0  }
0x4c: {  	s24 =	rddreg [dreg:$0xf];
	[sflag:s26] =	ssyncadd.s32 $0xFFFFD8F0  }
0x4d: {  	[tilespmem:s30], [sflag:$0x5] =	stream.linear.gather [hbm4b:s24+s4], $0x2710, $0x38;
	[tilespmem:$0x1B990] =	vst v63  }
0x4e: {  	_ =	swait.ge [sflag:s26], $0x2710  }
0x4f: {  	[sflag:s26] =	ssyncset.done $0x0  }
0x50: {  	s23 =	simm.s32 $0xC4E0;
	[sflag:s26] =	ssyncadd.s32 $0xFFFFD8F0  }
0x51: {  	[tilespmem:s23+$0xFFFFFF60] =	vst v0  }
0x52: {  	[tilespmem:s23+$0x90] =	vst v0  }
0x53: {  	[tilespmem:s23+$0x80] =	vst v0  }
0x54: {  	[tilespmem:s23+$0x70] =	vst v0  }
0x55: {  	[tilespmem:s23+$0x60] =	vst v0  }
0x56: {  	[tilespmem:s23+$0x50] =	vst v0  }
0x57: {  	[tilespmem:s23+$0x40] =	vst v0  }
0x58: {  	[tilespmem:s23+$0x30] =	vst v0  }
0x59: {  	[tilespmem:s23+$0x20] =	vst v0  }
0x5a: {  	[tilespmem:s23+$0x10] =	vst v0  }
0x5b: {  	[tilespmem:s23+$0x0] =	vst v0  }
0x5c: {  	[tilespmem:s23+$0xFFFFFFF0] =	vst v0  }
0x5d: {  	[tilespmem:s23+$0xFFFFFFE0] =	vst v0  }
0x5e: {  	[tilespmem:s23+$0xFFFFFFD0] =	vst v0  }
0x5f: {  	[tilespmem:s23+$0xFFFFFFC0] =	vst v0  }
0x60: {  	[tilespmem:s23+$0xFFFFFFB0] =	vst v0  }
0x61: {  	[tilespmem:s23+$0xFFFFFFA0] =	vst v0  }
0x62: {  	[tilespmem:s23+$0xFFFFFF90] =	vst v0  }
0x63: {  	s24 =	simm.s32 $0x0;
	[tilespmem:s23+$0xFFFFFF80] =	vst v0  }
.LBB2_8:
0x64: {  	s24 =	sadd.s32 $0x4, s24;
	[tilespmem:s23+$0xFFFFFF70] =	vst v0;
	s23 =	sadd.s32 $0x140, s23  }
0x65: {  	[tilespmem:s23+$0xFFFFFF60] =	vst v0;
	p1 =	slt.u32 s24, $0x4C  }
0x66: {  	[tilespmem:s23+$0x90] =	vst v0  }
0x67: {  	[tilespmem:s23+$0x80] =	vst v0  }
0x68: {  	[tilespmem:s23+$0x70] =	vst v0  }
0x69: {  	[tilespmem:s23+$0x60] =	vst v0  }
0x6a: {  	[tilespmem:s23+$0x50] =	vst v0  }
0x6b: {  	[tilespmem:s23+$0x40] =	vst v0  }
0x6c: {  	[tilespmem:s23+$0x30] =	vst v0  }
0x6d: {  	[tilespmem:s23+$0x20] =	vst v0  }
0x6e: {  	[tilespmem:s23+$0x10] =	vst v0  }
0x6f: {  	[tilespmem:s23+$0x0] =	vst v0  }
0x70: {  	[tilespmem:s23+$0xFFFFFFF0] =	vst v0  }
0x71: {  	[tilespmem:s23+$0xFFFFFFE0] =	vst v0  }
0x72: {  	[tilespmem:s23+$0xFFFFFFD0] =	vst v0  }
.Ltmp3:
0x73: {  	[tilespmem:s23+$0xFFFFFFC0] =	vst v0;
	(pc) =	sbr.rel @p1 .LBB2_8-.Ltmp3, $4  }
0x74: {  	[tilespmem:s23+$0xFFFFFFB0] =	vst v0  }
0x75: {  	[tilespmem:s23+$0xFFFFFFA0] =	vst v0  }
0x76: {  	[tilespmem:s23+$0xFFFFFF90] =	vst v0  }
0x77: {  	[tilespmem:s23+$0xFFFFFF80] =	vst v0  }
0x78: {  	[tilespmem:s23+$0xFFFFFF70] =	vst v0  }
0x79: {  	[spmem:s14] =	stream.linear.scatter [tilespmem:s31], [sflag:$0x5], $0x1900, $0x38;
	[tilespmem:$0x1B990] =	vst v63  }
0x7a: {  	_ =	swait.ge [sflag:s26], $0x1900  }
0x7b: {  	[sflag:s26] =	ssyncset.done $0x0  }
0x7c: {  	s1 =	rddreg [dreg:$0xd];
	[sflag:s26] =	ssyncadd.s32 $0xFFFFE700  }
0x7d: {  	[spmem:s1] =	stream.linear.scatter [tilespmem:s31], [sflag:$0x5], $0x1900, $0x38;
	[tilespmem:$0x1B990] =	vst v63  }
0x7e: {  	_ =	swait.ge [sflag:s26], $0x1900  }
0x7f: {  	[sflag:s26] =	ssyncset.done $0x0  }
0x80: {  	[sflag:s26] =	ssyncadd.s32 $0xFFFFE700  }
0x81: {  	[spmem:s16] =	stream.linear.scatter [tilespmem:s31], [sflag:$0x5], $0x1900, $0x38;
	[tilespmem:$0x1B990] =	vst v63  }
0x82: {  	_ =	swait.ge [sflag:s26], $0x1900  }
0x83: {  	[sflag:s26] =	ssyncset.done $0x0  }
0x84: {  	[sflag:s26] =	ssyncadd.s32 $0xFFFFE700  }
0x85: {  	[spmem:s17] =	stream.linear.scatter [tilespmem:s31], [sflag:$0x5], $0x1900, $0x38;
	[tilespmem:$0x1B990] =	vst v63  }
0x86: {  	_ =	swait.ge [sflag:s26], $0x1900  }
0x87: {  	[sflag:s26] =	ssyncset.done $0x0  }
0x88: {  	[sflag:s26] =	ssyncadd.s32 $0xFFFFE700  }
0x89: {  	[spmem:s18] =	stream.linear.scatter [tilespmem:s31], [sflag:$0x5], $0x1900, $0x38;
	[tilespmem:$0x1B990] =	vst v63  }
0x8a: {  	_ =	swait.ge [sflag:s26], $0x1900  }
0x8b: {  	[sflag:s26] =	ssyncset.done $0x0  }
0x8c: {  	[sflag:s26] =	ssyncadd.s32 $0xFFFFE700  }
0x8d: {  	[spmem:s19] =	stream.linear.scatter [tilespmem:s31], [sflag:$0x5], $0x1900, $0x38;
	[tilespmem:$0x1B990] =	vst v63  }
0x8e: {  	_ =	swait.ge [sflag:s26], $0x1900  }
0x8f: {  	[sflag:s26] =	ssyncset.done $0x0  }
0x90: {  	[sflag:s26] =	ssyncadd.s32 $0xFFFFE700  }
0x91: {  	[spmem:s20] =	stream.linear.scatter [tilespmem:s31], [sflag:$0x5], $0x1900, $0x38;
	[tilespmem:$0x1B990] =	vst v63  }
0x92: {  	_ =	swait.ge [sflag:s26], $0x1900  }
0x93: {  	[sflag:s26] =	ssyncset.done $0x0  }
0x94: {  	[sflag:s26] =	ssyncadd.s32 $0xFFFFE700  }
0x95: {  	[spmem:s21] =	stream.linear.scatter [tilespmem:s31], [sflag:$0x5], $0x1450, $0x38;
	[tilespmem:$0x1B990] =	vst v63  }
0x96: {  	_ =	swait.ge [sflag:s26], $0x1450  }
0x97: {  	[sflag:s26] =	ssyncset.done $0x0  }
0x98: {  	[sflag:s26] =	ssyncadd.s32 $0xFFFFEBB0  }
0x99: {  	[bflag:$0x0] =	sbarrier.arrive $0xFFFF  }
0x9a: {  	[tilespmem:s5], [sflag:$0x1] =	stream.indirect.gather [hbm4b:s9+s0], $0x40, s29, s0, $0xb8;
	[tilespmem:$0x1B990] =	vst v63  }
0x9b: {  	s23 =	simm.s32 $0x4E70  }
0x9c: {  	[tilespmem:s7], [sflag:$0x2] =	stream.indirect.gather [hbm4b:s9+s0], $0x40, s23, s0, $0xb8;
	[tilespmem:$0x1B990] =	vst v63  }
0x9d: {  	_ =	swait.ge [sflag:s8], $0x1400  }
0x9e: {  	[sflag:s8] =	ssyncset.done $0x0  }
0x9f: {  	[sflag:s8] =	ssyncadd.s32 $0xFFFFEC00  }
0xa0: {  	[spmem:s3] =	stream.indirect.scatter.add.f32 [tilespmem:s31], [sflag:$0x3], $0x50, s30, s0, $0xb8;
	[tilespmem:$0x1B990] =	vst v63  }
0xa1: {  	s24 =	simm.s32 $0x4EC0  }
0xa2: {  	[tilespmem:s5], [sflag:$0x1] =	stream.indirect.gather [hbm4b:s9+s0], $0x40, s24, s0, $0xb8;
	[tilespmem:$0x1B990] =	vst v63  }
0xa3: {  	_ =	swait.ge [sflag:s12], $0x1400  }
0xa4: {  	[sflag:s12] =	ssyncset.done $0x0  }
0xa5: {  	s10 =	simm.s32 $0x7580;
	[sflag:s12] =	ssyncadd.s32 $0xFFFFEC00  }
0xa6: {  	[spmem:s3] =	stream.indirect.scatter.add.f32 [tilespmem:s28], [sflag:$0x4], $0x50, s10, s0, $0xb8;
	[tilespmem:$0x1B990] =	vst v63  }
0xa7: {  	s15 =	simm.s32 $0x4F10  }
0xa8: {  	[tilespmem:s7], [sflag:$0x2] =	stream.indirect.gather [hbm4b:s9+s0], $0x40, s15, s0, $0xb8;
	[tilespmem:$0x1B990] =	vst v63  }
0xa9: {  	_ =	swait.ge [sflag:s8], $0x1400  }
0xaa: {  	[sflag:s8] =	ssyncset.done $0x0  }
0xab: {  	[sflag:s8] =	ssyncadd.s32 $0xFFFFEC00  }
0xac: {  	_ =	swait.ge [sflag:s13], $0x1900  }
0xad: {  	[sflag:s13] =	ssyncset.done $0x0  }
0xae: {  	s23 =	simm.s32 $0x75D0;
	[sflag:s13] =	ssyncadd.s32 $0xFFFFE700  }
0xaf: {  	[spmem:s3] =	stream.indirect.scatter.add.f32 [tilespmem:s31], [sflag:$0x3], $0x50, s23, s0, $0xb8;
	[tilespmem:$0x1B990] =	vst v63  }
0xb0: {  	s24 =	simm.s32 $0x4F60  }
0xb1: {  	[tilespmem:s5], [sflag:$0x1] =	stream.indirect.gather [hbm4b:s9+s0], $0x40, s24, s0, $0xb8;
	[tilespmem:$0x1B990] =	vst v63  }
0xb2: {  	_ =	swait.ge [sflag:s12], $0x1400  }
0xb3: {  	[sflag:s12] =	ssyncset.done $0x0  }
0xb4: {  	[sflag:s12] =	ssyncadd.s32 $0xFFFFEC00  }
0xb5: {  	_ =	swait.ge [sflag:s6], $0x1900  }
0xb6: {  	s10 =	simm.s32 $0x7620;
	[sflag:s6] =	ssyncset.done $0x0  }
0xb7: {  	s23 =	simm.s32 $0xFFFFDA80;
	s24 =	simm.s32 $0xFFFF6C80;
	[sflag:s6] =	ssyncadd.s32 $0xFFFFE700  }
.LBB2_10:
0xb8: {  	[spmem:s3] =	stream.indirect.scatter.add.f32 [tilespmem:s28], [sflag:$0x4], $0x50, s10, s0, $0xb8;
	[tilespmem:$0x1B990] =	vst v63  }
0xb9: {  	s1 =	smov.u32 s24  }
0xba: {  	s15 =	sadd.s32 $0x280, s24;
	s10 =	sadd.s32 $0x7530, s23;
	s1 =	sshra.s32 s1, $0x2  }
0xbb: {  	[tilespmem:s7], [sflag:$0x2] =	stream.indirect.gather [hbm4b:s9+s0], $0x40, s10, s0, $0xb8;
	[tilespmem:$0x1B990] =	vst v63  }
0xbc: {  	p1 =	sne.s32 s24, $0xFFFFFD80;
	_ =	swait.ge [sflag:s8], $0x1400  }
0xbd: {  	[sflag:s8] =	ssyncset.done $0x0  }
0xbe: {  	[sflag:s8] =	ssyncadd.s32 $0xFFFFEC00  }
0xbf: {  	_ =	swait.ge [sflag:s13], $0x1900  }
0xc0: {  	[sflag:s13] =	ssyncset.done $0x0  }
0xc1: {  	s10 =	sadd.s32 $0x9BF0, s23;
	[sflag:s13] =	ssyncadd.s32 $0xFFFFE700  }
0xc2: {  	[spmem:s3] =	stream.indirect.scatter.add.f32 [tilespmem:s31], [sflag:$0x3], $0x50, s10, s0, $0xb8;
	[tilespmem:$0x1B990] =	vst v63  }
0xc3: {  	s10 =	sadd.s32 $0x7580, s23  }
0xc4: {  	[tilespmem:s5], [sflag:$0x1] =	stream.indirect.gather [hbm4b:s9+s0], $0x40, s10, s0, $0xb8;
	[tilespmem:$0x1B990] =	vst v63  }
0xc5: {  	_ =	swait.ge [sflag:s12], $0x1400  }
.Ltmp4:
0xc6: {  	[sflag:s12] =	ssyncset.done $0x0;
	(pc) =	sbr.rel @p1 .LBB2_10-.Ltmp4, $4  }
0xc7: {  	[sflag:s12] =	ssyncadd.s32 $0xFFFFEC00  }
0xc8: {  	_ =	swait.ge [sflag:s6], $0x1900  }
0xc9: {  	s24 =	smov.u32 s15;
	[sflag:s6] =	ssyncset.done $0x0  }
0xca: {  	s10 =	sadd.s32 $0x9C40, s23;
	s23 =	smov.u32 s1;
	[sflag:s6] =	ssyncadd.s32 $0xFFFFE700  }
.Ltmp5:
0xcb: {  	_ = 	snop;
	(pc) =	sbr.rel .LBB2_11-.Ltmp5, $1  }
0xcc: {  	_ =	sdelay $0x3  }
.LBB2_2:
0xcd: {  	s1 =	rddreg [dreg:$0x5]  }
0xce: {  	[tilespmem:s4], [sflag:$0x5] =	stream.linear.gather [hbm4b:s1+s4], $0x2710, $0x38;
	[tilespmem:$0x1B990] =	vst v63  }
0xcf: {  	_ =	swait.ge [sflag:s26], $0x2710  }
0xd0: {  	[sflag:s26] =	ssyncset.done $0x0  }
0xd1: {  	s10 =	simm.s32 $0x2710;
	s15 =	rddreg [dreg:$0x6];
	[sflag:s26] =	ssyncadd.s32 $0xFFFFD8F0  }
0xd2: {  	[tilespmem:s10], [sflag:$0x5] =	stream.linear.gather [hbm4b:s15+s4], $0x2710, $0x38;
	[tilespmem:$0x1B990] =	vst v63  }
0xd3: {  	_ =	swait.ge [sflag:s26], $0x2710  }
0xd4: {  	[sflag:s26] =	ssyncset.done $0x0  }
0xd5: {  	s23 =	rddreg [dreg:$0xb];
	[sflag:s26] =	ssyncadd.s32 $0xFFFFD8F0  }
0xd6: {  	[tilespmem:s29], [sflag:$0x5] =	stream.linear.gather [hbm4b:s23+s4], $0x2710, $0x38;
	[tilespmem:$0x1B990] =	vst v63  }
0xd7: {  	_ =	swait.ge [sflag:s26], $0x2710  }
0xd8: {  	[sflag:s26] =	ssyncset.done $0x0  }
0xd9: {  	s24 =	rddreg [dreg:$0xc];
	[sflag:s26] =	ssyncadd.s32 $0xFFFFD8F0  }
0xda: {  	[tilespmem:s30], [sflag:$0x5] =	stream.linear.gather [hbm4b:s24+s4], $0x2710, $0x38;
	[tilespmem:$0x1B990] =	vst v63  }
0xdb: {  	_ =	swait.ge [sflag:s26], $0x2710  }
0xdc: {  	[sflag:s26] =	ssyncset.done $0x0  }
0xdd: {  	s23 =	simm.s32 $0xC4E0;
	[sflag:s26] =	ssyncadd.s32 $0xFFFFD8F0  }
0xde: {  	[tilespmem:s23+$0xFFFFFF60] =	vst v0  }
0xdf: {  	[tilespmem:s23+$0x90] =	vst v0  }
0xe0: {  	[tilespmem:s23+$0x80] =	vst v0  }
0xe1: {  	[tilespmem:s23+$0x70] =	vst v0  }
0xe2: {  	[tilespmem:s23+$0x60] =	vst v0  }
0xe3: {  	[tilespmem:s23+$0x50] =	vst v0  }
0xe4: {  	[tilespmem:s23+$0x40] =	vst v0  }
0xe5: {  	[tilespmem:s23+$0x30] =	vst v0  }
0xe6: {  	[tilespmem:s23+$0x20] =	vst v0  }
0xe7: {  	[tilespmem:s23+$0x10] =	vst v0  }
0xe8: {  	[tilespmem:s23+$0x0] =	vst v0  }
0xe9: {  	[tilespmem:s23+$0xFFFFFFF0] =	vst v0  }
0xea: {  	[tilespmem:s23+$0xFFFFFFE0] =	vst v0  }
0xeb: {  	[tilespmem:s23+$0xFFFFFFD0] =	vst v0  }
0xec: {  	[tilespmem:s23+$0xFFFFFFC0] =	vst v0  }
0xed: {  	[tilespmem:s23+$0xFFFFFFB0] =	vst v0  }
0xee: {  	[tilespmem:s23+$0xFFFFFFA0] =	vst v0  }
0xef: {  	[tilespmem:s23+$0xFFFFFF90] =	vst v0  }
0xf0: {  	s24 =	simm.s32 $0x0;
	[tilespmem:s23+$0xFFFFFF80] =	vst v0  }
.LBB2_3:
0xf1: {  	s24 =	sadd.s32 $0x4, s24;
	[tilespmem:s23+$0xFFFFFF70] =	vst v0;
	s23 =	sadd.s32 $0x140, s23  }
0xf2: {  	[tilespmem:s23+$0xFFFFFF60] =	vst v0;
	p1 =	slt.u32 s24, $0x4C  }
0xf3: {  	[tilespmem:s23+$0x90] =	vst v0  }
0xf4: {  	[tilespmem:s23+$0x80] =	vst v0  }
0xf5: {  	[tilespmem:s23+$0x70] =	vst v0  }
0xf6: {  	[tilespmem:s23+$0x60] =	vst v0  }
0xf7: {  	[tilespmem:s23+$0x50] =	vst v0  }
0xf8: {  	[tilespmem:s23+$0x40] =	vst v0  }
0xf9: {  	[tilespmem:s23+$0x30] =	vst v0  }
0xfa: {  	[tilespmem:s23+$0x20] =	vst v0  }
0xfb: {  	[tilespmem:s23+$0x10] =	vst v0  }
0xfc: {  	[tilespmem:s23+$0x0] =	vst v0  }
0xfd: {  	[tilespmem:s23+$0xFFFFFFF0] =	vst v0  }
0xfe: {  	[tilespmem:s23+$0xFFFFFFE0] =	vst v0  }
0xff: {  	[tilespmem:s23+$0xFFFFFFD0] =	vst v0  }
.Ltmp6:
0x100: {  	[tilespmem:s23+$0xFFFFFFC0] =	vst v0;
	(pc) =	sbr.rel @p1 .LBB2_3-.Ltmp6, $4  }
0x101: {  	[tilespmem:s23+$0xFFFFFFB0] =	vst v0  }
0x102: {  	[tilespmem:s23+$0xFFFFFFA0] =	vst v0  }
0x103: {  	[tilespmem:s23+$0xFFFFFF90] =	vst v0  }
0x104: {  	[tilespmem:s23+$0xFFFFFF80] =	vst v0  }
0x105: {  	[tilespmem:s23+$0xFFFFFF70] =	vst v0  }
0x106: {  	[spmem:s14] =	stream.linear.scatter [tilespmem:s31], [sflag:$0x5], $0x1900, $0x38;
	[tilespmem:$0x1B990] =	vst v63  }
0x107: {  	_ =	swait.ge [sflag:s26], $0x1900  }
0x108: {  	[sflag:s26] =	ssyncset.done $0x0  }
0x109: {  	s1 =	rddreg [dreg:$0xd];
	[sflag:s26] =	ssyncadd.s32 $0xFFFFE700  }
0x10a: {  	[spmem:s1] =	stream.linear.scatter [tilespmem:s31], [sflag:$0x5], $0x1900, $0x38;
	[tilespmem:$0x1B990] =	vst v63  }
0x10b: {  	_ =	swait.ge [sflag:s26], $0x1900  }
0x10c: {  	[sflag:s26] =	ssyncset.done $0x0  }
0x10d: {  	[sflag:s26] =	ssyncadd.s32 $0xFFFFE700  }
0x10e: {  	[spmem:s16] =	stream.linear.scatter [tilespmem:s31], [sflag:$0x5], $0x1900, $0x38;
	[tilespmem:$0x1B990] =	vst v63  }
0x10f: {  	_ =	swait.ge [sflag:s26], $0x1900  }
0x110: {  	[sflag:s26] =	ssyncset.done $0x0  }
0x111: {  	[sflag:s26] =	ssyncadd.s32 $0xFFFFE700  }
0x112: {  	[spmem:s17] =	stream.linear.scatter [tilespmem:s31], [sflag:$0x5], $0x1900, $0x38;
	[tilespmem:$0x1B990] =	vst v63  }
0x113: {  	_ =	swait.ge [sflag:s26], $0x1900  }
0x114: {  	[sflag:s26] =	ssyncset.done $0x0  }
0x115: {  	[sflag:s26] =	ssyncadd.s32 $0xFFFFE700  }
0x116: {  	[spmem:s18] =	stream.linear.scatter [tilespmem:s31], [sflag:$0x5], $0x1900, $0x38;
	[tilespmem:$0x1B990] =	vst v63  }
0x117: {  	_ =	swait.ge [sflag:s26], $0x1900  }
0x118: {  	[sflag:s26] =	ssyncset.done $0x0  }
0x119: {  	[sflag:s26] =	ssyncadd.s32 $0xFFFFE700  }
0x11a: {  	[spmem:s19] =	stream.linear.scatter [tilespmem:s31], [sflag:$0x5], $0x1900, $0x38;
	[tilespmem:$0x1B990] =	vst v63  }
0x11b: {  	_ =	swait.ge [sflag:s26], $0x1900  }
0x11c: {  	[sflag:s26] =	ssyncset.done $0x0  }
0x11d: {  	[sflag:s26] =	ssyncadd.s32 $0xFFFFE700  }
0x11e: {  	[spmem:s20] =	stream.linear.scatter [tilespmem:s31], [sflag:$0x5], $0x1900, $0x38;
	[tilespmem:$0x1B990] =	vst v63  }
0x11f: {  	_ =	swait.ge [sflag:s26], $0x1900  }
0x120: {  	[sflag:s26] =	ssyncset.done $0x0  }
0x121: {  	[sflag:s26] =	ssyncadd.s32 $0xFFFFE700  }
0x122: {  	[spmem:s21] =	stream.linear.scatter [tilespmem:s31], [sflag:$0x5], $0x1450, $0x38;
	[tilespmem:$0x1B990] =	vst v63  }
0x123: {  	_ =	swait.ge [sflag:s26], $0x1450  }
0x124: {  	[sflag:s26] =	ssyncset.done $0x0  }
0x125: {  	[sflag:s26] =	ssyncadd.s32 $0xFFFFEBB0  }
0x126: {  	[bflag:$0x0] =	sbarrier.arrive $0xFFFF  }
0x127: {  	[tilespmem:s5], [sflag:$0x1] =	stream.indirect.gather [hbm4b:s2+s0], $0x40, s29, s0, $0xb8;
	[tilespmem:$0x1B990] =	vst v63  }
0x128: {  	s24 =	simm.s32 $0x4E70  }
0x129: {  	[tilespmem:s7], [sflag:$0x2] =	stream.indirect.gather [hbm4b:s2+s0], $0x40, s24, s0, $0xb8;
	[tilespmem:$0x1B990] =	vst v63  }
0x12a: {  	_ =	swait.ge [sflag:s8], $0x1400  }
0x12b: {  	[sflag:s8] =	ssyncset.done $0x0  }
0x12c: {  	[sflag:s8] =	ssyncadd.s32 $0xFFFFEC00  }
0x12d: {  	[spmem:s3] =	stream.indirect.scatter.add.f32 [tilespmem:s31], [sflag:$0x3], $0x50, s30, s0, $0xb8;
	[tilespmem:$0x1B990] =	vst v63  }
0x12e: {  	s10 =	simm.s32 $0x4EC0  }
0x12f: {  	[tilespmem:s5], [sflag:$0x1] =	stream.indirect.gather [hbm4b:s2+s0], $0x40, s10, s0, $0xb8;
	[tilespmem:$0x1B990] =	vst v63  }
0x130: {  	_ =	swait.ge [sflag:s12], $0x1400  }
0x131: {  	[sflag:s12] =	ssyncset.done $0x0  }
0x132: {  	s15 =	simm.s32 $0x7580;
	[sflag:s12] =	ssyncadd.s32 $0xFFFFEC00  }
0x133: {  	[spmem:s3] =	stream.indirect.scatter.add.f32 [tilespmem:s28], [sflag:$0x4], $0x50, s15, s0, $0xb8;
	[tilespmem:$0x1B990] =	vst v63  }
0x134: {  	s10 =	simm.s32 $0x4F10  }
0x135: {  	[tilespmem:s7], [sflag:$0x2] =	stream.indirect.gather [hbm4b:s2+s0], $0x40, s10, s0, $0xb8;
	[tilespmem:$0x1B990] =	vst v63  }
0x136: {  	_ =	swait.ge [sflag:s8], $0x1400  }
0x137: {  	[sflag:s8] =	ssyncset.done $0x0  }
0x138: {  	[sflag:s8] =	ssyncadd.s32 $0xFFFFEC00  }
0x139: {  	_ =	swait.ge [sflag:s13], $0x1900  }
0x13a: {  	[sflag:s13] =	ssyncset.done $0x0  }
0x13b: {  	s23 =	simm.s32 $0x75D0;
	[sflag:s13] =	ssyncadd.s32 $0xFFFFE700  }
0x13c: {  	[spmem:s3] =	stream.indirect.scatter.add.f32 [tilespmem:s31], [sflag:$0x3], $0x50, s23, s0, $0xb8;
	[tilespmem:$0x1B990] =	vst v63  }
0x13d: {  	s24 =	simm.s32 $0x4F60  }
0x13e: {  	[tilespmem:s5], [sflag:$0x1] =	stream.indirect.gather [hbm4b:s2+s0], $0x40, s24, s0, $0xb8;
	[tilespmem:$0x1B990] =	vst v63  }
0x13f: {  	_ =	swait.ge [sflag:s12], $0x1400  }
0x140: {  	[sflag:s12] =	ssyncset.done $0x0  }
0x141: {  	[sflag:s12] =	ssyncadd.s32 $0xFFFFEC00  }
0x142: {  	_ =	swait.ge [sflag:s6], $0x1900  }
0x143: {  	s10 =	simm.s32 $0x7620;
	[sflag:s6] =	ssyncset.done $0x0  }
0x144: {  	s23 =	simm.s32 $0xFFFFDA80;
	s24 =	simm.s32 $0xFFFF6C80;
	[sflag:s6] =	ssyncadd.s32 $0xFFFFE700  }
.LBB2_5:
0x145: {  	[spmem:s3] =	stream.indirect.scatter.add.f32 [tilespmem:s28], [sflag:$0x4], $0x50, s10, s0, $0xb8;
	[tilespmem:$0x1B990] =	vst v63  }
0x146: {  	s10 =	smov.u32 s24  }
0x147: {  	s15 =	sadd.s32 $0x280, s24;
	s1 =	sshra.s32 s10, $0x2;
	s10 =	sadd.s32 $0x7530, s23  }
0x148: {  	[tilespmem:s7], [sflag:$0x2] =	stream.indirect.gather [hbm4b:s2+s0], $0x40, s10, s0, $0xb8;
	[tilespmem:$0x1B990] =	vst v63  }
0x149: {  	p1 =	seq.s32 s24, $0xFFFFFD80;
	_ =	swait.ge [sflag:s8], $0x1400  }
0x14a: {  	[sflag:s8] =	ssyncset.done $0x0  }
0x14b: {  	[sflag:s8] =	ssyncadd.s32 $0xFFFFEC00  }
0x14c: {  	_ =	swait.ge [sflag:s13], $0x1900  }
0x14d: {  	[sflag:s13] =	ssyncset.done $0x0  }
0x14e: {  	s10 =	sadd.s32 $0x9BF0, s23;
	[sflag:s13] =	ssyncadd.s32 $0xFFFFE700  }
0x14f: {  	[spmem:s3] =	stream.indirect.scatter.add.f32 [tilespmem:s31], [sflag:$0x3], $0x50, s10, s0, $0xb8;
	[tilespmem:$0x1B990] =	vst v63  }
0x150: {  	s10 =	sadd.s32 $0x7580, s23  }
0x151: {  	[tilespmem:s5], [sflag:$0x1] =	stream.indirect.gather [hbm4b:s2+s0], $0x40, s10, s0, $0xb8;
	[tilespmem:$0x1B990] =	vst v63  }
0x152: {  	_ =	swait.ge [sflag:s12], $0x1400  }
.Ltmp7:
0x153: {  	[sflag:s12] =	ssyncset.done $0x0;
	(pc) =	sbr.rel @!p1 .LBB2_5-.Ltmp7, $4  }
0x154: {  	[sflag:s12] =	ssyncadd.s32 $0xFFFFEC00  }
0x155: {  	_ =	swait.ge [sflag:s6], $0x1900  }
0x156: {  	s24 =	smov.u32 s15;
	[sflag:s6] =	ssyncset.done $0x0  }
0x157: {  	s10 =	sadd.s32 $0x9C40, s23;
	s23 =	smov.u32 s1;
	[sflag:s6] =	ssyncadd.s32 $0xFFFFE700  }
0x158: {  	[spmem:s3] =	stream.indirect.scatter.add.f32 [tilespmem:s28], [sflag:$0x4], $0x50, s10, s0, $0xb8;
	[tilespmem:$0x1B990] =	vst v63  }
0x159: {  	s1 =	sadd.s32 $0x7530, s23  }
0x15a: {  	[tilespmem:s7], [sflag:$0x2] =	stream.indirect.gather [hbm4b:s2+s0], $0x40, s1, s0, $0xb8;
	[tilespmem:$0x1B990] =	vst v63  }
0x15b: {  	_ =	swait.ge [sflag:s8], $0x1400  }
0x15c: {  	[sflag:s8] =	ssyncset.done $0x0  }
0x15d: {  	[sflag:s8] =	ssyncadd.s32 $0xFFFFEC00  }
0x15e: {  	_ =	swait.ge [sflag:s13], $0x1900  }
0x15f: {  	[sflag:s13] =	ssyncset.done $0x0  }
0x160: {  	s10 =	sadd.s32 $0x9BF0, s23;
	[sflag:s13] =	ssyncadd.s32 $0xFFFFE700  }
0x161: {  	[spmem:s3] =	stream.indirect.scatter.add.f32 [tilespmem:s31], [sflag:$0x3], $0x50, s10, s0, $0xb8;
	[tilespmem:$0x1B990] =	vst v63  }
0x162: {  	s15 =	sadd.s32 $0x7580, s23  }
0x163: {  	[tilespmem:s5], [sflag:$0x1] =	stream.indirect.gather [hbm4b:s2+s0], $0x40, s15, s0, $0xb8;
	[tilespmem:$0x1B990] =	vst v63  }
0x164: {  	_ =	swait.ge [sflag:s12], $0x1400  }
0x165: {  	[sflag:s12] =	ssyncset.done $0x0  }
.Ltmp8:
0x166: {  	[sflag:s12] =	ssyncadd.s32 $0xFFFFEC00;
	(pc) =	sbr.rel .LBB2_12-.Ltmp8, $4  }
0x167: {  	_ =	swait.ge [sflag:s6], $0x1900  }
0x168: {  	[sflag:s6] =	ssyncset.done $0x0  }
0x169: {  	s24 =	sadd.s32 $0x9C40, s23;
	s23 =	rddreg [dreg:$0x9];
	[sflag:s6] =	ssyncadd.s32 $0xFFFFE700  }
0x16a: {  	[spmem:s3] =	stream.indirect.scatter.add.f32 [tilespmem:s28], [sflag:$0x4], $0x50, s24, s0, $0xb8;
	[tilespmem:$0x1B990] =	vst v63  }
.LBB2_13:
0x16b: {  	_ =	sfence.sel $0x180000  }
0x16c: {  	[bflag:$0x0] =	sbarrier.arrive $0xFFFF  }
0x16d: {  	_ =	strace $0x90000047  }
0x16e: {  	s0 =	stileid.u32;
	[bflag:$0x2] =	sbarrier.arrive $0xFFFF  }
0x16f: {  	p0 =	sne.s32 s0, $0x0;
	s0 =	rddreg [dreg:$0x4]  }
0x170: {  	s0 =	sadd.s32 @!p0 $0x100000, s0  }
0x171: {  	[sflag:s0] =	ssyncadd.tile.s32 @!p0 $0x1;
	_ =	shalt  }
.Lfunc_end2:
_tile_overlayer_lowered:
.L_overlay_start_2:
0x172: {  	(tag) =	ssettag $0x2  }
0x173: {  	s0 =	rddreg [dreg:$0x0];
	s2 =	stileid.u32  }
0x174: {  	s1 =	rddreg [dreg:$0x1];
	p0 =	sne.s32 s2, $0x0  }
0x175: {  	s3 =	rddreg [dreg:$0x2];
	[bflag:$0x3] =	sbarrier.arrive $0xFFFF;
	s2 =	simm.s32 @!p0 $0x1C05  }
0x176: {  	[timem:s3], [sflag:s2] =	dma.local @!p0 [hbm:s0], s1  }
0x177: {  	s0 =	simm.s32 @!p0 $0x5  }
0x178: {  	_ =	swait.ge @!p0 [sflag:s0], s1  }
0x179: {  	s1 =	ssub.s32 @!p0 $0x0, s1;
	[sflag:s0] =	ssyncset.done @!p0 $0x0  }
0x17a: {  	[sflag:s0] =	ssyncadd.s32 @!p0 s1  }
0x17b: {  	[bflag:$0x3] =	sbarrier.arrive $0xFFFF  }
0x17c: {  	_ =	shalt  }

</sc_bundles>
